<compile_context>
chip_gen: v7x
topology: tpu7x:2x2x1
jax: 0.10.2.dev20260603
libtpu: 0.0.44.dev20260713+nightly
codegen_flags: <defaults>
</compile_context>

<pallas_src>
import jax
import jax.numpy as jnp
from jax import lax
from jax.experimental import pallas as pl
from jax.experimental.pallas import tpu as pltpu
from jax.experimental.pallas import tpu_sc as plsc

B = 16384
F = 32
L = 16

_info = plsc.get_sparse_core_info()
NC, NS = _info.num_cores, _info.num_subcores
NW = NC * NS
B_PER_W = B // NW
WAVE = 4
NG16 = B_PER_W // L
IDX_PAD = B_PER_W + L


def _gmf_kernel(eu_hbm, ei_hbm, user_hbm, item_hbm, w_hbm, b_hbm, out_hbm,
                uidx_v, iidx_v, eu_sb, ei_sb, out_v, w_v, b_v, sem):
    wid = lax.axis_index("s") * NC + lax.axis_index("c")
    base = wid * B_PER_W

    pltpu.sync_copy(w_hbm, w_v)
    pltpu.sync_copy(b_hbm, b_v)
    pltpu.sync_copy(user_hbm.at[pl.ds(base, B_PER_W)],
                    uidx_v.at[pl.ds(0, B_PER_W)])
    pltpu.sync_copy(item_hbm.at[pl.ds(base, B_PER_W)],
                    iidx_v.at[pl.ds(0, B_PER_W)])

    lane = lax.iota(jnp.int32, L)

    w_lo = w_v[0, pl.ds(0, L)]
    w_hi = w_v[0, pl.ds(L, L)]
    bias_v = b_v[...]
    zeros = jnp.zeros((L,), jnp.int32)
    f_lo = lane
    f_hi = lane + L

    def fire(w, p, qu, qi):
        for jj in range(WAVE):
            pltpu.async_copy(
                eu_hbm.at[:, pl.ds(pl.multiple_of(qu[w * WAVE + jj], 128), 128)],
                eu_sb.at[p, jj], sem,
            )
            pltpu.async_copy(
                ei_hbm.at[:, pl.ds(pl.multiple_of(qi[w * WAVE + jj], 128), 128)],
                ei_sb.at[p, jj], sem,
            )

    def drain(w, p, qu, qi):
        for jj in range(WAVE):
            pltpu.make_async_copy(
                eu_hbm.at[:, pl.ds(pl.multiple_of(qu[w * WAVE + jj], 128), 128)],
                eu_sb.at[p, jj], sem,
            ).wait()
            pltpu.make_async_copy(
                ei_hbm.at[:, pl.ds(pl.multiple_of(qi[w * WAVE + jj], 128), 128)],
                ei_sb.at[p, jj], sem,
            ).wait()

    def process(w, p, cu, ci, acc):
        for jj in range(WAVE):
            p_vec = jnp.full((L,), p, jnp.int32)
            jj_vec = jnp.full((L,), jj, jnp.int32)
            cu_vec = zeros + cu[w * WAVE + jj]
            ci_vec = zeros + ci[w * WAVE + jj]
            eu_l = plsc.load_gather(eu_sb, [p_vec, jj_vec, f_lo, cu_vec])
            eu_h = plsc.load_gather(eu_sb, [p_vec, jj_vec, f_hi, cu_vec])
            ei_l = plsc.load_gather(ei_sb, [p_vec, jj_vec, f_lo, ci_vec])
            ei_h = plsc.load_gather(ei_sb, [p_vec, jj_vec, f_hi, ci_vec])
            t = (eu_l * ei_l) * w_lo + (eu_h * ei_h) * w_hi
            acc = jnp.where(lane == w * WAVE + jj, acc + jnp.sum(t), acc)
        return acc

    def group16(g16, _):
        iu = uidx_v[pl.ds(g16 * L, L)]
        ii = iidx_v[pl.ds(g16 * L, L)]
        qu = (iu >> 7) * 128
        cu = iu & 127
        qi = (ii >> 7) * 128
        ci = ii & 127
        acc = bias_v
        fire(0, 0, qu, qi)
        fire(1, 1, qu, qi)
        fire(2, 2, qu, qi)
        drain(0, 0, qu, qi)
        acc = process(0, 0, cu, ci, acc)
        fire(3, 0, qu, qi)
        drain(1, 1, qu, qi)
        acc = process(1, 1, cu, ci, acc)
        drain(2, 2, qu, qi)
        acc = process(2, 2, cu, ci, acc)
        drain(3, 0, qu, qi)
        acc = process(3, 0, cu, ci, acc)
        out_v[pl.ds(g16 * L, L)] = acc
        return 0

    lax.fori_loop(0, NG16, group16, 0)

    pltpu.sync_copy(out_v, out_hbm.at[pl.ds(base, B_PER_W)])


def kernel(user, item, embed_user, embed_item, W, b):
    mesh = plsc.VectorSubcoreMesh(core_axis_name="c", subcore_axis_name="s")
    run = pl.kernel(
        _gmf_kernel,
        mesh=mesh,
        compiler_params=pltpu.CompilerParams(
            needs_layout_passes=False, use_tc_tiling_on_sc=True
        ),
        out_type=jax.ShapeDtypeStruct((B,), jnp.float32),
        scratch_types=[
            pltpu.VMEM((IDX_PAD,), jnp.int32),
            pltpu.VMEM((IDX_PAD,), jnp.int32),
            pltpu.VMEM((3, WAVE, F, 128), jnp.float32),
            pltpu.VMEM((3, WAVE, F, 128), jnp.float32),
            pltpu.VMEM((B_PER_W,), jnp.float32),
            pltpu.VMEM((1, F), jnp.float32),
            pltpu.VMEM((L,), jnp.float32),
            pltpu.SemaphoreType.DMA,
        ],
    )
    b16 = jnp.broadcast_to(b.astype(jnp.float32), (L,))
    return run(embed_user.T, embed_item.T, user, item, W, b16)

# --- scband reference (transcript-rebuilt; emitter-appended) ---
"""Pipeline reference for scband-gmf-91311004713482 (READ-ONLY COPY).

The authoritative reference and input builder live on the scoring server;
editing this copy changes nothing except your own understanding.
"""

import jax, jax.numpy as jnp
import numpy as np

NUM_USER = 1000000
NUM_ITEM = 1000000
NUM_FACTOR = 32
BATCH = 16384

def setup_inputs(seed: int = 0) -> dict:
    key = jax.random.key(seed)
    k1, k2, k3, k4, k5 = jax.random.split(key, 5)
    user = jax.random.randint(k1, (BATCH,), 0, NUM_USER, dtype=jnp.int64 if jax.config.jax_enable_x64 else jnp.int32).astype(jnp.int32)
    item = jax.random.randint(k2, (BATCH,), 0, NUM_ITEM, dtype=jnp.int32)
    embed_user = jax.random.normal(k3, (NUM_USER, NUM_FACTOR), dtype=jnp.float32) * 0.01
    embed_item = jax.random.normal(k4, (NUM_ITEM, NUM_FACTOR), dtype=jnp.float32) * 0.01
    # kaiming uniform for predict layer (fan_in = NUM_FACTOR, a=1)
    bound = float(np.sqrt(6.0 / ((1.0 + 1.0**2) * NUM_FACTOR)))
    W = jax.random.uniform(k5, (1, NUM_FACTOR), dtype=jnp.float32, minval=-bound, maxval=bound)
    b = jnp.zeros((1,), dtype=jnp.float32)
    return {"user": user, "item": item, "embed_user": embed_user, "embed_item": embed_item, "W": W, "b": b}

def reference(user, item, embed_user, embed_item, W, b):
    # embedding lookups (gather)
    eu = jnp.take(embed_user, user, axis=0)  # [B, F]
    ei = jnp.take(embed_item, item, axis=0)  # [B, F]
    output_gmf = eu * ei                      # [B, F]
    prediction = output_gmf @ W.T + b         # [B, 1]
    return prediction.reshape(-1)             # [B]

if __name__ == "__main__":
    import jax
    _d = setup_inputs()
    print(jax.jit(kernel)(*tuple(_d.values())))

</pallas_src>

<mosaic_0001>
#map = affine_map<(d0, d1) -> (0, 0)>
#map1 = affine_map<(d0, d1) -> (0)>
module attributes {stable_mosaic.version = 14 : i64} {
  func.func @_gmf_kernel(%arg0: i32, %arg1: i32, %arg2: memref<32x1000000xf32, #tpu.memory_space<hbm>>, %arg3: memref<32x1000000xf32, #tpu.memory_space<hbm>>, %arg4: memref<16384xi32, #tpu.memory_space<hbm>>, %arg5: memref<16384xi32, #tpu.memory_space<hbm>>, %arg6: memref<1x32xf32, #tpu.memory_space<hbm>>, %arg7: memref<16xf32, #tpu.memory_space<hbm>>, %arg8: memref<16384xf32, #tpu.memory_space<hbm>>, %arg9: memref<528xi32, #tpu.memory_space<vmem>>, %arg10: memref<528xi32, #tpu.memory_space<vmem>>, %arg11: memref<3x4x32x128xf32, #tpu.memory_space<vmem>>, %arg12: memref<3x4x32x128xf32, #tpu.memory_space<vmem>>, %arg13: memref<512xf32, #tpu.memory_space<vmem>>, %arg14: memref<1x32xf32, #tpu.memory_space<vmem>>, %arg15: memref<16xf32, #tpu.memory_space<vmem>>, %arg16: memref<!tpu.dma_semaphore, #tpu.memory_space<semaphore_mem>>) attributes {dimension_semantics = [#tpu.dimension_semantics<core_parallel>, #tpu.dimension_semantics<subcore_parallel>], iteration_bounds = array<i64: 2, 16>, scalar_prefetch = 0 : i64, scratch_operands = 8 : i64, tpu.core_type = #tpu.core_type<sc_vector_subcore>, window_params = [{transform_indices = #map}, {transform_indices = #map}, {transform_indices = #map1}, {transform_indices = #map1}, {transform_indices = #map}, {transform_indices = #map1}, {transform_indices = #map1}]} {
    %mul3A = arith.constant 2 : i32
    %mul3A_0 = arith.muli %arg1, %mul3A : i32
    %add3A = arith.addi %mul3A_0, %arg0 : i32
    %mul3A_1 = arith.constant 512 : i32
    %mul3A_2 = arith.muli %add3A, %mul3A_1 : i32
    "tpu.region"() ({
      %run_scoped3A = tpu.sem_alloc : memref<!tpu.dma_semaphore, #tpu.memory_space<semaphore_mem>>
      tpu.enqueue_dma source(%arg6 : memref<1x32xf32, #tpu.memory_space<hbm>>) target(%arg14 : memref<1x32xf32, #tpu.memory_space<vmem>>) target_semaphore(%run_scoped3A : memref<!tpu.dma_semaphore, #tpu.memory_space<semaphore_mem>>)
      tpu.wait_dma2 semaphore(%run_scoped3A : memref<!tpu.dma_semaphore, #tpu.memory_space<semaphore_mem>>) src(%arg6 : memref<1x32xf32, #tpu.memory_space<hbm>>) dst(%arg14 : memref<1x32xf32, #tpu.memory_space<vmem>>)
      tpu.yield
    }) : () -> ()
    "tpu.region"() ({
      %run_scoped3A = tpu.sem_alloc : memref<!tpu.dma_semaphore, #tpu.memory_space<semaphore_mem>>
      tpu.enqueue_dma source(%arg7 : memref<16xf32, #tpu.memory_space<hbm>>) target(%arg15 : memref<16xf32, #tpu.memory_space<vmem>>) target_semaphore(%run_scoped3A : memref<!tpu.dma_semaphore, #tpu.memory_space<semaphore_mem>>)
      tpu.wait_dma2 semaphore(%run_scoped3A : memref<!tpu.dma_semaphore, #tpu.memory_space<semaphore_mem>>) src(%arg7 : memref<16xf32, #tpu.memory_space<hbm>>) dst(%arg15 : memref<16xf32, #tpu.memory_space<vmem>>)
      tpu.yield
    }) : () -> ()
    "tpu.region"() ({
      %run_scoped3A = tpu.sem_alloc : memref<!tpu.dma_semaphore, #tpu.memory_space<semaphore_mem>>
      %dma_start3A = arith.constant 0 : i32
      %dma_start3A_22 = tpu.memref_slice %arg9[%dma_start3A] : memref<528xi32, #tpu.memory_space<vmem>> -> memref<512xi32, #tpu.memory_space<vmem>>
      %dma_start3A_23 = tpu.memref_slice %arg4[%mul3A_2] : memref<16384xi32, #tpu.memory_space<hbm>> -> memref<512xi32, #tpu.memory_space<hbm>>
      %dma_start3A_24 = arith.constant 0 : i32
      %dma_start3A_25 = tpu.memref_slice %arg9[%dma_start3A_24] : memref<528xi32, #tpu.memory_space<vmem>> -> memref<512xi32, #tpu.memory_space<vmem>>
      %dma_start3A_26 = tpu.memref_slice %arg4[%mul3A_2] : memref<16384xi32, #tpu.memory_space<hbm>> -> memref<512xi32, #tpu.memory_space<hbm>>
      tpu.enqueue_dma source(%dma_start3A_26 : memref<512xi32, #tpu.memory_space<hbm>>) target(%dma_start3A_25 : memref<512xi32, #tpu.memory_space<vmem>>) target_semaphore(%run_scoped3A : memref<!tpu.dma_semaphore, #tpu.memory_space<semaphore_mem>>)
      %dma_wait3A = arith.constant 0 : i32
      %dma_wait3A_27 = tpu.memref_slice %arg9[%dma_wait3A] : memref<528xi32, #tpu.memory_space<vmem>> -> memref<512xi32, #tpu.memory_space<vmem>>
      %dma_wait3A_28 = tpu.memref_slice %arg4[%mul3A_2] : memref<16384xi32, #tpu.memory_space<hbm>> -> memref<512xi32, #tpu.memory_space<hbm>>
      %dma_wait3A_29 = arith.constant 0 : i32
      %dma_wait3A_30 = tpu.memref_slice %arg9[%dma_wait3A_29] : memref<528xi32, #tpu.memory_space<vmem>> -> memref<512xi32, #tpu.memory_space<vmem>>
      %dma_wait3A_31 = tpu.memref_slice %arg4[%mul3A_2] : memref<16384xi32, #tpu.memory_space<hbm>> -> memref<512xi32, #tpu.memory_space<hbm>>
      tpu.wait_dma2 semaphore(%run_scoped3A : memref<!tpu.dma_semaphore, #tpu.memory_space<semaphore_mem>>) src(%dma_wait3A_31 : memref<512xi32, #tpu.memory_space<hbm>>) dst(%dma_wait3A_30 : memref<512xi32, #tpu.memory_space<vmem>>)
      tpu.yield
    }) : () -> ()
    "tpu.region"() ({
      %run_scoped3A = tpu.sem_alloc : memref<!tpu.dma_semaphore, #tpu.memory_space<semaphore_mem>>
      %dma_start3A = arith.constant 0 : i32
      %dma_start3A_22 = tpu.memref_slice %arg10[%dma_start3A] : memref<528xi32, #tpu.memory_space<vmem>> -> memref<512xi32, #tpu.memory_space<vmem>>
      %dma_start3A_23 = tpu.memref_slice %arg5[%mul3A_2] : memref<16384xi32, #tpu.memory_space<hbm>> -> memref<512xi32, #tpu.memory_space<hbm>>
      %dma_start3A_24 = arith.constant 0 : i32
      %dma_start3A_25 = tpu.memref_slice %arg10[%dma_start3A_24] : memref<528xi32, #tpu.memory_space<vmem>> -> memref<512xi32, #tpu.memory_space<vmem>>
      %dma_start3A_26 = tpu.memref_slice %arg5[%mul3A_2] : memref<16384xi32, #tpu.memory_space<hbm>> -> memref<512xi32, #tpu.memory_space<hbm>>
      tpu.enqueue_dma source(%dma_start3A_26 : memref<512xi32, #tpu.memory_space<hbm>>) target(%dma_start3A_25 : memref<512xi32, #tpu.memory_space<vmem>>) target_semaphore(%run_scoped3A : memref<!tpu.dma_semaphore, #tpu.memory_space<semaphore_mem>>)
      %dma_wait3A = arith.constant 0 : i32
      %dma_wait3A_27 = tpu.memref_slice %arg10[%dma_wait3A] : memref<528xi32, #tpu.memory_space<vmem>> -> memref<512xi32, #tpu.memory_space<vmem>>
      %dma_wait3A_28 = tpu.memref_slice %arg5[%mul3A_2] : memref<16384xi32, #tpu.memory_space<hbm>> -> memref<512xi32, #tpu.memory_space<hbm>>
      %dma_wait3A_29 = arith.constant 0 : i32
      %dma_wait3A_30 = tpu.memref_slice %arg10[%dma_wait3A_29] : memref<528xi32, #tpu.memory_space<vmem>> -> memref<512xi32, #tpu.memory_space<vmem>>
      %dma_wait3A_31 = tpu.memref_slice %arg5[%mul3A_2] : memref<16384xi32, #tpu.memory_space<hbm>> -> memref<512xi32, #tpu.memory_space<hbm>>
      tpu.wait_dma2 semaphore(%run_scoped3A : memref<!tpu.dma_semaphore, #tpu.memory_space<semaphore_mem>>) src(%dma_wait3A_31 : memref<512xi32, #tpu.memory_space<hbm>>) dst(%dma_wait3A_30 : memref<512xi32, #tpu.memory_space<vmem>>)
      tpu.yield
    }) : () -> ()
    %iota3A = tpu.iota {dimensions = array<i32: 0>} : vector<16xi32>
    %get3A = arith.constant 0 : i32
    %get3A_3 = arith.index_cast %get3A : i32 to index
    %get3A_4 = arith.constant 0 : index
    %get3A_5 = tpu.vector_load %arg14[%get3A_3, %get3A_4] {strides = array<i32>} : memref<1x32xf32, #tpu.memory_space<vmem>>, vector<16xf32>,
    %get3A_6 = arith.constant 0 : i32
    %get3A_7 = arith.index_cast %get3A_6 : i32 to index
    %get3A_8 = arith.constant 16 : index
    %get3A_9 = tpu.vector_load %arg14[%get3A_7, %get3A_8] {strides = array<i32>} : memref<1x32xf32, #tpu.memory_space<vmem>>, vector<16xf32>,
    %get3A_10 = arith.constant 0 : index
    %get3A_11 = tpu.vector_load %arg15[%get3A_10] {strides = array<i32>} : memref<16xf32, #tpu.memory_space<vmem>>, vector<16xf32>,
    %broadcast_in_dim3A = arith.constant 0 : i32
    %broadcast_in_dim3A_12 = vector.broadcast %broadcast_in_dim3A : i32 to vector<16xi32>
    %add3A_13 = arith.constant 16 : i32
    %add3A_14 = vector.broadcast %add3A_13 : i32 to vector<16xi32>
    %add3A_15 = arith.addi %iota3A, %add3A_14 : vector<16xi32>
    %scan3A = arith.constant 0 : i32
    %scan3A_16 = arith.constant 0 : i32
    %scan3A_17 = arith.constant 32 : i32
    %scan3A_18 = arith.addi %scan3A_16, %scan3A_17 : i32
    %scan3A_19 = arith.constant 1 : i32
    %scan3A_20 = scf.for %scan3A_22 = %scan3A_16 to %scan3A_18 step %scan3A_19 iter_args(%scan3A_23 = %scan3A) -> (i32)  : i32 {
      %mul3A_24 = arith.constant 16 : i32
      %mul3A_25 = arith.muli %scan3A_22, %mul3A_24 : i32
      %get3A_26 = arith.index_cast %mul3A_25 : i32 to index
      %get3A_27 = tpu.vector_load %arg9[%get3A_26] {strides = array<i32>} : memref<528xi32, #tpu.memory_space<vmem>>, vector<16xi32>,
      %mul3A_28 = arith.constant 16 : i32
      %mul3A_29 = arith.muli %scan3A_22, %mul3A_28 : i32
      %get3A_30 = arith.index_cast %mul3A_29 : i32 to index
      %get3A_31 = tpu.vector_load %arg10[%get3A_30] {strides = array<i32>} : memref<528xi32, #tpu.memory_space<vmem>>, vector<16xi32>,
      %shift_right_arithmetic3A = arith.constant 7 : i32
      %shift_right_arithmetic3A_32 = vector.broadcast %shift_right_arithmetic3A : i32 to vector<16xi32>
      %shift_right_arithmetic3A_33 = arith.shrsi %get3A_27, %shift_right_arithmetic3A_32 : vector<16xi32>
      %mul3A_34 = arith.constant 128 : i32
      %mul3A_35 = vector.broadcast %mul3A_34 : i32 to vector<16xi32>
      %mul3A_36 = arith.muli %shift_right_arithmetic3A_33, %mul3A_35 : vector<16xi32>
      %and3A = arith.constant 127 : i32
      %and3A_37 = vector.broadcast %and3A : i32 to vector<16xi32>
      %and3A_38 = arith.andi %get3A_27, %and3A_37 : vector<16xi32>
      %shift_right_arithmetic3A_39 = arith.constant 7 : i32
      %shift_right_arithmetic3A_40 = vector.broadcast %shift_right_arithmetic3A_39 : i32 to vector<16xi32>
      %shift_right_arithmetic3A_41 = arith.shrsi %get3A_31, %shift_right_arithmetic3A_40 : vector<16xi32>
      %mul3A_42 = arith.constant 128 : i32
      %mul3A_43 = vector.broadcast %mul3A_42 : i32 to vector<16xi32>
      %mul3A_44 = arith.muli %shift_right_arithmetic3A_41, %mul3A_43 : vector<16xi32>
      %and3A_45 = arith.constant 127 : i32
      %and3A_46 = vector.broadcast %and3A_45 : i32 to vector<16xi32>
      %and3A_47 = arith.andi %get3A_31, %and3A_46 : vector<16xi32>
      %slice3A = vector.extract_strided_slice %mul3A_36 {offsets = [0], sizes = [1], strides = [1]} : vector<16xi32> to vector<1xi32>
      %squeeze3A = vector.extract %slice3A[0] : i32 from vector<1xi32>
      %multiple_of3A = tpu.assume_multiple %squeeze3A, 128 : i32
      %dma_start3A = arith.constant 0 : i32
      %dma_start3A_48 = arith.constant 0 : i32
      %dma_start3A_49 = arith.constant 0 : i32
      %dma_start3A_50 = arith.constant 0 : i32
      %dma_start3A_51 = tpu.memref_slice %arg11[%dma_start3A, %dma_start3A_48, %dma_start3A_49, %dma_start3A_50] : memref<3x4x32x128xf32, #tpu.memory_space<vmem>> -> memref<1x1x32x128xf32, #tpu.memory_space<vmem>>
      %dma_start3A_52 = tpu.memref_squeeze %dma_start3A_51 : memref<1x1x32x128xf32, #tpu.memory_space<vmem>> -> memref<32x128xf32, #tpu.memory_space<vmem>>
      %dma_start3A_53 = arith.constant 0 : i32
      %dma_start3A_54 = tpu.memref_slice %arg2[%dma_start3A_53, %multiple_of3A] : memref<32x1000000xf32, #tpu.memory_space<hbm>> -> memref<32x128xf32, #tpu.memory_space<hbm>>
      %dma_start3A_55 = arith.constant 0 : i32
      %dma_start3A_56 = arith.constant 0 : i32
      %dma_start3A_57 = tpu.memref_slice %arg11[%dma_start3A, %dma_start3A_48, %dma_start3A_55, %dma_start3A_56] : memref<3x4x32x128xf32, #tpu.memory_space<vmem>> -> memref<1x1x32x128xf32, #tpu.memory_space<vmem>>
      %dma_start3A_58 = tpu.memref_squeeze %dma_start3A_57 : memref<1x1x32x128xf32, #tpu.memory_space<vmem>> -> memref<32x128xf32, #tpu.memory_space<vmem>>
      %dma_start3A_59 = arith.constant 0 : i32
      %dma_start3A_60 = tpu.memref_slice %arg2[%dma_start3A_59, %multiple_of3A] : memref<32x1000000xf32, #tpu.memory_space<hbm>> -> memref<32x128xf32, #tpu.memory_space<hbm>>
      tpu.enqueue_dma source(%dma_start3A_60 : memref<32x128xf32, #tpu.memory_space<hbm>>) target(%dma_start3A_58 : memref<32x128xf32, #tpu.memory_space<vmem>>) target_semaphore(%arg16 : memref<!tpu.dma_semaphore, #tpu.memory_space<semaphore_mem>>)
      %slice3A_61 = vector.extract_strided_slice %mul3A_44 {offsets = [0], sizes = [1], strides = [1]} : vector<16xi32> to vector<1xi32>
      %squeeze3A_62 = vector.extract %slice3A_61[0] : i32 from vector<1xi32>
      %multiple_of3A_63 = tpu.assume_multiple %squeeze3A_62, 128 : i32
      %dma_start3A_64 = arith.constant 0 : i32
      %dma_start3A_65 = arith.constant 0 : i32
      %dma_start3A_66 = arith.constant 0 : i32
      %dma_start3A_67 = arith.constant 0 : i32
      %dma_start3A_68 = tpu.memref_slice %arg12[%dma_start3A_64, %dma_start3A_65, %dma_start3A_66, %dma_start3A_67] : memref<3x4x32x128xf32, #tpu.memory_space<vmem>> -> memref<1x1x32x128xf32, #tpu.memory_space<vmem>>
      %dma_start3A_69 = tpu.memref_squeeze %dma_start3A_68 : memref<1x1x32x128xf32, #tpu.memory_space<vmem>> -> memref<32x128xf32, #tpu.memory_space<vmem>>
      %dma_start3A_70 = arith.constant 0 : i32
      %dma_start3A_71 = tpu.memref_slice %arg3[%dma_start3A_70, %multiple_of3A_63] : memref<32x1000000xf32, #tpu.memory_space<hbm>> -> memref<32x128xf32, #tpu.memory_space<hbm>>
      %dma_start3A_72 = arith.constant 0 : i32
      %dma_start3A_73 = arith.constant 0 : i32
      %dma_start3A_74 = tpu.memref_slice %arg12[%dma_start3A_64, %dma_start3A_65, %dma_start3A_72, %dma_start3A_73] : memref<3x4x32x128xf32, #tpu.memory_space<vmem>> -> memref<1x1x32x128xf32, #tpu.memory_space<vmem>>
      %dma_start3A_75 = tpu.memref_squeeze %dma_start3A_74 : memref<1x1x32x128xf32, #tpu.memory_space<vmem>> -> memref<32x128xf32, #tpu.memory_space<vmem>>
      %dma_start3A_76 = arith.constant 0 : i32
      %dma_start3A_77 = tpu.memref_slice %arg3[%dma_start3A_76, %multiple_of3A_63] : memref<32x1000000xf32, #tpu.memory_space<hbm>> -> memref<32x128xf32, #tpu.memory_space<hbm>>
      tpu.enqueue_dma source(%dma_start3A_77 : memref<32x128xf32, #tpu.memory_space<hbm>>) target(%dma_start3A_75 : memref<32x128xf32, #tpu.memory_space<vmem>>) target_semaphore(%arg16 : memref<!tpu.dma_semaphore, #tpu.memory_space<semaphore_mem>>)
      %slice3A_78 = vector.extract_strided_slice %mul3A_36 {offsets = [1], sizes = [1], strides = [1]} : vector<16xi32> to vector<1xi32>
      %squeeze3A_79 = vector.extract %slice3A_78[0] : i32 from vector<1xi32>
      %multiple_of3A_80 = tpu.assume_multiple %squeeze3A_79, 128 : i32
      %dma_start3A_81 = arith.constant 0 : i32
      %dma_start3A_82 = arith.constant 1 : i32
      %dma_start3A_83 = arith.constant 0 : i32
      %dma_start3A_84 = arith.constant 0 : i32
      %dma_start3A_85 = tpu.memref_slice %arg11[%dma_start3A_81, %dma_start3A_82, %dma_start3A_83, %dma_start3A_84] : memref<3x4x32x128xf32, #tpu.memory_space<vmem>> -> memref<1x1x32x128xf32, #tpu.memory_space<vmem>>
      %dma_start3A_86 = tpu.memref_squeeze %dma_start3A_85 : memref<1x1x32x128xf32, #tpu.memory_space<vmem>> -> memref<32x128xf32, #tpu.memory_space<vmem>>
      %dma_start3A_87 = arith.constant 0 : i32
      %dma_start3A_88 = tpu.memref_slice %arg2[%dma_start3A_87, %multiple_of3A_80] : memref<32x1000000xf32, #tpu.memory_space<hbm>> -> memref<32x128xf32, #tpu.memory_space<hbm>>
      %dma_start3A_89 = arith.constant 0 : i32
      %dma_start3A_90 = arith.constant 0 : i32
      %dma_start3A_91 = tpu.memref_slice %arg11[%dma_start3A_81, %dma_start3A_82, %dma_start3A_89, %dma_start3A_90] : memref<3x4x32x128xf32, #tpu.memory_space<vmem>> -> memref<1x1x32x128xf32, #tpu.memory_space<vmem>>
      %dma_start3A_92 = tpu.memref_squeeze %dma_start3A_91 : memref<1x1x32x128xf32, #tpu.memory_space<vmem>> -> memref<32x128xf32, #tpu.memory_space<vmem>>
      %dma_start3A_93 = arith.constant 0 : i32
      %dma_start3A_94 = tpu.memref_slice %arg2[%dma_start3A_93, %multiple_of3A_80] : memref<32x1000000xf32, #tpu.memory_space<hbm>> -> memref<32x128xf32, #tpu.memory_space<hbm>>
      tpu.enqueue_dma source(%dma_start3A_94 : memref<32x128xf32, #tpu.memory_space<hbm>>) target(%dma_start3A_92 : memref<32x128xf32, #tpu.memory_space<vmem>>) target_semaphore(%arg16 : memref<!tpu.dma_semaphore, #tpu.memory_space<semaphore_mem>>)
      %slice3A_95 = vector.extract_strided_slice %mul3A_44 {offsets = [1], sizes = [1], strides = [1]} : vector<16xi32> to vector<1xi32>
      %squeeze3A_96 = vector.extract %slice3A_95[0] : i32 from vector<1xi32>
      %multiple_of3A_97 = tpu.assume_multiple %squeeze3A_96, 128 : i32
      %dma_start3A_98 = arith.constant 0 : i32
      %dma_start3A_99 = arith.constant 1 : i32
      %dma_start3A_100 = arith.constant 0 : i32
      %dma_start3A_101 = arith.constant 0 : i32
      %dma_start3A_102 = tpu.memref_slice %arg12[%dma_start3A_98, %dma_start3A_99, %dma_start3A_100, %dma_start3A_101] : memref<3x4x32x128xf32, #tpu.memory_space<vmem>> -> memref<1x1x32x128xf32, #tpu.memory_space<vmem>>
      %dma_start3A_103 = tpu.memref_squeeze %dma_start3A_102 : memref<1x1x32x128xf32, #tpu.memory_space<vmem>> -> memref<32x128xf32, #tpu.memory_space<vmem>>
      %dma_start3A_104 = arith.constant 0 : i32
      %dma_start3A_105 = tpu.memref_slice %arg3[%dma_start3A_104, %multiple_of3A_97] : memref<32x1000000xf32, #tpu.memory_space<hbm>> -> memref<32x128xf32, #tpu.memory_space<hbm>>
      %dma_start3A_106 = arith.constant 0 : i32
      %dma_start3A_107 = arith.constant 0 : i32
      %dma_start3A_108 = tpu.memref_slice %arg12[%dma_start3A_98, %dma_start3A_99, %dma_start3A_106, %dma_start3A_107] : memref<3x4x32x128xf32, #tpu.memory_space<vmem>> -> memref<1x1x32x128xf32, #tpu.memory_space<vmem>>
      %dma_start3A_109 = tpu.memref_squeeze %dma_start3A_108 : memref<1x1x32x128xf32, #tpu.memory_space<vmem>> -> memref<32x128xf32, #tpu.memory_space<vmem>>
      %dma_start3A_110 = arith.constant 0 : i32
      %dma_start3A_111 = tpu.memref_slice %arg3[%dma_start3A_110, %multiple_of3A_97] : memref<32x1000000xf32, #tpu.memory_space<hbm>> -> memref<32x128xf32, #tpu.memory_space<hbm>>
      tpu.enqueue_dma source(%dma_start3A_111 : memref<32x128xf32, #tpu.memory_space<hbm>>) target(%dma_start3A_109 : memref<32x128xf32, #tpu.memory_space<vmem>>) target_semaphore(%arg16 : memref<!tpu.dma_semaphore, #tpu.memory_space<semaphore_mem>>)
      %slice3A_112 = vector.extract_strided_slice %mul3A_36 {offsets = [2], sizes = [1], strides = [1]} : vector<16xi32> to vector<1xi32>
      %squeeze3A_113 = vector.extract %slice3A_112[0] : i32 from vector<1xi32>
      %multiple_of3A_114 = tpu.assume_multiple %squeeze3A_113, 128 : i32
      %dma_start3A_115 = arith.constant 0 : i32
      %dma_start3A_116 = arith.constant 2 : i32
      %dma_start3A_117 = arith.constant 0 : i32
      %dma_start3A_118 = arith.constant 0 : i32
      %dma_start3A_119 = tpu.memref_slice %arg11[%dma_start3A_115, %dma_start3A_116, %dma_start3A_117, %dma_start3A_118] : memref<3x4x32x128xf32, #tpu.memory_space<vmem>> -> memref<1x1x32x128xf32, #tpu.memory_space<vmem>>
      %dma_start3A_120 = tpu.memref_squeeze %dma_start3A_119 : memref<1x1x32x128xf32, #tpu.memory_space<vmem>> -> memref<32x128xf32, #tpu.memory_space<vmem>>
      %dma_start3A_121 = arith.constant 0 : i32
      %dma_start3A_122 = tpu.memref_slice %arg2[%dma_start3A_121, %multiple_of3A_114] : memref<32x1000000xf32, #tpu.memory_space<hbm>> -> memref<32x128xf32, #tpu.memory_space<hbm>>
      %dma_start3A_123 = arith.constant 0 : i32
      %dma_start3A_124 = arith.constant 0 : i32
      %dma_start3A_125 = tpu.memref_slice %arg11[%dma_start3A_115, %dma_start3A_116, %dma_start3A_123, %dma_start3A_124] : memref<3x4x32x128xf32, #tpu.memory_space<vmem>> -> memref<1x1x32x128xf32, #tpu.memory_space<vmem>>
      %dma_start3A_126 = tpu.memref_squeeze %dma_start3A_125 : memref<1x1x32x128xf32, #tpu.memory_space<vmem>> -> memref<32x128xf32, #tpu.memory_space<vmem>>
      %dma_start3A_127 = arith.constant 0 : i32
      %dma_start3A_128 = tpu.memref_slice %arg2[%dma_start3A_127, %multiple_of3A_114] : memref<32x1000000xf32, #tpu.memory_space<hbm>> -> memref<32x128xf32, #tpu.memory_space<hbm>>
      tpu.enqueue_dma source(%dma_start3A_128 : memref<32x128xf32, #tpu.memory_space<hbm>>) target(%dma_start3A_126 : memref<32x128xf32, #tpu.memory_space<vmem>>) target_semaphore(%arg16 : memref<!tpu.dma_semaphore, #tpu.memory_space<semaphore_mem>>)
      %slice3A_129 = vector.extract_strided_slice %mul3A_44 {offsets = [2], sizes = [1], strides = [1]} : vector<16xi32> to vector<1xi32>
      %squeeze3A_130 = vector.extract %slice3A_129[0] : i32 from vector<1xi32>
      %multiple_of3A_131 = tpu.assume_multiple %squeeze3A_130, 128 : i32
      %dma_start3A_132 = arith.constant 0 : i32
      %dma_start3A_133 = arith.constant 2 : i32
      %dma_start3A_134 = arith.constant 0 : i32
      %dma_start3A_135 = arith.constant 0 : i32
      %dma_start3A_136 = tpu.memref_slice %arg12[%dma_start3A_132, %dma_start3A_133, %dma_start3A_134, %dma_start3A_135] : memref<3x4x32x128xf32, #tpu.memory_space<vmem>> -> memref<1x1x32x128xf32, #tpu.memory_space<vmem>>
      %dma_start3A_137 = tpu.memref_squeeze %dma_start3A_136 : memref<1x1x32x128xf32, #tpu.memory_space<vmem>> -> memref<32x128xf32, #tpu.memory_space<vmem>>
      %dma_start3A_138 = arith.constant 0 : i32
      %dma_start3A_139 = tpu.memref_slice %arg3[%dma_start3A_138, %multiple_of3A_131] : memref<32x1000000xf32, #tpu.memory_space<hbm>> -> memref<32x128xf32, #tpu.memory_space<hbm>>
      %dma_start3A_140 = arith.constant 0 : i32
      %dma_start3A_141 = arith.constant 0 : i32
      %dma_start3A_142 = tpu.memref_slice %arg12[%dma_start3A_132, %dma_start3A_133, %dma_start3A_140, %dma_start3A_141] : memref<3x4x32x128xf32, #tpu.memory_space<vmem>> -> memref<1x1x32x128xf32, #tpu.memory_space<vmem>>
      %dma_start3A_143 = tpu.memref_squeeze %dma_start3A_142 : memref<1x1x32x128xf32, #tpu.memory_space<vmem>> -> memref<32x128xf32, #tpu.memory_space<vmem>>
      %dma_start3A_144 = arith.constant 0 : i32
      %dma_start3A_145 = tpu.memref_slice %arg3[%dma_start3A_144, %multiple_of3A_131] : memref<32x1000000xf32, #tpu.memory_space<hbm>> -> memref<32x128xf32, #tpu.memory_space<hbm>>
      tpu.enqueue_dma source(%dma_start3A_145 : memref<32x128xf32, #tpu.memory_space<hbm>>) target(%dma_start3A_143 : memref<32x128xf32, #tpu.memory_space<vmem>>) target_semaphore(%arg16 : memref<!tpu.dma_semaphore, #tpu.memory_space<semaphore_mem>>)
      %slice3A_146 = vector.extract_strided_slice %mul3A_36 {offsets = [3], sizes = [1], strides = [1]} : vector<16xi32> to vector<1xi32>
      %squeeze3A_147 = vector.extract %slice3A_146[0] : i32 from vector<1xi32>
      %multiple_of3A_148 = tpu.assume_multiple %squeeze3A_147, 128 : i32
      %dma_start3A_149 = arith.constant 0 : i32
      %dma_start3A_150 = arith.constant 3 : i32
      %dma_start3A_151 = arith.constant 0 : i32
      %dma_start3A_152 = arith.constant 0 : i32
      %dma_start3A_153 = tpu.memref_slice %arg11[%dma_start3A_149, %dma_start3A_150, %dma_start3A_151, %dma_start3A_152] : memref<3x4x32x128xf32, #tpu.memory_space<vmem>> -> memref<1x1x32x128xf32, #tpu.memory_space<vmem>>
      %dma_start3A_154 = tpu.memref_squeeze %dma_start3A_153 : memref<1x1x32x128xf32, #tpu.memory_space<vmem>> -> memref<32x128xf32, #tpu.memory_space<vmem>>
      %dma_start3A_155 = arith.constant 0 : i32
      %dma_start3A_156 = tpu.memref_slice %arg2[%dma_start3A_155, %multiple_of3A_148] : memref<32x1000000xf32, #tpu.memory_space<hbm>> -> memref<32x128xf32, #tpu.memory_space<hbm>>
      %dma_start3A_157 = arith.constant 0 : i32
      %dma_start3A_158 = arith.constant 0 : i32
      %dma_start3A_159 = tpu.memref_slice %arg11[%dma_start3A_149, %dma_start3A_150, %dma_start3A_157, %dma_start3A_158] : memref<3x4x32x128xf32, #tpu.memory_space<vmem>> -> memref<1x1x32x128xf32, #tpu.memory_space<vmem>>
      %dma_start3A_160 = tpu.memref_squeeze %dma_start3A_159 : memref<1x1x32x128xf32, #tpu.memory_space<vmem>> -> memref<32x128xf32, #tpu.memory_space<vmem>>
      %dma_start3A_161 = arith.constant 0 : i32
      %dma_start3A_162 = tpu.memref_slice %arg2[%dma_start3A_161, %multiple_of3A_148] : memref<32x1000000xf32, #tpu.memory_space<hbm>> -> memref<32x128xf32, #tpu.memory_space<hbm>>
      tpu.enqueue_dma source(%dma_start3A_162 : memref<32x128xf32, #tpu.memory_space<hbm>>) target(%dma_start3A_160 : memref<32x128xf32, #tpu.memory_space<vmem>>) target_semaphore(%arg16 : memref<!tpu.dma_semaphore, #tpu.memory_space<semaphore_mem>>)
      %slice3A_163 = vector.extract_strided_slice %mul3A_44 {offsets = [3], sizes = [1], strides = [1]} : vector<16xi32> to vector<1xi32>
      %squeeze3A_164 = vector.extract %slice3A_163[0] : i32 from vector<1xi32>
      %multiple_of3A_165 = tpu.assume_multiple %squeeze3A_164, 128 : i32
      %dma_start3A_166 = arith.constant 0 : i32
      %dma_start3A_167 = arith.constant 3 : i32
      %dma_start3A_168 = arith.constant 0 : i32
      %dma_start3A_169 = arith.constant 0 : i32
      %dma_start3A_170 = tpu.memref_slice %arg12[%dma_start3A_166, %dma_start3A_167, %dma_start3A_168, %dma_start3A_169] : memref<3x4x32x128xf32, #tpu.memory_space<vmem>> -> memref<1x1x32x128xf32, #tpu.memory_space<vmem>>
      %dma_start3A_171 = tpu.memref_squeeze %dma_start3A_170 : memref<1x1x32x128xf32, #tpu.memory_space<vmem>> -> memref<32x128xf32, #tpu.memory_space<vmem>>
      %dma_start3A_172 = arith.constant 0 : i32
      %dma_start3A_173 = tpu.memref_slice %arg3[%dma_start3A_172, %multiple_of3A_165] : memref<32x1000000xf32, #tpu.memory_space<hbm>> -> memref<32x128xf32, #tpu.memory_space<hbm>>
      %dma_start3A_174 = arith.constant 0 : i32
      %dma_start3A_175 = arith.constant 0 : i32
      %dma_start3A_176 = tpu.memref_slice %arg12[%dma_start3A_166, %dma_start3A_167, %dma_start3A_174, %dma_start3A_175] : memref<3x4x32x128xf32, #tpu.memory_space<vmem>> -> memref<1x1x32x128xf32, #tpu.memory_space<vmem>>
      %dma_start3A_177 = tpu.memref_squeeze %dma_start3A_176 : memref<1x1x32x128xf32, #tpu.memory_space<vmem>> -> memref<32x128xf32, #tpu.memory_space<vmem>>
      %dma_start3A_178 = arith.constant 0 : i32
      %dma_start3A_179 = tpu.memref_slice %arg3[%dma_start3A_178, %multiple_of3A_165] : memref<32x1000000xf32, #tpu.memory_space<hbm>> -> memref<32x128xf32, #tpu.memory_space<hbm>>
      tpu.enqueue_dma source(%dma_start3A_179 : memref<32x128xf32, #tpu.memory_space<hbm>>) target(%dma_start3A_177 : memref<32x128xf32, #tpu.memory_space<vmem>>) target_semaphore(%arg16 : memref<!tpu.dma_semaphore, #tpu.memory_space<semaphore_mem>>)
      %slice3A_180 = vector.extract_strided_slice %mul3A_36 {offsets = [4], sizes = [1], strides = [1]} : vector<16xi32> to vector<1xi32>
      %squeeze3A_181 = vector.extract %slice3A_180[0] : i32 from vector<1xi32>
      %multiple_of3A_182 = tpu.assume_multiple %squeeze3A_181, 128 : i32
      %dma_start3A_183 = arith.constant 1 : i32
      %dma_start3A_184 = arith.constant 0 : i32
      %dma_start3A_185 = arith.constant 0 : i32
      %dma_start3A_186 = arith.constant 0 : i32
      %dma_start3A_187 = tpu.memref_slice %arg11[%dma_start3A_183, %dma_start3A_184, %dma_start3A_185, %dma_start3A_186] : memref<3x4x32x128xf32, #tpu.memory_space<vmem>> -> memref<1x1x32x128xf32, #tpu.memory_space<vmem>>
      %dma_start3A_188 = tpu.memref_squeeze %dma_start3A_187 : memref<1x1x32x128xf32, #tpu.memory_space<vmem>> -> memref<32x128xf32, #tpu.memory_space<vmem>>
      %dma_start3A_189 = arith.constant 0 : i32
      %dma_start3A_190 = tpu.memref_slice %arg2[%dma_start3A_189, %multiple_of3A_182] : memref<32x1000000xf32, #tpu.memory_space<hbm>> -> memref<32x128xf32, #tpu.memory_space<hbm>>
      %dma_start3A_191 = arith.constant 0 : i32
      %dma_start3A_192 = arith.constant 0 : i32
      %dma_start3A_193 = tpu.memref_slice %arg11[%dma_start3A_183, %dma_start3A_184, %dma_start3A_191, %dma_start3A_192] : memref<3x4x32x128xf32, #tpu.memory_space<vmem>> -> memref<1x1x32x128xf32, #tpu.memory_space<vmem>>
      %dma_start3A_194 = tpu.memref_squeeze %dma_start3A_193 : memref<1x1x32x128xf32, #tpu.memory_space<vmem>> -> memref<32x128xf32, #tpu.memory_space<vmem>>
      %dma_start3A_195 = arith.constant 0 : i32
      %dma_start3A_196 = tpu.memref_slice %arg2[%dma_start3A_195, %multiple_of3A_182] : memref<32x1000000xf32, #tpu.memory_space<hbm>> -> memref<32x128xf32, #tpu.memory_space<hbm>>
      tpu.enqueue_dma source(%dma_start3A_196 : memref<32x128xf32, #tpu.memory_space<hbm>>) target(%dma_start3A_194 : memref<32x128xf32, #tpu.memory_space<vmem>>) target_semaphore(%arg16 : memref<!tpu.dma_semaphore, #tpu.memory_space<semaphore_mem>>)
      %slice3A_197 = vector.extract_strided_slice %mul3A_44 {offsets = [4], sizes = [1], strides = [1]} : vector<16xi32> to vector<1xi32>
      %squeeze3A_198 = vector.extract %slice3A_197[0] : i32 from vector<1xi32>
      %multiple_of3A_199 = tpu.assume_multiple %squeeze3A_198, 128 : i32
      %dma_start3A_200 = arith.constant 1 : i32
      %dma_start3A_201 = arith.constant 0 : i32
      %dma_start3A_202 = arith.constant 0 : i32
      %dma_start3A_203 = arith.constant 0 : i32
      %dma_start3A_204 = tpu.memref_slice %arg12[%dma_start3A_200, %dma_start3A_201, %dma_start3A_202, %dma_start3A_203] : memref<3x4x32x128xf32, #tpu.memory_space<vmem>> -> memref<1x1x32x128xf32, #tpu.memory_space<vmem>>
      %dma_start3A_205 = tpu.memref_squeeze %dma_start3A_204 : memref<1x1x32x128xf32, #tpu.memory_space<vmem>> -> memref<32x128xf32, #tpu.memory_space<vmem>>
      %dma_start3A_206 = arith.constant 0 : i32
      %dma_start3A_207 = tpu.memref_slice %arg3[%dma_start3A_206, %multiple_of3A_199] : memref<32x1000000xf32, #tpu.memory_space<hbm>> -> memref<32x128xf32, #tpu.memory_space<hbm>>
      %dma_start3A_208 = arith.constant 0 : i32
      %dma_start3A_209 = arith.constant 0 : i32
      %dma_start3A_210 = tpu.memref_slice %arg12[%dma_start3A_200, %dma_start3A_201, %dma_start3A_208, %dma_start3A_209] : memref<3x4x32x128xf32, #tpu.memory_space<vmem>> -> memref<1x1x32x128xf32, #tpu.memory_space<vmem>>
      %dma_start3A_211 = tpu.memref_squeeze %dma_start3A_210 : memref<1x1x32x128xf32, #tpu.memory_space<vmem>> -> memref<32x128xf32, #tpu.memory_space<vmem>>
      %dma_start3A_212 = arith.constant 0 : i32
      %dma_start3A_213 = tpu.memref_slice %arg3[%dma_start3A_212, %multiple_of3A_199] : memref<32x1000000xf32, #tpu.memory_space<hbm>> -> memref<32x128xf32, #tpu.memory_space<hbm>>
      tpu.enqueue_dma source(%dma_start3A_213 : memref<32x128xf32, #tpu.memory_space<hbm>>) target(%dma_start3A_211 : memref<32x128xf32, #tpu.memory_space<vmem>>) target_semaphore(%arg16 : memref<!tpu.dma_semaphore, #tpu.memory_space<semaphore_mem>>)
      %slice3A_214 = vector.extract_strided_slice %mul3A_36 {offsets = [5], sizes = [1], strides = [1]} : vector<16xi32> to vector<1xi32>
      %squeeze3A_215 = vector.extract %slice3A_214[0] : i32 from vector<1xi32>
      %multiple_of3A_216 = tpu.assume_multiple %squeeze3A_215, 128 : i32
      %dma_start3A_217 = arith.constant 1 : i32
      %dma_start3A_218 = arith.constant 1 : i32
      %dma_start3A_219 = arith.constant 0 : i32
      %dma_start3A_220 = arith.constant 0 : i32
      %dma_start3A_221 = tpu.memref_slice %arg11[%dma_start3A_217, %dma_start3A_218, %dma_start3A_219, %dma_start3A_220] : memref<3x4x32x128xf32, #tpu.memory_space<vmem>> -> memref<1x1x32x128xf32, #tpu.memory_space<vmem>>
      %dma_start3A_222 = tpu.memref_squeeze %dma_start3A_221 : memref<1x1x32x128xf32, #tpu.memory_space<vmem>> -> memref<32x128xf32, #tpu.memory_space<vmem>>
      %dma_start3A_223 = arith.constant 0 : i32
      %dma_start3A_224 = tpu.memref_slice %arg2[%dma_start3A_223, %multiple_of3A_216] : memref<32x1000000xf32, #tpu.memory_space<hbm>> -> memref<32x128xf32, #tpu.memory_space<hbm>>
      %dma_start3A_225 = arith.constant 0 : i32
      %dma_start3A_226 = arith.constant 0 : i32
      %dma_start3A_227 = tpu.memref_slice %arg11[%dma_start3A_217, %dma_start3A_218, %dma_start3A_225, %dma_start3A_226] : memref<3x4x32x128xf32, #tpu.memory_space<vmem>> -> memref<1x1x32x128xf32, #tpu.memory_space<vmem>>
      %dma_start3A_228 = tpu.memref_squeeze %dma_start3A_227 : memref<1x1x32x128xf32, #tpu.memory_space<vmem>> -> memref<32x128xf32, #tpu.memory_space<vmem>>
      %dma_start3A_229 = arith.constant 0 : i32
      %dma_start3A_230 = tpu.memref_slice %arg2[%dma_start3A_229, %multiple_of3A_216] : memref<32x1000000xf32, #tpu.memory_space<hbm>> -> memref<32x128xf32, #tpu.memory_space<hbm>>
      tpu.enqueue_dma source(%dma_start3A_230 : memref<32x128xf32, #tpu.memory_space<hbm>>) target(%dma_start3A_228 : memref<32x128xf32, #tpu.memory_space<vmem>>) target_semaphore(%arg16 : memref<!tpu.dma_semaphore, #tpu.memory_space<semaphore_mem>>)
      %slice3A_231 = vector.extract_strided_slice %mul3A_44 {offsets = [5], sizes = [1], strides = [1]} : vector<16xi32> to vector<1xi32>
      %squeeze3A_232 = vector.extract %slice3A_231[0] : i32 from vector<1xi32>
      %multiple_of3A_233 = tpu.assume_multiple %squeeze3A_232, 128 : i32
      %dma_start3A_234 = arith.constant 1 : i32
      %dma_start3A_235 = arith.constant 1 : i32
      %dma_start3A_236 = arith.constant 0 : i32
      %dma_start3A_237 = arith.constant 0 : i32
      %dma_start3A_238 = tpu.memref_slice %arg12[%dma_start3A_234, %dma_start3A_235, %dma_start3A_236, %dma_start3A_237] : memref<3x4x32x128xf32, #tpu.memory_space<vmem>> -> memref<1x1x32x128xf32, #tpu.memory_space<vmem>>
      %dma_start3A_239 = tpu.memref_squeeze %dma_start3A_238 : memref<1x1x32x128xf32, #tpu.memory_space<vmem>> -> memref<32x128xf32, #tpu.memory_space<vmem>>
      %dma_start3A_240 = arith.constant 0 : i32
      %dma_start3A_241 = tpu.memref_slice %arg3[%dma_start3A_240, %multiple_of3A_233] : memref<32x1000000xf32, #tpu.memory_space<hbm>> -> memref<32x128xf32, #tpu.memory_space<hbm>>
      %dma_start3A_242 = arith.constant 0 : i32
      %dma_start3A_243 = arith.constant 0 : i32
      %dma_start3A_244 = tpu.memref_slice %arg12[%dma_start3A_234, %dma_start3A_235, %dma_start3A_242, %dma_start3A_243] : memref<3x4x32x128xf32, #tpu.memory_space<vmem>> -> memref<1x1x32x128xf32, #tpu.memory_space<vmem>>
      %dma_start3A_245 = tpu.memref_squeeze %dma_start3A_244 : memref<1x1x32x128xf32, #tpu.memory_space<vmem>> -> memref<32x128xf32, #tpu.memory_space<vmem>>
      %dma_start3A_246 = arith.constant 0 : i32
      %dma_start3A_247 = tpu.memref_slice %arg3[%dma_start3A_246, %multiple_of3A_233] : memref<32x1000000xf32, #tpu.memory_space<hbm>> -> memref<32x128xf32, #tpu.memory_space<hbm>>
      tpu.enqueue_dma source(%dma_start3A_247 : memref<32x128xf32, #tpu.memory_space<hbm>>) target(%dma_start3A_245 : memref<32x128xf32, #tpu.memory_space<vmem>>) target_semaphore(%arg16 : memref<!tpu.dma_semaphore, #tpu.memory_space<semaphore_mem>>)
      %slice3A_248 = vector.extract_strided_slice %mul3A_36 {offsets = [6], sizes = [1], strides = [1]} : vector<16xi32> to vector<1xi32>
      %squeeze3A_249 = vector.extract %slice3A_248[0] : i32 from vector<1xi32>
      %multiple_of3A_250 = tpu.assume_multiple %squeeze3A_249, 128 : i32
      %dma_start3A_251 = arith.constant 1 : i32
      %dma_start3A_252 = arith.constant 2 : i32
      %dma_start3A_253 = arith.constant 0 : i32
      %dma_start3A_254 = arith.constant 0 : i32
      %dma_start3A_255 = tpu.memref_slice %arg11[%dma_start3A_251, %dma_start3A_252, %dma_start3A_253, %dma_start3A_254] : memref<3x4x32x128xf32, #tpu.memory_space<vmem>> -> memref<1x1x32x128xf32, #tpu.memory_space<vmem>>
      %dma_start3A_256 = tpu.memref_squeeze %dma_start3A_255 : memref<1x1x32x128xf32, #tpu.memory_space<vmem>> -> memref<32x128xf32, #tpu.memory_space<vmem>>
      %dma_start3A_257 = arith.constant 0 : i32
      %dma_start3A_258 = tpu.memref_slice %arg2[%dma_start3A_257, %multiple_of3A_250] : memref<32x1000000xf32, #tpu.memory_space<hbm>> -> memref<32x128xf32, #tpu.memory_space<hbm>>
      %dma_start3A_259 = arith.constant 0 : i32
      %dma_start3A_260 = arith.constant 0 : i32
      %dma_start3A_261 = tpu.memref_slice %arg11[%dma_start3A_251, %dma_start3A_252, %dma_start3A_259, %dma_start3A_260] : memref<3x4x32x128xf32, #tpu.memory_space<vmem>> -> memref<1x1x32x128xf32, #tpu.memory_space<vmem>>
      %dma_start3A_262 = tpu.memref_squeeze %dma_start3A_261 : memref<1x1x32x128xf32, #tpu.memory_space<vmem>> -> memref<32x128xf32, #tpu.memory_space<vmem>>
      %dma_start3A_263 = arith.constant 0 : i32
      %dma_start3A_264 = tpu.memref_slice %arg2[%dma_start3A_263, %multiple_of3A_250] : memref<32x1000000xf32, #tpu.memory_space<hbm>> -> memref<32x128xf32, #tpu.memory_space<hbm>>
      tpu.enqueue_dma source(%dma_start3A_264 : memref<32x128xf32, #tpu.memory_space<hbm>>) target(%dma_start3A_262 : memref<32x128xf32, #tpu.memory_space<vmem>>) target_semaphore(%arg16 : memref<!tpu.dma_semaphore, #tpu.memory_space<semaphore_mem>>)
      %slice3A_265 = vector.extract_strided_slice %mul3A_44 {offsets = [6], sizes = [1], strides = [1]} : vector<16xi32> to vector<1xi32>
      %squeeze3A_266 = vector.extract %slice3A_265[0] : i32 from vector<1xi32>
      %multiple_of3A_267 = tpu.assume_multiple %squeeze3A_266, 128 : i32
      %dma_start3A_268 = arith.constant 1 : i32
      %dma_start3A_269 = arith.constant 2 : i32
      %dma_start3A_270 = arith.constant 0 : i32
      %dma_start3A_271 = arith.constant 0 : i32
      %dma_start3A_272 = tpu.memref_slice %arg12[%dma_start3A_268, %dma_start3A_269, %dma_start3A_270, %dma_start3A_271] : memref<3x4x32x128xf32, #tpu.memory_space<vmem>> -> memref<1x1x32x128xf32, #tpu.memory_space<vmem>>
      %dma_start3A_273 = tpu.memref_squeeze %dma_start3A_272 : memref<1x1x32x128xf32, #tpu.memory_space<vmem>> -> memref<32x128xf32, #tpu.memory_space<vmem>>
      %dma_start3A_274 = arith.constant 0 : i32
      %dma_start3A_275 = tpu.memref_slice %arg3[%dma_start3A_274, %multiple_of3A_267] : memref<32x1000000xf32, #tpu.memory_space<hbm>> -> memref<32x128xf32, #tpu.memory_space<hbm>>
      %dma_start3A_276 = arith.constant 0 : i32
      %dma_start3A_277 = arith.constant 0 : i32
      %dma_start3A_278 = tpu.memref_slice %arg12[%dma_start3A_268, %dma_start3A_269, %dma_start3A_276, %dma_start3A_277] : memref<3x4x32x128xf32, #tpu.memory_space<vmem>> -> memref<1x1x32x128xf32, #tpu.memory_space<vmem>>
      %dma_start3A_279 = tpu.memref_squeeze %dma_start3A_278 : memref<1x1x32x128xf32, #tpu.memory_space<vmem>> -> memref<32x128xf32, #tpu.memory_space<vmem>>
      %dma_start3A_280 = arith.constant 0 : i32
      %dma_start3A_281 = tpu.memref_slice %arg3[%dma_start3A_280, %multiple_of3A_267] : memref<32x1000000xf32, #tpu.memory_space<hbm>> -> memref<32x128xf32, #tpu.memory_space<hbm>>
      tpu.enqueue_dma source(%dma_start3A_281 : memref<32x128xf32, #tpu.memory_space<hbm>>) target(%dma_start3A_279 : memref<32x128xf32, #tpu.memory_space<vmem>>) target_semaphore(%arg16 : memref<!tpu.dma_semaphore, #tpu.memory_space<semaphore_mem>>)
      %slice3A_282 = vector.extract_strided_slice %mul3A_36 {offsets = [7], sizes = [1], strides = [1]} : vector<16xi32> to vector<1xi32>
      %squeeze3A_283 = vector.extract %slice3A_282[0] : i32 from vector<1xi32>
      %multiple_of3A_284 = tpu.assume_multiple %squeeze3A_283, 128 : i32
      %dma_start3A_285 = arith.constant 1 : i32
      %dma_start3A_286 = arith.constant 3 : i32
      %dma_start3A_287 = arith.constant 0 : i32
      %dma_start3A_288 = arith.constant 0 : i32
      %dma_start3A_289 = tpu.memref_slice %arg11[%dma_start3A_285, %dma_start3A_286, %dma_start3A_287, %dma_start3A_288] : memref<3x4x32x128xf32, #tpu.memory_space<vmem>> -> memref<1x1x32x128xf32, #tpu.memory_space<vmem>>
      %dma_start3A_290 = tpu.memref_squeeze %dma_start3A_289 : memref<1x1x32x128xf32, #tpu.memory_space<vmem>> -> memref<32x128xf32, #tpu.memory_space<vmem>>
      %dma_start3A_291 = arith.constant 0 : i32
      %dma_start3A_292 = tpu.memref_slice %arg2[%dma_start3A_291, %multiple_of3A_284] : memref<32x1000000xf32, #tpu.memory_space<hbm>> -> memref<32x128xf32, #tpu.memory_space<hbm>>
      %dma_start3A_293 = arith.constant 0 : i32
      %dma_start3A_294 = arith.constant 0 : i32
      %dma_start3A_295 = tpu.memref_slice %arg11[%dma_start3A_285, %dma_start3A_286, %dma_start3A_293, %dma_start3A_294] : memref<3x4x32x128xf32, #tpu.memory_space<vmem>> -> memref<1x1x32x128xf32, #tpu.memory_space<vmem>>
      %dma_start3A_296 = tpu.memref_squeeze %dma_start3A_295 : memref<1x1x32x128xf32, #tpu.memory_space<vmem>> -> memref<32x128xf32, #tpu.memory_space<vmem>>
      %dma_start3A_297 = arith.constant 0 : i32
      %dma_start3A_298 = tpu.memref_slice %arg2[%dma_start3A_297, %multiple_of3A_284] : memref<32x1000000xf32, #tpu.memory_space<hbm>> -> memref<32x128xf32, #tpu.memory_space<hbm>>
      tpu.enqueue_dma source(%dma_start3A_298 : memref<32x128xf32, #tpu.memory_space<hbm>>) target(%dma_start3A_296 : memref<32x128xf32, #tpu.memory_space<vmem>>) target_semaphore(%arg16 : memref<!tpu.dma_semaphore, #tpu.memory_space<semaphore_mem>>)
      %slice3A_299 = vector.extract_strided_slice %mul3A_44 {offsets = [7], sizes = [1], strides = [1]} : vector<16xi32> to vector<1xi32>
      %squeeze3A_300 = vector.extract %slice3A_299[0] : i32 from vector<1xi32>
      %multiple_of3A_301 = tpu.assume_multiple %squeeze3A_300, 128 : i32
      %dma_start3A_302 = arith.constant 1 : i32
      %dma_start3A_303 = arith.constant 3 : i32
      %dma_start3A_304 = arith.constant 0 : i32
      %dma_start3A_305 = arith.constant 0 : i32
      %dma_start3A_306 = tpu.memref_slice %arg12[%dma_start3A_302, %dma_start3A_303, %dma_start3A_304, %dma_start3A_305] : memref<3x4x32x128xf32, #tpu.memory_space<vmem>> -> memref<1x1x32x128xf32, #tpu.memory_space<vmem>>
      %dma_start3A_307 = tpu.memref_squeeze %dma_start3A_306 : memref<1x1x32x128xf32, #tpu.memory_space<vmem>> -> memref<32x128xf32, #tpu.memory_space<vmem>>
      %dma_start3A_308 = arith.constant 0 : i32
      %dma_start3A_309 = tpu.memref_slice %arg3[%dma_start3A_308, %multiple_of3A_301] : memref<32x1000000xf32, #tpu.memory_space<hbm>> -> memref<32x128xf32, #tpu.memory_space<hbm>>
      %dma_start3A_310 = arith.constant 0 : i32
      %dma_start3A_311 = arith.constant 0 : i32
      %dma_start3A_312 = tpu.memref_slice %arg12[%dma_start3A_302, %dma_start3A_303, %dma_start3A_310, %dma_start3A_311] : memref<3x4x32x128xf32, #tpu.memory_space<vmem>> -> memref<1x1x32x128xf32, #tpu.memory_space<vmem>>
      %dma_start3A_313 = tpu.memref_squeeze %dma_start3A_312 : memref<1x1x32x128xf32, #tpu.memory_space<vmem>> -> memref<32x128xf32, #tpu.memory_space<vmem>>
      %dma_start3A_314 = arith.constant 0 : i32
      %dma_start3A_315 = tpu.memref_slice %arg3[%dma_start3A_314, %multiple_of3A_301] : memref<32x1000000xf32, #tpu.memory_space<hbm>> -> memref<32x128xf32, #tpu.memory_space<hbm>>
      tpu.enqueue_dma source(%dma_start3A_315 : memref<32x128xf32, #tpu.memory_space<hbm>>) target(%dma_start3A_313 : memref<32x128xf32, #tpu.memory_space<vmem>>) target_semaphore(%arg16 : memref<!tpu.dma_semaphore, #tpu.memory_space<semaphore_mem>>)
      %slice3A_316 = vector.extract_strided_slice %mul3A_36 {offsets = [8], sizes = [1], strides = [1]} : vector<16xi32> to vector<1xi32>
      %squeeze3A_317 = vector.extract %slice3A_316[0] : i32 from vector<1xi32>
      %multiple_of3A_318 = tpu.assume_multiple %squeeze3A_317, 128 : i32
      %dma_start3A_319 = arith.constant 2 : i32
      %dma_start3A_320 = arith.constant 0 : i32
      %dma_start3A_321 = arith.constant 0 : i32
      %dma_start3A_322 = arith.constant 0 : i32
      %dma_start3A_323 = tpu.memref_slice %arg11[%dma_start3A_319, %dma_start3A_320, %dma_start3A_321, %dma_start3A_322] : memref<3x4x32x128xf32, #tpu.memory_space<vmem>> -> memref<1x1x32x128xf32, #tpu.memory_space<vmem>>
      %dma_start3A_324 = tpu.memref_squeeze %dma_start3A_323 : memref<1x1x32x128xf32, #tpu.memory_space<vmem>> -> memref<32x128xf32, #tpu.memory_space<vmem>>
      %dma_start3A_325 = arith.constant 0 : i32
      %dma_start3A_326 = tpu.memref_slice %arg2[%dma_start3A_325, %multiple_of3A_318] : memref<32x1000000xf32, #tpu.memory_space<hbm>> -> memref<32x128xf32, #tpu.memory_space<hbm>>
      %dma_start3A_327 = arith.constant 0 : i32
      %dma_start3A_328 = arith.constant 0 : i32
      %dma_start3A_329 = tpu.memref_slice %arg11[%dma_start3A_319, %dma_start3A_320, %dma_start3A_327, %dma_start3A_328] : memref<3x4x32x128xf32, #tpu.memory_space<vmem>> -> memref<1x1x32x128xf32, #tpu.memory_space<vmem>>
      %dma_start3A_330 = tpu.memref_squeeze %dma_start3A_329 : memref<1x1x32x128xf32, #tpu.memory_space<vmem>> -> memref<32x128xf32, #tpu.memory_space<vmem>>
      %dma_start3A_331 = arith.constant 0 : i32
      %dma_start3A_332 = tpu.memref_slice %arg2[%dma_start3A_331, %multiple_of3A_318] : memref<32x1000000xf32, #tpu.memory_space<hbm>> -> memref<32x128xf32, #tpu.memory_space<hbm>>
      tpu.enqueue_dma source(%dma_start3A_332 : memref<32x128xf32, #tpu.memory_space<hbm>>) target(%dma_start3A_330 : memref<32x128xf32, #tpu.memory_space<vmem>>) target_semaphore(%arg16 : memref<!tpu.dma_semaphore, #tpu.memory_space<semaphore_mem>>)
      %slice3A_333 = vector.extract_strided_slice %mul3A_44 {offsets = [8], sizes = [1], strides = [1]} : vector<16xi32> to vector<1xi32>
      %squeeze3A_334 = vector.extract %slice3A_333[0] : i32 from vector<1xi32>
      %multiple_of3A_335 = tpu.assume_multiple %squeeze3A_334, 128 : i32
      %dma_start3A_336 = arith.constant 2 : i32
      %dma_start3A_337 = arith.constant 0 : i32
      %dma_start3A_338 = arith.constant 0 : i32
      %dma_start3A_339 = arith.constant 0 : i32
      %dma_start3A_340 = tpu.memref_slice %arg12[%dma_start3A_336, %dma_start3A_337, %dma_start3A_338, %dma_start3A_339] : memref<3x4x32x128xf32, #tpu.memory_space<vmem>> -> memref<1x1x32x128xf32, #tpu.memory_space<vmem>>
      %dma_start3A_341 = tpu.memref_squeeze %dma_start3A_340 : memref<1x1x32x128xf32, #tpu.memory_space<vmem>> -> memref<32x128xf32, #tpu.memory_space<vmem>>
      %dma_start3A_342 = arith.constant 0 : i32
      %dma_start3A_343 = tpu.memref_slice %arg3[%dma_start3A_342, %multiple_of3A_335] : memref<32x1000000xf32, #tpu.memory_space<hbm>> -> memref<32x128xf32, #tpu.memory_space<hbm>>
      %dma_start3A_344 = arith.constant 0 : i32
      %dma_start3A_345 = arith.constant 0 : i32
      %dma_start3A_346 = tpu.memref_slice %arg12[%dma_start3A_336, %dma_start3A_337, %dma_start3A_344, %dma_start3A_345] : memref<3x4x32x128xf32, #tpu.memory_space<vmem>> -> memref<1x1x32x128xf32, #tpu.memory_space<vmem>>
      %dma_start3A_347 = tpu.memref_squeeze %dma_start3A_346 : memref<1x1x32x128xf32, #tpu.memory_space<vmem>> -> memref<32x128xf32, #tpu.memory_space<vmem>>
      %dma_start3A_348 = arith.constant 0 : i32
      %dma_start3A_349 = tpu.memref_slice %arg3[%dma_start3A_348, %multiple_of3A_335] : memref<32x1000000xf32, #tpu.memory_space<hbm>> -> memref<32x128xf32, #tpu.memory_space<hbm>>
      tpu.enqueue_dma source(%dma_start3A_349 : memref<32x128xf32, #tpu.memory_space<hbm>>) target(%dma_start3A_347 : memref<32x128xf32, #tpu.memory_space<vmem>>) target_semaphore(%arg16 : memref<!tpu.dma_semaphore, #tpu.memory_space<semaphore_mem>>)
      %slice3A_350 = vector.extract_strided_slice %mul3A_36 {offsets = [9], sizes = [1], strides = [1]} : vector<16xi32> to vector<1xi32>
      %squeeze3A_351 = vector.extract %slice3A_350[0] : i32 from vector<1xi32>
      %multiple_of3A_352 = tpu.assume_multiple %squeeze3A_351, 128 : i32
      %dma_start3A_353 = arith.constant 2 : i32
      %dma_start3A_354 = arith.constant 1 : i32
      %dma_start3A_355 = arith.constant 0 : i32
      %dma_start3A_356 = arith.constant 0 : i32
      %dma_start3A_357 = tpu.memref_slice %arg11[%dma_start3A_353, %dma_start3A_354, %dma_start3A_355, %dma_start3A_356] : memref<3x4x32x128xf32, #tpu.memory_space<vmem>> -> memref<1x1x32x128xf32, #tpu.memory_space<vmem>>
      %dma_start3A_358 = tpu.memref_squeeze %dma_start3A_357 : memref<1x1x32x128xf32, #tpu.memory_space<vmem>> -> memref<32x128xf32, #tpu.memory_space<vmem>>
      %dma_start3A_359 = arith.constant 0 : i32
      %dma_start3A_360 = tpu.memref_slice %arg2[%dma_start3A_359, %multiple_of3A_352] : memref<32x1000000xf32, #tpu.memory_space<hbm>> -> memref<32x128xf32, #tpu.memory_space<hbm>>
      %dma_start3A_361 = arith.constant 0 : i32
      %dma_start3A_362 = arith.constant 0 : i32
      %dma_start3A_363 = tpu.memref_slice %arg11[%dma_start3A_353, %dma_start3A_354, %dma_start3A_361, %dma_start3A_362] : memref<3x4x32x128xf32, #tpu.memory_space<vmem>> -> memref<1x1x32x128xf32, #tpu.memory_space<vmem>>
      %dma_start3A_364 = tpu.memref_squeeze %dma_start3A_363 : memref<1x1x32x128xf32, #tpu.memory_space<vmem>> -> memref<32x128xf32, #tpu.memory_space<vmem>>
      %dma_start3A_365 = arith.constant 0 : i32
      %dma_start3A_366 = tpu.memref_slice %arg2[%dma_start3A_365, %multiple_of3A_352] : memref<32x1000000xf32, #tpu.memory_space<hbm>> -> memref<32x128xf32, #tpu.memory_space<hbm>>
      tpu.enqueue_dma source(%dma_start3A_366 : memref<32x128xf32, #tpu.memory_space<hbm>>) target(%dma_start3A_364 : memref<32x128xf32, #tpu.memory_space<vmem>>) target_semaphore(%arg16 : memref<!tpu.dma_semaphore, #tpu.memory_space<semaphore_mem>>)
      %slice3A_367 = vector.extract_strided_slice %mul3A_44 {offsets = [9], sizes = [1], strides = [1]} : vector<16xi32> to vector<1xi32>
      %squeeze3A_368 = vector.extract %slice3A_367[0] : i32 from vector<1xi32>
      %multiple_of3A_369 = tpu.assume_multiple %squeeze3A_368, 128 : i32
      %dma_start3A_370 = arith.constant 2 : i32
      %dma_start3A_371 = arith.constant 1 : i32
      %dma_start3A_372 = arith.constant 0 : i32
      %dma_start3A_373 = arith.constant 0 : i32
      %dma_start3A_374 = tpu.memref_slice %arg12[%dma_start3A_370, %dma_start3A_371, %dma_start3A_372, %dma_start3A_373] : memref<3x4x32x128xf32, #tpu.memory_space<vmem>> -> memref<1x1x32x128xf32, #tpu.memory_space<vmem>>
      %dma_start3A_375 = tpu.memref_squeeze %dma_start3A_374 : memref<1x1x32x128xf32, #tpu.memory_space<vmem>> -> memref<32x128xf32, #tpu.memory_space<vmem>>
      %dma_start3A_376 = arith.constant 0 : i32
      %dma_start3A_377 = tpu.memref_slice %arg3[%dma_start3A_376, %multiple_of3A_369] : memref<32x1000000xf32, #tpu.memory_space<hbm>> -> memref<32x128xf32, #tpu.memory_space<hbm>>
      %dma_start3A_378 = arith.constant 0 : i32
      %dma_start3A_379 = arith.constant 0 : i32
      %dma_start3A_380 = tpu.memref_slice %arg12[%dma_start3A_370, %dma_start3A_371, %dma_start3A_378, %dma_start3A_379] : memref<3x4x32x128xf32, #tpu.memory_space<vmem>> -> memref<1x1x32x128xf32, #tpu.memory_space<vmem>>
      %dma_start3A_381 = tpu.memref_squeeze %dma_start3A_380 : memref<1x1x32x128xf32, #tpu.memory_space<vmem>> -> memref<32x128xf32, #tpu.memory_space<vmem>>
      %dma_start3A_382 = arith.constant 0 : i32
      %dma_start3A_383 = tpu.memref_slice %arg3[%dma_start3A_382, %multiple_of3A_369] : memref<32x1000000xf32, #tpu.memory_space<hbm>> -> memref<32x128xf32, #tpu.memory_space<hbm>>
      tpu.enqueue_dma source(%dma_start3A_383 : memref<32x128xf32, #tpu.memory_space<hbm>>) target(%dma_start3A_381 : memref<32x128xf32, #tpu.memory_space<vmem>>) target_semaphore(%arg16 : memref<!tpu.dma_semaphore, #tpu.memory_space<semaphore_mem>>)
      %slice3A_384 = vector.extract_strided_slice %mul3A_36 {offsets = [10], sizes = [1], strides = [1]} : vector<16xi32> to vector<1xi32>
      %squeeze3A_385 = vector.extract %slice3A_384[0] : i32 from vector<1xi32>
      %multiple_of3A_386 = tpu.assume_multiple %squeeze3A_385, 128 : i32
      %dma_start3A_387 = arith.constant 2 : i32
      %dma_start3A_388 = arith.constant 2 : i32
      %dma_start3A_389 = arith.constant 0 : i32
      %dma_start3A_390 = arith.constant 0 : i32
      %dma_start3A_391 = tpu.memref_slice %arg11[%dma_start3A_387, %dma_start3A_388, %dma_start3A_389, %dma_start3A_390] : memref<3x4x32x128xf32, #tpu.memory_space<vmem>> -> memref<1x1x32x128xf32, #tpu.memory_space<vmem>>
      %dma_start3A_392 = tpu.memref_squeeze %dma_start3A_391 : memref<1x1x32x128xf32, #tpu.memory_space<vmem>> -> memref<32x128xf32, #tpu.memory_space<vmem>>
      %dma_start3A_393 = arith.constant 0 : i32
      %dma_start3A_394 = tpu.memref_slice %arg2[%dma_start3A_393, %multiple_of3A_386] : memref<32x1000000xf32, #tpu.memory_space<hbm>> -> memref<32x128xf32, #tpu.memory_space<hbm>>
      %dma_start3A_395 = arith.constant 0 : i32
      %dma_start3A_396 = arith.constant 0 : i32
      %dma_start3A_397 = tpu.memref_slice %arg11[%dma_start3A_387, %dma_start3A_388, %dma_start3A_395, %dma_start3A_396] : memref<3x4x32x128xf32, #tpu.memory_space<vmem>> -> memref<1x1x32x128xf32, #tpu.memory_space<vmem>>
      %dma_start3A_398 = tpu.memref_squeeze %dma_start3A_397 : memref<1x1x32x128xf32, #tpu.memory_space<vmem>> -> memref<32x128xf32, #tpu.memory_space<vmem>>
      %dma_start3A_399 = arith.constant 0 : i32
      %dma_start3A_400 = tpu.memref_slice %arg2[%dma_start3A_399, %multiple_of3A_386] : memref<32x1000000xf32, #tpu.memory_space<hbm>> -> memref<32x128xf32, #tpu.memory_space<hbm>>
      tpu.enqueue_dma source(%dma_start3A_400 : memref<32x128xf32, #tpu.memory_space<hbm>>) target(%dma_start3A_398 : memref<32x128xf32, #tpu.memory_space<vmem>>) target_semaphore(%arg16 : memref<!tpu.dma_semaphore, #tpu.memory_space<semaphore_mem>>)
      %slice3A_401 = vector.extract_strided_slice %mul3A_44 {offsets = [10], sizes = [1], strides = [1]} : vector<16xi32> to vector<1xi32>
      %squeeze3A_402 = vector.extract %slice3A_401[0] : i32 from vector<1xi32>
      %multiple_of3A_403 = tpu.assume_multiple %squeeze3A_402, 128 : i32
      %dma_start3A_404 = arith.constant 2 : i32
      %dma_start3A_405 = arith.constant 2 : i32
      %dma_start3A_406 = arith.constant 0 : i32
      %dma_start3A_407 = arith.constant 0 : i32
      %dma_start3A_408 = tpu.memref_slice %arg12[%dma_start3A_404, %dma_start3A_405, %dma_start3A_406, %dma_start3A_407] : memref<3x4x32x128xf32, #tpu.memory_space<vmem>> -> memref<1x1x32x128xf32, #tpu.memory_space<vmem>>
      %dma_start3A_409 = tpu.memref_squeeze %dma_start3A_408 : memref<1x1x32x128xf32, #tpu.memory_space<vmem>> -> memref<32x128xf32, #tpu.memory_space<vmem>>
      %dma_start3A_410 = arith.constant 0 : i32
      %dma_start3A_411 = tpu.memref_slice %arg3[%dma_start3A_410, %multiple_of3A_403] : memref<32x1000000xf32, #tpu.memory_space<hbm>> -> memref<32x128xf32, #tpu.memory_space<hbm>>
      %dma_start3A_412 = arith.constant 0 : i32
      %dma_start3A_413 = arith.constant 0 : i32
      %dma_start3A_414 = tpu.memref_slice %arg12[%dma_start3A_404, %dma_start3A_405, %dma_start3A_412, %dma_start3A_413] : memref<3x4x32x128xf32, #tpu.memory_space<vmem>> -> memref<1x1x32x128xf32, #tpu.memory_space<vmem>>
      %dma_start3A_415 = tpu.memref_squeeze %dma_start3A_414 : memref<1x1x32x128xf32, #tpu.memory_space<vmem>> -> memref<32x128xf32, #tpu.memory_space<vmem>>
      %dma_start3A_416 = arith.constant 0 : i32
      %dma_start3A_417 = tpu.memref_slice %arg3[%dma_start3A_416, %multiple_of3A_403] : memref<32x1000000xf32, #tpu.memory_space<hbm>> -> memref<32x128xf32, #tpu.memory_space<hbm>>
      tpu.enqueue_dma source(%dma_start3A_417 : memref<32x128xf32, #tpu.memory_space<hbm>>) target(%dma_start3A_415 : memref<32x128xf32, #tpu.memory_space<vmem>>) target_semaphore(%arg16 : memref<!tpu.dma_semaphore, #tpu.memory_space<semaphore_mem>>)
      %slice3A_418 = vector.extract_strided_slice %mul3A_36 {offsets = [11], sizes = [1], strides = [1]} : vector<16xi32> to vector<1xi32>
      %squeeze3A_419 = vector.extract %slice3A_418[0] : i32 from vector<1xi32>
      %multiple_of3A_420 = tpu.assume_multiple %squeeze3A_419, 128 : i32
      %dma_start3A_421 = arith.constant 2 : i32
      %dma_start3A_422 = arith.constant 3 : i32
      %dma_start3A_423 = arith.constant 0 : i32
      %dma_start3A_424 = arith.constant 0 : i32
      %dma_start3A_425 = tpu.memref_slice %arg11[%dma_start3A_421, %dma_start3A_422, %dma_start3A_423, %dma_start3A_424] : memref<3x4x32x128xf32, #tpu.memory_space<vmem>> -> memref<1x1x32x128xf32, #tpu.memory_space<vmem>>
      %dma_start3A_426 = tpu.memref_squeeze %dma_start3A_425 : memref<1x1x32x128xf32, #tpu.memory_space<vmem>> -> memref<32x128xf32, #tpu.memory_space<vmem>>
      %dma_start3A_427 = arith.constant 0 : i32
      %dma_start3A_428 = tpu.memref_slice %arg2[%dma_start3A_427, %multiple_of3A_420] : memref<32x1000000xf32, #tpu.memory_space<hbm>> -> memref<32x128xf32, #tpu.memory_space<hbm>>
      %dma_start3A_429 = arith.constant 0 : i32
      %dma_start3A_430 = arith.constant 0 : i32
      %dma_start3A_431 = tpu.memref_slice %arg11[%dma_start3A_421, %dma_start3A_422, %dma_start3A_429, %dma_start3A_430] : memref<3x4x32x128xf32, #tpu.memory_space<vmem>> -> memref<1x1x32x128xf32, #tpu.memory_space<vmem>>
      %dma_start3A_432 = tpu.memref_squeeze %dma_start3A_431 : memref<1x1x32x128xf32, #tpu.memory_space<vmem>> -> memref<32x128xf32, #tpu.memory_space<vmem>>
      %dma_start3A_433 = arith.constant 0 : i32
      %dma_start3A_434 = tpu.memref_slice %arg2[%dma_start3A_433, %multiple_of3A_420] : memref<32x1000000xf32, #tpu.memory_space<hbm>> -> memref<32x128xf32, #tpu.memory_space<hbm>>
      tpu.enqueue_dma source(%dma_start3A_434 : memref<32x128xf32, #tpu.memory_space<hbm>>) target(%dma_start3A_432 : memref<32x128xf32, #tpu.memory_space<vmem>>) target_semaphore(%arg16 : memref<!tpu.dma_semaphore, #tpu.memory_space<semaphore_mem>>)
      %slice3A_435 = vector.extract_strided_slice %mul3A_44 {offsets = [11], sizes = [1], strides = [1]} : vector<16xi32> to vector<1xi32>
      %squeeze3A_436 = vector.extract %slice3A_435[0] : i32 from vector<1xi32>
      %multiple_of3A_437 = tpu.assume_multiple %squeeze3A_436, 128 : i32
      %dma_start3A_438 = arith.constant 2 : i32
      %dma_start3A_439 = arith.constant 3 : i32
      %dma_start3A_440 = arith.constant 0 : i32
      %dma_start3A_441 = arith.constant 0 : i32
      %dma_start3A_442 = tpu.memref_slice %arg12[%dma_start3A_438, %dma_start3A_439, %dma_start3A_440, %dma_start3A_441] : memref<3x4x32x128xf32, #tpu.memory_space<vmem>> -> memref<1x1x32x128xf32, #tpu.memory_space<vmem>>
      %dma_start3A_443 = tpu.memref_squeeze %dma_start3A_442 : memref<1x1x32x128xf32, #tpu.memory_space<vmem>> -> memref<32x128xf32, #tpu.memory_space<vmem>>
      %dma_start3A_444 = arith.constant 0 : i32
      %dma_start3A_445 = tpu.memref_slice %arg3[%dma_start3A_444, %multiple_of3A_437] : memref<32x1000000xf32, #tpu.memory_space<hbm>> -> memref<32x128xf32, #tpu.memory_space<hbm>>
      %dma_start3A_446 = arith.constant 0 : i32
      %dma_start3A_447 = arith.constant 0 : i32
      %dma_start3A_448 = tpu.memref_slice %arg12[%dma_start3A_438, %dma_start3A_439, %dma_start3A_446, %dma_start3A_447] : memref<3x4x32x128xf32, #tpu.memory_space<vmem>> -> memref<1x1x32x128xf32, #tpu.memory_space<vmem>>
      %dma_start3A_449 = tpu.memref_squeeze %dma_start3A_448 : memref<1x1x32x128xf32, #tpu.memory_space<vmem>> -> memref<32x128xf32, #tpu.memory_space<vmem>>
      %dma_start3A_450 = arith.constant 0 : i32
      %dma_start3A_451 = tpu.memref_slice %arg3[%dma_start3A_450, %multiple_of3A_437] : memref<32x1000000xf32, #tpu.memory_space<hbm>> -> memref<32x128xf32, #tpu.memory_space<hbm>>
      tpu.enqueue_dma source(%dma_start3A_451 : memref<32x128xf32, #tpu.memory_space<hbm>>) target(%dma_start3A_449 : memref<32x128xf32, #tpu.memory_space<vmem>>) target_semaphore(%arg16 : memref<!tpu.dma_semaphore, #tpu.memory_space<semaphore_mem>>)
      %slice3A_452 = vector.extract_strided_slice %mul3A_36 {offsets = [0], sizes = [1], strides = [1]} : vector<16xi32> to vector<1xi32>
      %squeeze3A_453 = vector.extract %slice3A_452[0] : i32 from vector<1xi32>
      %multiple_of3A_454 = tpu.assume_multiple %squeeze3A_453, 128 : i32
      %dma_wait3A = arith.constant 0 : i32
      %dma_wait3A_455 = arith.constant 0 : i32
      %dma_wait3A_456 = arith.constant 0 : i32
      %dma_wait3A_457 = arith.constant 0 : i32
      %dma_wait3A_458 = tpu.memref_slice %arg11[%dma_wait3A, %dma_wait3A_455, %dma_wait3A_456, %dma_wait3A_457] : memref<3x4x32x128xf32, #tpu.memory_space<vmem>> -> memref<1x1x32x128xf32, #tpu.memory_space<vmem>>
      %dma_wait3A_459 = tpu.memref_squeeze %dma_wait3A_458 : memref<1x1x32x128xf32, #tpu.memory_space<vmem>> -> memref<32x128xf32, #tpu.memory_space<vmem>>
      %dma_wait3A_460 = arith.constant 0 : i32
      %dma_wait3A_461 = tpu.memref_slice %arg2[%dma_wait3A_460, %multiple_of3A_454] : memref<32x1000000xf32, #tpu.memory_space<hbm>> -> memref<32x128xf32, #tpu.memory_space<hbm>>
      %dma_wait3A_462 = arith.constant 0 : i32
      %dma_wait3A_463 = arith.constant 0 : i32
      %dma_wait3A_464 = tpu.memref_slice %arg11[%dma_wait3A, %dma_wait3A_455, %dma_wait3A_462, %dma_wait3A_463] : memref<3x4x32x128xf32, #tpu.memory_space<vmem>> -> memref<1x1x32x128xf32, #tpu.memory_space<vmem>>
      %dma_wait3A_465 = tpu.memref_squeeze %dma_wait3A_464 : memref<1x1x32x128xf32, #tpu.memory_space<vmem>> -> memref<32x128xf32, #tpu.memory_space<vmem>>
      %dma_wait3A_466 = arith.constant 0 : i32
      %dma_wait3A_467 = tpu.memref_slice %arg2[%dma_wait3A_466, %multiple_of3A_454] : memref<32x1000000xf32, #tpu.memory_space<hbm>> -> memref<32x128xf32, #tpu.memory_space<hbm>>
      tpu.wait_dma2 semaphore(%arg16 : memref<!tpu.dma_semaphore, #tpu.memory_space<semaphore_mem>>) src(%dma_wait3A_467 : memref<32x128xf32, #tpu.memory_space<hbm>>) dst(%dma_wait3A_465 : memref<32x128xf32, #tpu.memory_space<vmem>>)
      %slice3A_468 = vector.extract_strided_slice %mul3A_44 {offsets = [0], sizes = [1], strides = [1]} : vector<16xi32> to vector<1xi32>
      %squeeze3A_469 = vector.extract %slice3A_468[0] : i32 from vector<1xi32>
      %multiple_of3A_470 = tpu.assume_multiple %squeeze3A_469, 128 : i32
      %dma_wait3A_471 = arith.constant 0 : i32
      %dma_wait3A_472 = arith.constant 0 : i32
      %dma_wait3A_473 = arith.constant 0 : i32
      %dma_wait3A_474 = arith.constant 0 : i32
      %dma_wait3A_475 = tpu.memref_slice %arg12[%dma_wait3A_471, %dma_wait3A_472, %dma_wait3A_473, %dma_wait3A_474] : memref<3x4x32x128xf32, #tpu.memory_space<vmem>> -> memref<1x1x32x128xf32, #tpu.memory_space<vmem>>
      %dma_wait3A_476 = tpu.memref_squeeze %dma_wait3A_475 : memref<1x1x32x128xf32, #tpu.memory_space<vmem>> -> memref<32x128xf32, #tpu.memory_space<vmem>>
      %dma_wait3A_477 = arith.constant 0 : i32
      %dma_wait3A_478 = tpu.memref_slice %arg3[%dma_wait3A_477, %multiple_of3A_470] : memref<32x1000000xf32, #tpu.memory_space<hbm>> -> memref<32x128xf32, #tpu.memory_space<hbm>>
      %dma_wait3A_479 = arith.constant 0 : i32
      %dma_wait3A_480 = arith.constant 0 : i32
      %dma_wait3A_481 = tpu.memref_slice %arg12[%dma_wait3A_471, %dma_wait3A_472, %dma_wait3A_479, %dma_wait3A_480] : memref<3x4x32x128xf32, #tpu.memory_space<vmem>> -> memref<1x1x32x128xf32, #tpu.memory_space<vmem>>
      %dma_wait3A_482 = tpu.memref_squeeze %dma_wait3A_481 : memref<1x1x32x128xf32, #tpu.memory_space<vmem>> -> memref<32x128xf32, #tpu.memory_space<vmem>>
      %dma_wait3A_483 = arith.constant 0 : i32
      %dma_wait3A_484 = tpu.memref_slice %arg3[%dma_wait3A_483, %multiple_of3A_470] : memref<32x1000000xf32, #tpu.memory_space<hbm>> -> memref<32x128xf32, #tpu.memory_space<hbm>>
      tpu.wait_dma2 semaphore(%arg16 : memref<!tpu.dma_semaphore, #tpu.memory_space<semaphore_mem>>) src(%dma_wait3A_484 : memref<32x128xf32, #tpu.memory_space<hbm>>) dst(%dma_wait3A_482 : memref<32x128xf32, #tpu.memory_space<vmem>>)
      %slice3A_485 = vector.extract_strided_slice %mul3A_36 {offsets = [1], sizes = [1], strides = [1]} : vector<16xi32> to vector<1xi32>
      %squeeze3A_486 = vector.extract %slice3A_485[0] : i32 from vector<1xi32>
      %multiple_of3A_487 = tpu.assume_multiple %squeeze3A_486, 128 : i32
      %dma_wait3A_488 = arith.constant 0 : i32
      %dma_wait3A_489 = arith.constant 1 : i32
      %dma_wait3A_490 = arith.constant 0 : i32
      %dma_wait3A_491 = arith.constant 0 : i32
      %dma_wait3A_492 = tpu.memref_slice %arg11[%dma_wait3A_488, %dma_wait3A_489, %dma_wait3A_490, %dma_wait3A_491] : memref<3x4x32x128xf32, #tpu.memory_space<vmem>> -> memref<1x1x32x128xf32, #tpu.memory_space<vmem>>
      %dma_wait3A_493 = tpu.memref_squeeze %dma_wait3A_492 : memref<1x1x32x128xf32, #tpu.memory_space<vmem>> -> memref<32x128xf32, #tpu.memory_space<vmem>>
      %dma_wait3A_494 = arith.constant 0 : i32
      %dma_wait3A_495 = tpu.memref_slice %arg2[%dma_wait3A_494, %multiple_of3A_487] : memref<32x1000000xf32, #tpu.memory_space<hbm>> -> memref<32x128xf32, #tpu.memory_space<hbm>>
      %dma_wait3A_496 = arith.constant 0 : i32
      %dma_wait3A_497 = arith.constant 0 : i32
      %dma_wait3A_498 = tpu.memref_slice %arg11[%dma_wait3A_488, %dma_wait3A_489, %dma_wait3A_496, %dma_wait3A_497] : memref<3x4x32x128xf32, #tpu.memory_space<vmem>> -> memref<1x1x32x128xf32, #tpu.memory_space<vmem>>
      %dma_wait3A_499 = tpu.memref_squeeze %dma_wait3A_498 : memref<1x1x32x128xf32, #tpu.memory_space<vmem>> -> memref<32x128xf32, #tpu.memory_space<vmem>>
      %dma_wait3A_500 = arith.constant 0 : i32
      %dma_wait3A_501 = tpu.memref_slice %arg2[%dma_wait3A_500, %multiple_of3A_487] : memref<32x1000000xf32, #tpu.memory_space<hbm>> -> memref<32x128xf32, #tpu.memory_space<hbm>>
      tpu.wait_dma2 semaphore(%arg16 : memref<!tpu.dma_semaphore, #tpu.memory_space<semaphore_mem>>) src(%dma_wait3A_501 : memref<32x128xf32, #tpu.memory_space<hbm>>) dst(%dma_wait3A_499 : memref<32x128xf32, #tpu.memory_space<vmem>>)
      %slice3A_502 = vector.extract_strided_slice %mul3A_44 {offsets = [1], sizes = [1], strides = [1]} : vector<16xi32> to vector<1xi32>
      %squeeze3A_503 = vector.extract %slice3A_502[0] : i32 from vector<1xi32>
      %multiple_of3A_504 = tpu.assume_multiple %squeeze3A_503, 128 : i32
      %dma_wait3A_505 = arith.constant 0 : i32
      %dma_wait3A_506 = arith.constant 1 : i32
      %dma_wait3A_507 = arith.constant 0 : i32
      %dma_wait3A_508 = arith.constant 0 : i32
      %dma_wait3A_509 = tpu.memref_slice %arg12[%dma_wait3A_505, %dma_wait3A_506, %dma_wait3A_507, %dma_wait3A_508] : memref<3x4x32x128xf32, #tpu.memory_space<vmem>> -> memref<1x1x32x128xf32, #tpu.memory_space<vmem>>
      %dma_wait3A_510 = tpu.memref_squeeze %dma_wait3A_509 : memref<1x1x32x128xf32, #tpu.memory_space<vmem>> -> memref<32x128xf32, #tpu.memory_space<vmem>>
      %dma_wait3A_511 = arith.constant 0 : i32
      %dma_wait3A_512 = tpu.memref_slice %arg3[%dma_wait3A_511, %multiple_of3A_504] : memref<32x1000000xf32, #tpu.memory_space<hbm>> -> memref<32x128xf32, #tpu.memory_space<hbm>>
      %dma_wait3A_513 = arith.constant 0 : i32
      %dma_wait3A_514 = arith.constant 0 : i32
      %dma_wait3A_515 = tpu.memref_slice %arg12[%dma_wait3A_505, %dma_wait3A_506, %dma_wait3A_513, %dma_wait3A_514] : memref<3x4x32x128xf32, #tpu.memory_space<vmem>> -> memref<1x1x32x128xf32, #tpu.memory_space<vmem>>
      %dma_wait3A_516 = tpu.memref_squeeze %dma_wait3A_515 : memref<1x1x32x128xf32, #tpu.memory_space<vmem>> -> memref<32x128xf32, #tpu.memory_space<vmem>>
      %dma_wait3A_517 = arith.constant 0 : i32
      %dma_wait3A_518 = tpu.memref_slice %arg3[%dma_wait3A_517, %multiple_of3A_504] : memref<32x1000000xf32, #tpu.memory_space<hbm>> -> memref<32x128xf32, #tpu.memory_space<hbm>>
      tpu.wait_dma2 semaphore(%arg16 : memref<!tpu.dma_semaphore, #tpu.memory_space<semaphore_mem>>) src(%dma_wait3A_518 : memref<32x128xf32, #tpu.memory_space<hbm>>) dst(%dma_wait3A_516 : memref<32x128xf32, #tpu.memory_space<vmem>>)
      %slice3A_519 = vector.extract_strided_slice %mul3A_36 {offsets = [2], sizes = [1], strides = [1]} : vector<16xi32> to vector<1xi32>
      %squeeze3A_520 = vector.extract %slice3A_519[0] : i32 from vector<1xi32>
      %multiple_of3A_521 = tpu.assume_multiple %squeeze3A_520, 128 : i32
      %dma_wait3A_522 = arith.constant 0 : i32
      %dma_wait3A_523 = arith.constant 2 : i32
      %dma_wait3A_524 = arith.constant 0 : i32
      %dma_wait3A_525 = arith.constant 0 : i32
      %dma_wait3A_526 = tpu.memref_slice %arg11[%dma_wait3A_522, %dma_wait3A_523, %dma_wait3A_524, %dma_wait3A_525] : memref<3x4x32x128xf32, #tpu.memory_space<vmem>> -> memref<1x1x32x128xf32, #tpu.memory_space<vmem>>
      %dma_wait3A_527 = tpu.memref_squeeze %dma_wait3A_526 : memref<1x1x32x128xf32, #tpu.memory_space<vmem>> -> memref<32x128xf32, #tpu.memory_space<vmem>>
      %dma_wait3A_528 = arith.constant 0 : i32
      %dma_wait3A_529 = tpu.memref_slice %arg2[%dma_wait3A_528, %multiple_of3A_521] : memref<32x1000000xf32, #tpu.memory_space<hbm>> -> memref<32x128xf32, #tpu.memory_space<hbm>>
      %dma_wait3A_530 = arith.constant 0 : i32
      %dma_wait3A_531 = arith.constant 0 : i32
      %dma_wait3A_532 = tpu.memref_slice %arg11[%dma_wait3A_522, %dma_wait3A_523, %dma_wait3A_530, %dma_wait3A_531] : memref<3x4x32x128xf32, #tpu.memory_space<vmem>> -> memref<1x1x32x128xf32, #tpu.memory_space<vmem>>
      %dma_wait3A_533 = tpu.memref_squeeze %dma_wait3A_532 : memref<1x1x32x128xf32, #tpu.memory_space<vmem>> -> memref<32x128xf32, #tpu.memory_space<vmem>>
      %dma_wait3A_534 = arith.constant 0 : i32
      %dma_wait3A_535 = tpu.memref_slice %arg2[%dma_wait3A_534, %multiple_of3A_521] : memref<32x1000000xf32, #tpu.memory_space<hbm>> -> memref<32x128xf32, #tpu.memory_space<hbm>>
      tpu.wait_dma2 semaphore(%arg16 : memref<!tpu.dma_semaphore, #tpu.memory_space<semaphore_mem>>) src(%dma_wait3A_535 : memref<32x128xf32, #tpu.memory_space<hbm>>) dst(%dma_wait3A_533 : memref<32x128xf32, #tpu.memory_space<vmem>>)
      %slice3A_536 = vector.extract_strided_slice %mul3A_44 {offsets = [2], sizes = [1], strides = [1]} : vector<16xi32> to vector<1xi32>
      %squeeze3A_537 = vector.extract %slice3A_536[0] : i32 from vector<1xi32>
      %multiple_of3A_538 = tpu.assume_multiple %squeeze3A_537, 128 : i32
      %dma_wait3A_539 = arith.constant 0 : i32
      %dma_wait3A_540 = arith.constant 2 : i32
      %dma_wait3A_541 = arith.constant 0 : i32
      %dma_wait3A_542 = arith.constant 0 : i32
      %dma_wait3A_543 = tpu.memref_slice %arg12[%dma_wait3A_539, %dma_wait3A_540, %dma_wait3A_541, %dma_wait3A_542] : memref<3x4x32x128xf32, #tpu.memory_space<vmem>> -> memref<1x1x32x128xf32, #tpu.memory_space<vmem>>
      %dma_wait3A_544 = tpu.memref_squeeze %dma_wait3A_543 : memref<1x1x32x128xf32, #tpu.memory_space<vmem>> -> memref<32x128xf32, #tpu.memory_space<vmem>>
      %dma_wait3A_545 = arith.constant 0 : i32
      %dma_wait3A_546 = tpu.memref_slice %arg3[%dma_wait3A_545, %multiple_of3A_538] : memref<32x1000000xf32, #tpu.memory_space<hbm>> -> memref<32x128xf32, #tpu.memory_space<hbm>>
      %dma_wait3A_547 = arith.constant 0 : i32
      %dma_wait3A_548 = arith.constant 0 : i32
      %dma_wait3A_549 = tpu.memref_slice %arg12[%dma_wait3A_539, %dma_wait3A_540, %dma_wait3A_547, %dma_wait3A_548] : memref<3x4x32x128xf32, #tpu.memory_space<vmem>> -> memref<1x1x32x128xf32, #tpu.memory_space<vmem>>
      %dma_wait3A_550 = tpu.memref_squeeze %dma_wait3A_549 : memref<1x1x32x128xf32, #tpu.memory_space<vmem>> -> memref<32x128xf32, #tpu.memory_space<vmem>>
      %dma_wait3A_551 = arith.constant 0 : i32
      %dma_wait3A_552 = tpu.memref_slice %arg3[%dma_wait3A_551, %multiple_of3A_538] : memref<32x1000000xf32, #tpu.memory_space<hbm>> -> memref<32x128xf32, #tpu.memory_space<hbm>>
      tpu.wait_dma2 semaphore(%arg16 : memref<!tpu.dma_semaphore, #tpu.memory_space<semaphore_mem>>) src(%dma_wait3A_552 : memref<32x128xf32, #tpu.memory_space<hbm>>) dst(%dma_wait3A_550 : memref<32x128xf32, #tpu.memory_space<vmem>>)
      %slice3A_553 = vector.extract_strided_slice %mul3A_36 {offsets = [3], sizes = [1], strides = [1]} : vector<16xi32> to vector<1xi32>
      %squeeze3A_554 = vector.extract %slice3A_553[0] : i32 from vector<1xi32>
      %multiple_of3A_555 = tpu.assume_multiple %squeeze3A_554, 128 : i32
      %dma_wait3A_556 = arith.constant 0 : i32
      %dma_wait3A_557 = arith.constant 3 : i32
      %dma_wait3A_558 = arith.constant 0 : i32
      %dma_wait3A_559 = arith.constant 0 : i32
      %dma_wait3A_560 = tpu.memref_slice %arg11[%dma_wait3A_556, %dma_wait3A_557, %dma_wait3A_558, %dma_wait3A_559] : memref<3x4x32x128xf32, #tpu.memory_space<vmem>> -> memref<1x1x32x128xf32, #tpu.memory_space<vmem>>
      %dma_wait3A_561 = tpu.memref_squeeze %dma_wait3A_560 : memref<1x1x32x128xf32, #tpu.memory_space<vmem>> -> memref<32x128xf32, #tpu.memory_space<vmem>>
      %dma_wait3A_562 = arith.constant 0 : i32
      %dma_wait3A_563 = tpu.memref_slice %arg2[%dma_wait3A_562, %multiple_of3A_555] : memref<32x1000000xf32, #tpu.memory_space<hbm>> -> memref<32x128xf32, #tpu.memory_space<hbm>>
      %dma_wait3A_564 = arith.constant 0 : i32
      %dma_wait3A_565 = arith.constant 0 : i32
      %dma_wait3A_566 = tpu.memref_slice %arg11[%dma_wait3A_556, %dma_wait3A_557, %dma_wait3A_564, %dma_wait3A_565] : memref<3x4x32x128xf32, #tpu.memory_space<vmem>> -> memref<1x1x32x128xf32, #tpu.memory_space<vmem>>
      %dma_wait3A_567 = tpu.memref_squeeze %dma_wait3A_566 : memref<1x1x32x128xf32, #tpu.memory_space<vmem>> -> memref<32x128xf32, #tpu.memory_space<vmem>>
      %dma_wait3A_568 = arith.constant 0 : i32
      %dma_wait3A_569 = tpu.memref_slice %arg2[%dma_wait3A_568, %multiple_of3A_555] : memref<32x1000000xf32, #tpu.memory_space<hbm>> -> memref<32x128xf32, #tpu.memory_space<hbm>>
      tpu.wait_dma2 semaphore(%arg16 : memref<!tpu.dma_semaphore, #tpu.memory_space<semaphore_mem>>) src(%dma_wait3A_569 : memref<32x128xf32, #tpu.memory_space<hbm>>) dst(%dma_wait3A_567 : memref<32x128xf32, #tpu.memory_space<vmem>>)
      %slice3A_570 = vector.extract_strided_slice %mul3A_44 {offsets = [3], sizes = [1], strides = [1]} : vector<16xi32> to vector<1xi32>
      %squeeze3A_571 = vector.extract %slice3A_570[0] : i32 from vector<1xi32>
      %multiple_of3A_572 = tpu.assume_multiple %squeeze3A_571, 128 : i32
      %dma_wait3A_573 = arith.constant 0 : i32
      %dma_wait3A_574 = arith.constant 3 : i32
      %dma_wait3A_575 = arith.constant 0 : i32
      %dma_wait3A_576 = arith.constant 0 : i32
      %dma_wait3A_577 = tpu.memref_slice %arg12[%dma_wait3A_573, %dma_wait3A_574, %dma_wait3A_575, %dma_wait3A_576] : memref<3x4x32x128xf32, #tpu.memory_space<vmem>> -> memref<1x1x32x128xf32, #tpu.memory_space<vmem>>
      %dma_wait3A_578 = tpu.memref_squeeze %dma_wait3A_577 : memref<1x1x32x128xf32, #tpu.memory_space<vmem>> -> memref<32x128xf32, #tpu.memory_space<vmem>>
      %dma_wait3A_579 = arith.constant 0 : i32
      %dma_wait3A_580 = tpu.memref_slice %arg3[%dma_wait3A_579, %multiple_of3A_572] : memref<32x1000000xf32, #tpu.memory_space<hbm>> -> memref<32x128xf32, #tpu.memory_space<hbm>>
      %dma_wait3A_581 = arith.constant 0 : i32
      %dma_wait3A_582 = arith.constant 0 : i32
      %dma_wait3A_583 = tpu.memref_slice %arg12[%dma_wait3A_573, %dma_wait3A_574, %dma_wait3A_581, %dma_wait3A_582] : memref<3x4x32x128xf32, #tpu.memory_space<vmem>> -> memref<1x1x32x128xf32, #tpu.memory_space<vmem>>
      %dma_wait3A_584 = tpu.memref_squeeze %dma_wait3A_583 : memref<1x1x32x128xf32, #tpu.memory_space<vmem>> -> memref<32x128xf32, #tpu.memory_space<vmem>>
      %dma_wait3A_585 = arith.constant 0 : i32
      %dma_wait3A_586 = tpu.memref_slice %arg3[%dma_wait3A_585, %multiple_of3A_572] : memref<32x1000000xf32, #tpu.memory_space<hbm>> -> memref<32x128xf32, #tpu.memory_space<hbm>>
      tpu.wait_dma2 semaphore(%arg16 : memref<!tpu.dma_semaphore, #tpu.memory_space<semaphore_mem>>) src(%dma_wait3A_586 : memref<32x128xf32, #tpu.memory_space<hbm>>) dst(%dma_wait3A_584 : memref<32x128xf32, #tpu.memory_space<vmem>>)
      %broadcast_in_dim3A_587 = arith.constant 0 : i32
      %broadcast_in_dim3A_588 = vector.broadcast %broadcast_in_dim3A_587 : i32 to vector<16xi32>
      %broadcast_in_dim3A_589 = arith.constant 0 : i32
      %broadcast_in_dim3A_590 = vector.broadcast %broadcast_in_dim3A_589 : i32 to vector<16xi32>
      %slice3A_591 = vector.extract_strided_slice %and3A_38 {offsets = [0], sizes = [1], strides = [1]} : vector<16xi32> to vector<1xi32>
      %squeeze3A_592 = vector.extract %slice3A_591[0] : i32 from vector<1xi32>
      %add3A_593 = vector.broadcast %squeeze3A_592 : i32 to vector<16xi32>
      %add3A_594 = arith.addi %broadcast_in_dim3A_12, %add3A_593 : vector<16xi32>
      %slice3A_595 = vector.extract_strided_slice %and3A_47 {offsets = [0], sizes = [1], strides = [1]} : vector<16xi32> to vector<1xi32>
      %squeeze3A_596 = vector.extract %slice3A_595[0] : i32 from vector<1xi32>
      %add3A_597 = vector.broadcast %squeeze3A_596 : i32 to vector<16xi32>
      %add3A_598 = arith.addi %broadcast_in_dim3A_12, %add3A_597 : vector<16xi32>
      %gather3A = tpu.vector_load_idx %arg11[%broadcast_in_dim3A_588, %broadcast_in_dim3A_590, %iota3A, %add3A_594] : memref<3x4x32x128xf32, #tpu.memory_space<vmem>>[vector<16xi32>, vector<16xi32>, vector<16xi32>, vector<16xi32>], vector<16xf32>,
      %gather3A_599 = tpu.vector_load_idx %arg11[%broadcast_in_dim3A_588, %broadcast_in_dim3A_590, %add3A_15, %add3A_594] : memref<3x4x32x128xf32, #tpu.memory_space<vmem>>[vector<16xi32>, vector<16xi32>, vector<16xi32>, vector<16xi32>], vector<16xf32>,
      %gather3A_600 = tpu.vector_load_idx %arg12[%broadcast_in_dim3A_588, %broadcast_in_dim3A_590, %iota3A, %add3A_598] : memref<3x4x32x128xf32, #tpu.memory_space<vmem>>[vector<16xi32>, vector<16xi32>, vector<16xi32>, vector<16xi32>], vector<16xf32>,
      %gather3A_601 = tpu.vector_load_idx %arg12[%broadcast_in_dim3A_588, %broadcast_in_dim3A_590, %add3A_15, %add3A_598] : memref<3x4x32x128xf32, #tpu.memory_space<vmem>>[vector<16xi32>, vector<16xi32>, vector<16xi32>, vector<16xi32>], vector<16xf32>,
      %mul3A_602 = arith.mulf %gather3A, %gather3A_600 : vector<16xf32>
      %mul3A_603 = arith.mulf %mul3A_602, %get3A_5 : vector<16xf32>
      %mul3A_604 = arith.mulf %gather3A_599, %gather3A_601 : vector<16xf32>
      %mul3A_605 = arith.mulf %mul3A_604, %get3A_9 : vector<16xf32>
      %add3A_606 = arith.addf %mul3A_603, %mul3A_605 : vector<16xf32>
      %eq3A = arith.constant 0 : i32
      %eq3A_607 = vector.broadcast %eq3A : i32 to vector<16xi32>
      %eq3A_608 = arith.cmpi eq, %iota3A, %eq3A_607 : vector<16xi32>
      %reduce_sum3A = arith.constant true
      %reduce_sum3A_609 = vector.broadcast %reduce_sum3A : i1 to vector<16xi1>
      %reduce_sum3A_610 = tpu.scan <sum>, %add3A_606 masked %reduce_sum3A_609 : vector<16xf32>, vector<16xi1> -> vector<16xf32>
      %reduce_sum3A_611 = vector.extract %reduce_sum3A_610[15] : f32 from vector<16xf32>
      %add3A_612 = vector.broadcast %reduce_sum3A_611 : f32 to vector<16xf32>
      %add3A_613 = arith.addf %get3A_11, %add3A_612 : vector<16xf32>
      %select_n3A = arith.select %eq3A_608, %add3A_613, %get3A_11 : vector<16xi1>, vector<16xf32>
      %broadcast_in_dim3A_614 = arith.constant 0 : i32
      %broadcast_in_dim3A_615 = vector.broadcast %broadcast_in_dim3A_614 : i32 to vector<16xi32>
      %broadcast_in_dim3A_616 = arith.constant 1 : i32
      %broadcast_in_dim3A_617 = vector.broadcast %broadcast_in_dim3A_616 : i32 to vector<16xi32>
      %slice3A_618 = vector.extract_strided_slice %and3A_38 {offsets = [1], sizes = [1], strides = [1]} : vector<16xi32> to vector<1xi32>
      %squeeze3A_619 = vector.extract %slice3A_618[0] : i32 from vector<1xi32>
      %add3A_620 = vector.broadcast %squeeze3A_619 : i32 to vector<16xi32>
      %add3A_621 = arith.addi %broadcast_in_dim3A_12, %add3A_620 : vector<16xi32>
      %slice3A_622 = vector.extract_strided_slice %and3A_47 {offsets = [1], sizes = [1], strides = [1]} : vector<16xi32> to vector<1xi32>
      %squeeze3A_623 = vector.extract %slice3A_622[0] : i32 from vector<1xi32>
      %add3A_624 = vector.broadcast %squeeze3A_623 : i32 to vector<16xi32>
      %add3A_625 = arith.addi %broadcast_in_dim3A_12, %add3A_624 : vector<16xi32>
      %gather3A_626 = tpu.vector_load_idx %arg11[%broadcast_in_dim3A_615, %broadcast_in_dim3A_617, %iota3A, %add3A_621] : memref<3x4x32x128xf32, #tpu.memory_space<vmem>>[vector<16xi32>, vector<16xi32>, vector<16xi32>, vector<16xi32>], vector<16xf32>,
      %gather3A_627 = tpu.vector_load_idx %arg11[%broadcast_in_dim3A_615, %broadcast_in_dim3A_617, %add3A_15, %add3A_621] : memref<3x4x32x128xf32, #tpu.memory_space<vmem>>[vector<16xi32>, vector<16xi32>, vector<16xi32>, vector<16xi32>], vector<16xf32>,
      %gather3A_628 = tpu.vector_load_idx %arg12[%broadcast_in_dim3A_615, %broadcast_in_dim3A_617, %iota3A, %add3A_625] : memref<3x4x32x128xf32, #tpu.memory_space<vmem>>[vector<16xi32>, vector<16xi32>, vector<16xi32>, vector<16xi32>], vector<16xf32>,
      %gather3A_629 = tpu.vector_load_idx %arg12[%broadcast_in_dim3A_615, %broadcast_in_dim3A_617, %add3A_15, %add3A_625] : memref<3x4x32x128xf32, #tpu.memory_space<vmem>>[vector<16xi32>, vector<16xi32>, vector<16xi32>, vector<16xi32>], vector<16xf32>,
      %mul3A_630 = arith.mulf %gather3A_626, %gather3A_628 : vector<16xf32>
      %mul3A_631 = arith.mulf %mul3A_630, %get3A_5 : vector<16xf32>
      %mul3A_632 = arith.mulf %gather3A_627, %gather3A_629 : vector<16xf32>
      %mul3A_633 = arith.mulf %mul3A_632, %get3A_9 : vector<16xf32>
      %add3A_634 = arith.addf %mul3A_631, %mul3A_633 : vector<16xf32>
      %eq3A_635 = arith.constant 1 : i32
      %eq3A_636 = vector.broadcast %eq3A_635 : i32 to vector<16xi32>
      %eq3A_637 = arith.cmpi eq, %iota3A, %eq3A_636 : vector<16xi32>
      %reduce_sum3A_638 = arith.constant true
      %reduce_sum3A_639 = vector.broadcast %reduce_sum3A_638 : i1 to vector<16xi1>
      %reduce_sum3A_640 = tpu.scan <sum>, %add3A_634 masked %reduce_sum3A_639 : vector<16xf32>, vector<16xi1> -> vector<16xf32>
      %reduce_sum3A_641 = vector.extract %reduce_sum3A_640[15] : f32 from vector<16xf32>
      %add3A_642 = vector.broadcast %reduce_sum3A_641 : f32 to vector<16xf32>
      %add3A_643 = arith.addf %select_n3A, %add3A_642 : vector<16xf32>
      %select_n3A_644 = arith.select %eq3A_637, %add3A_643, %select_n3A : vector<16xi1>, vector<16xf32>
      %broadcast_in_dim3A_645 = arith.constant 0 : i32
      %broadcast_in_dim3A_646 = vector.broadcast %broadcast_in_dim3A_645 : i32 to vector<16xi32>
      %broadcast_in_dim3A_647 = arith.constant 2 : i32
      %broadcast_in_dim3A_648 = vector.broadcast %broadcast_in_dim3A_647 : i32 to vector<16xi32>
      %slice3A_649 = vector.extract_strided_slice %and3A_38 {offsets = [2], sizes = [1], strides = [1]} : vector<16xi32> to vector<1xi32>
      %squeeze3A_650 = vector.extract %slice3A_649[0] : i32 from vector<1xi32>
      %add3A_651 = vector.broadcast %squeeze3A_650 : i32 to vector<16xi32>
      %add3A_652 = arith.addi %broadcast_in_dim3A_12, %add3A_651 : vector<16xi32>
      %slice3A_653 = vector.extract_strided_slice %and3A_47 {offsets = [2], sizes = [1], strides = [1]} : vector<16xi32> to vector<1xi32>
      %squeeze3A_654 = vector.extract %slice3A_653[0] : i32 from vector<1xi32>
      %add3A_655 = vector.broadcast %squeeze3A_654 : i32 to vector<16xi32>
      %add3A_656 = arith.addi %broadcast_in_dim3A_12, %add3A_655 : vector<16xi32>
      %gather3A_657 = tpu.vector_load_idx %arg11[%broadcast_in_dim3A_646, %broadcast_in_dim3A_648, %iota3A, %add3A_652] : memref<3x4x32x128xf32, #tpu.memory_space<vmem>>[vector<16xi32>, vector<16xi32>, vector<16xi32>, vector<16xi32>], vector<16xf32>,
      %gather3A_658 = tpu.vector_load_idx %arg11[%broadcast_in_dim3A_646, %broadcast_in_dim3A_648, %add3A_15, %add3A_652] : memref<3x4x32x128xf32, #tpu.memory_space<vmem>>[vector<16xi32>, vector<16xi32>, vector<16xi32>, vector<16xi32>], vector<16xf32>,
      %gather3A_659 = tpu.vector_load_idx %arg12[%broadcast_in_dim3A_646, %broadcast_in_dim3A_648, %iota3A, %add3A_656] : memref<3x4x32x128xf32, #tpu.memory_space<vmem>>[vector<16xi32>, vector<16xi32>, vector<16xi32>, vector<16xi32>], vector<16xf32>,
      %gather3A_660 = tpu.vector_load_idx %arg12[%broadcast_in_dim3A_646, %broadcast_in_dim3A_648, %add3A_15, %add3A_656] : memref<3x4x32x128xf32, #tpu.memory_space<vmem>>[vector<16xi32>, vector<16xi32>, vector<16xi32>, vector<16xi32>], vector<16xf32>,
      %mul3A_661 = arith.mulf %gather3A_657, %gather3A_659 : vector<16xf32>
      %mul3A_662 = arith.mulf %mul3A_661, %get3A_5 : vector<16xf32>
      %mul3A_663 = arith.mulf %gather3A_658, %gather3A_660 : vector<16xf32>
      %mul3A_664 = arith.mulf %mul3A_663, %get3A_9 : vector<16xf32>
      %add3A_665 = arith.addf %mul3A_662, %mul3A_664 : vector<16xf32>
      %eq3A_666 = arith.constant 2 : i32
      %eq3A_667 = vector.broadcast %eq3A_666 : i32 to vector<16xi32>
      %eq3A_668 = arith.cmpi eq, %iota3A, %eq3A_667 : vector<16xi32>
      %reduce_sum3A_669 = arith.constant true
      %reduce_sum3A_670 = vector.broadcast %reduce_sum3A_669 : i1 to vector<16xi1>
      %reduce_sum3A_671 = tpu.scan <sum>, %add3A_665 masked %reduce_sum3A_670 : vector<16xf32>, vector<16xi1> -> vector<16xf32>
      %reduce_sum3A_672 = vector.extract %reduce_sum3A_671[15] : f32 from vector<16xf32>
      %add3A_673 = vector.broadcast %reduce_sum3A_672 : f32 to vector<16xf32>
      %add3A_674 = arith.addf %select_n3A_644, %add3A_673 : vector<16xf32>
      %select_n3A_675 = arith.select %eq3A_668, %add3A_674, %select_n3A_644 : vector<16xi1>, vector<16xf32>
      %broadcast_in_dim3A_676 = arith.constant 0 : i32
      %broadcast_in_dim3A_677 = vector.broadcast %broadcast_in_dim3A_676 : i32 to vector<16xi32>
      %broadcast_in_dim3A_678 = arith.constant 3 : i32
      %broadcast_in_dim3A_679 = vector.broadcast %broadcast_in_dim3A_678 : i32 to vector<16xi32>
      %slice3A_680 = vector.extract_strided_slice %and3A_38 {offsets = [3], sizes = [1], strides = [1]} : vector<16xi32> to vector<1xi32>
      %squeeze3A_681 = vector.extract %slice3A_680[0] : i32 from vector<1xi32>
      %add3A_682 = vector.broadcast %squeeze3A_681 : i32 to vector<16xi32>
      %add3A_683 = arith.addi %broadcast_in_dim3A_12, %add3A_682 : vector<16xi32>
      %slice3A_684 = vector.extract_strided_slice %and3A_47 {offsets = [3], sizes = [1], strides = [1]} : vector<16xi32> to vector<1xi32>
      %squeeze3A_685 = vector.extract %slice3A_684[0] : i32 from vector<1xi32>
      %add3A_686 = vector.broadcast %squeeze3A_685 : i32 to vector<16xi32>
      %add3A_687 = arith.addi %broadcast_in_dim3A_12, %add3A_686 : vector<16xi32>
      %gather3A_688 = tpu.vector_load_idx %arg11[%broadcast_in_dim3A_677, %broadcast_in_dim3A_679, %iota3A, %add3A_683] : memref<3x4x32x128xf32, #tpu.memory_space<vmem>>[vector<16xi32>, vector<16xi32>, vector<16xi32>, vector<16xi32>], vector<16xf32>,
      %gather3A_689 = tpu.vector_load_idx %arg11[%broadcast_in_dim3A_677, %broadcast_in_dim3A_679, %add3A_15, %add3A_683] : memref<3x4x32x128xf32, #tpu.memory_space<vmem>>[vector<16xi32>, vector<16xi32>, vector<16xi32>, vector<16xi32>], vector<16xf32>,
      %gather3A_690 = tpu.vector_load_idx %arg12[%broadcast_in_dim3A_677, %broadcast_in_dim3A_679, %iota3A, %add3A_687] : memref<3x4x32x128xf32, #tpu.memory_space<vmem>>[vector<16xi32>, vector<16xi32>, vector<16xi32>, vector<16xi32>], vector<16xf32>,
      %gather3A_691 = tpu.vector_load_idx %arg12[%broadcast_in_dim3A_677, %broadcast_in_dim3A_679, %add3A_15, %add3A_687] : memref<3x4x32x128xf32, #tpu.memory_space<vmem>>[vector<16xi32>, vector<16xi32>, vector<16xi32>, vector<16xi32>], vector<16xf32>,
      %mul3A_692 = arith.mulf %gather3A_688, %gather3A_690 : vector<16xf32>
      %mul3A_693 = arith.mulf %mul3A_692, %get3A_5 : vector<16xf32>
      %mul3A_694 = arith.mulf %gather3A_689, %gather3A_691 : vector<16xf32>
      %mul3A_695 = arith.mulf %mul3A_694, %get3A_9 : vector<16xf32>
      %add3A_696 = arith.addf %mul3A_693, %mul3A_695 : vector<16xf32>
      %eq3A_697 = arith.constant 3 : i32
      %eq3A_698 = vector.broadcast %eq3A_697 : i32 to vector<16xi32>
      %eq3A_699 = arith.cmpi eq, %iota3A, %eq3A_698 : vector<16xi32>
      %reduce_sum3A_700 = arith.constant true
      %reduce_sum3A_701 = vector.broadcast %reduce_sum3A_700 : i1 to vector<16xi1>
      %reduce_sum3A_702 = tpu.scan <sum>, %add3A_696 masked %reduce_sum3A_701 : vector<16xf32>, vector<16xi1> -> vector<16xf32>
      %reduce_sum3A_703 = vector.extract %reduce_sum3A_702[15] : f32 from vector<16xf32>
      %add3A_704 = vector.broadcast %reduce_sum3A_703 : f32 to vector<16xf32>
      %add3A_705 = arith.addf %select_n3A_675, %add3A_704 : vector<16xf32>
      %select_n3A_706 = arith.select %eq3A_699, %add3A_705, %select_n3A_675 : vector<16xi1>, vector<16xf32>
      %slice3A_707 = vector.extract_strided_slice %mul3A_36 {offsets = [12], sizes = [1], strides = [1]} : vector<16xi32> to vector<1xi32>
      %squeeze3A_708 = vector.extract %slice3A_707[0] : i32 from vector<1xi32>
      %multiple_of3A_709 = tpu.assume_multiple %squeeze3A_708, 128 : i32
      %dma_start3A_710 = arith.constant 0 : i32
      %dma_start3A_711 = arith.constant 0 : i32
      %dma_start3A_712 = arith.constant 0 : i32
      %dma_start3A_713 = arith.constant 0 : i32
      %dma_start3A_714 = tpu.memref_slice %arg11[%dma_start3A_710, %dma_start3A_711, %dma_start3A_712, %dma_start3A_713] : memref<3x4x32x128xf32, #tpu.memory_space<vmem>> -> memref<1x1x32x128xf32, #tpu.memory_space<vmem>>
      %dma_start3A_715 = tpu.memref_squeeze %dma_start3A_714 : memref<1x1x32x128xf32, #tpu.memory_space<vmem>> -> memref<32x128xf32, #tpu.memory_space<vmem>>
      %dma_start3A_716 = arith.constant 0 : i32
      %dma_start3A_717 = tpu.memref_slice %arg2[%dma_start3A_716, %multiple_of3A_709] : memref<32x1000000xf32, #tpu.memory_space<hbm>> -> memref<32x128xf32, #tpu.memory_space<hbm>>
      %dma_start3A_718 = arith.constant 0 : i32
      %dma_start3A_719 = arith.constant 0 : i32
      %dma_start3A_720 = tpu.memref_slice %arg11[%dma_start3A_710, %dma_start3A_711, %dma_start3A_718, %dma_start3A_719] : memref<3x4x32x128xf32, #tpu.memory_space<vmem>> -> memref<1x1x32x128xf32, #tpu.memory_space<vmem>>
      %dma_start3A_721 = tpu.memref_squeeze %dma_start3A_720 : memref<1x1x32x128xf32, #tpu.memory_space<vmem>> -> memref<32x128xf32, #tpu.memory_space<vmem>>
      %dma_start3A_722 = arith.constant 0 : i32
      %dma_start3A_723 = tpu.memref_slice %arg2[%dma_start3A_722, %multiple_of3A_709] : memref<32x1000000xf32, #tpu.memory_space<hbm>> -> memref<32x128xf32, #tpu.memory_space<hbm>>
      tpu.enqueue_dma source(%dma_start3A_723 : memref<32x128xf32, #tpu.memory_space<hbm>>) target(%dma_start3A_721 : memref<32x128xf32, #tpu.memory_space<vmem>>) target_semaphore(%arg16 : memref<!tpu.dma_semaphore, #tpu.memory_space<semaphore_mem>>)
      %slice3A_724 = vector.extract_strided_slice %mul3A_44 {offsets = [12], sizes = [1], strides = [1]} : vector<16xi32> to vector<1xi32>
      %squeeze3A_725 = vector.extract %slice3A_724[0] : i32 from vector<1xi32>
      %multiple_of3A_726 = tpu.assume_multiple %squeeze3A_725, 128 : i32
      %dma_start3A_727 = arith.constant 0 : i32
      %dma_start3A_728 = arith.constant 0 : i32
      %dma_start3A_729 = arith.constant 0 : i32
      %dma_start3A_730 = arith.constant 0 : i32
      %dma_start3A_731 = tpu.memref_slice %arg12[%dma_start3A_727, %dma_start3A_728, %dma_start3A_729, %dma_start3A_730] : memref<3x4x32x128xf32, #tpu.memory_space<vmem>> -> memref<1x1x32x128xf32, #tpu.memory_space<vmem>>
      %dma_start3A_732 = tpu.memref_squeeze %dma_start3A_731 : memref<1x1x32x128xf32, #tpu.memory_space<vmem>> -> memref<32x128xf32, #tpu.memory_space<vmem>>
      %dma_start3A_733 = arith.constant 0 : i32
      %dma_start3A_734 = tpu.memref_slice %arg3[%dma_start3A_733, %multiple_of3A_726] : memref<32x1000000xf32, #tpu.memory_space<hbm>> -> memref<32x128xf32, #tpu.memory_space<hbm>>
      %dma_start3A_735 = arith.constant 0 : i32
      %dma_start3A_736 = arith.constant 0 : i32
      %dma_start3A_737 = tpu.memref_slice %arg12[%dma_start3A_727, %dma_start3A_728, %dma_start3A_735, %dma_start3A_736] : memref<3x4x32x128xf32, #tpu.memory_space<vmem>> -> memref<1x1x32x128xf32, #tpu.memory_space<vmem>>
      %dma_start3A_738 = tpu.memref_squeeze %dma_start3A_737 : memref<1x1x32x128xf32, #tpu.memory_space<vmem>> -> memref<32x128xf32, #tpu.memory_space<vmem>>
      %dma_start3A_739 = arith.constant 0 : i32
      %dma_start3A_740 = tpu.memref_slice %arg3[%dma_start3A_739, %multiple_of3A_726] : memref<32x1000000xf32, #tpu.memory_space<hbm>> -> memref<32x128xf32, #tpu.memory_space<hbm>>
      tpu.enqueue_dma source(%dma_start3A_740 : memref<32x128xf32, #tpu.memory_space<hbm>>) target(%dma_start3A_738 : memref<32x128xf32, #tpu.memory_space<vmem>>) target_semaphore(%arg16 : memref<!tpu.dma_semaphore, #tpu.memory_space<semaphore_mem>>)
      %slice3A_741 = vector.extract_strided_slice %mul3A_36 {offsets = [13], sizes = [1], strides = [1]} : vector<16xi32> to vector<1xi32>
      %squeeze3A_742 = vector.extract %slice3A_741[0] : i32 from vector<1xi32>
      %multiple_of3A_743 = tpu.assume_multiple %squeeze3A_742, 128 : i32
      %dma_start3A_744 = arith.constant 0 : i32
      %dma_start3A_745 = arith.constant 1 : i32
      %dma_start3A_746 = arith.constant 0 : i32
      %dma_start3A_747 = arith.constant 0 : i32
      %dma_start3A_748 = tpu.memref_slice %arg11[%dma_start3A_744, %dma_start3A_745, %dma_start3A_746, %dma_start3A_747] : memref<3x4x32x128xf32, #tpu.memory_space<vmem>> -> memref<1x1x32x128xf32, #tpu.memory_space<vmem>>
      %dma_start3A_749 = tpu.memref_squeeze %dma_start3A_748 : memref<1x1x32x128xf32, #tpu.memory_space<vmem>> -> memref<32x128xf32, #tpu.memory_space<vmem>>
      %dma_start3A_750 = arith.constant 0 : i32
      %dma_start3A_751 = tpu.memref_slice %arg2[%dma_start3A_750, %multiple_of3A_743] : memref<32x1000000xf32, #tpu.memory_space<hbm>> -> memref<32x128xf32, #tpu.memory_space<hbm>>
      %dma_start3A_752 = arith.constant 0 : i32
      %dma_start3A_753 = arith.constant 0 : i32
      %dma_start3A_754 = tpu.memref_slice %arg11[%dma_start3A_744, %dma_start3A_745, %dma_start3A_752, %dma_start3A_753] : memref<3x4x32x128xf32, #tpu.memory_space<vmem>> -> memref<1x1x32x128xf32, #tpu.memory_space<vmem>>
      %dma_start3A_755 = tpu.memref_squeeze %dma_start3A_754 : memref<1x1x32x128xf32, #tpu.memory_space<vmem>> -> memref<32x128xf32, #tpu.memory_space<vmem>>
      %dma_start3A_756 = arith.constant 0 : i32
      %dma_start3A_757 = tpu.memref_slice %arg2[%dma_start3A_756, %multiple_of3A_743] : memref<32x1000000xf32, #tpu.memory_space<hbm>> -> memref<32x128xf32, #tpu.memory_space<hbm>>
      tpu.enqueue_dma source(%dma_start3A_757 : memref<32x128xf32, #tpu.memory_space<hbm>>) target(%dma_start3A_755 : memref<32x128xf32, #tpu.memory_space<vmem>>) target_semaphore(%arg16 : memref<!tpu.dma_semaphore, #tpu.memory_space<semaphore_mem>>)
      %slice3A_758 = vector.extract_strided_slice %mul3A_44 {offsets = [13], sizes = [1], strides = [1]} : vector<16xi32> to vector<1xi32>
      %squeeze3A_759 = vector.extract %slice3A_758[0] : i32 from vector<1xi32>
      %multiple_of3A_760 = tpu.assume_multiple %squeeze3A_759, 128 : i32
      %dma_start3A_761 = arith.constant 0 : i32
      %dma_start3A_762 = arith.constant 1 : i32
      %dma_start3A_763 = arith.constant 0 : i32
      %dma_start3A_764 = arith.constant 0 : i32
      %dma_start3A_765 = tpu.memref_slice %arg12[%dma_start3A_761, %dma_start3A_762, %dma_start3A_763, %dma_start3A_764] : memref<3x4x32x128xf32, #tpu.memory_space<vmem>> -> memref<1x1x32x128xf32, #tpu.memory_space<vmem>>
      %dma_start3A_766 = tpu.memref_squeeze %dma_start3A_765 : memref<1x1x32x128xf32, #tpu.memory_space<vmem>> -> memref<32x128xf32, #tpu.memory_space<vmem>>
      %dma_start3A_767 = arith.constant 0 : i32
      %dma_start3A_768 = tpu.memref_slice %arg3[%dma_start3A_767, %multiple_of3A_760] : memref<32x1000000xf32, #tpu.memory_space<hbm>> -> memref<32x128xf32, #tpu.memory_space<hbm>>
      %dma_start3A_769 = arith.constant 0 : i32
      %dma_start3A_770 = arith.constant 0 : i32
      %dma_start3A_771 = tpu.memref_slice %arg12[%dma_start3A_761, %dma_start3A_762, %dma_start3A_769, %dma_start3A_770] : memref<3x4x32x128xf32, #tpu.memory_space<vmem>> -> memref<1x1x32x128xf32, #tpu.memory_space<vmem>>
      %dma_start3A_772 = tpu.memref_squeeze %dma_start3A_771 : memref<1x1x32x128xf32, #tpu.memory_space<vmem>> -> memref<32x128xf32, #tpu.memory_space<vmem>>
      %dma_start3A_773 = arith.constant 0 : i32
      %dma_start3A_774 = tpu.memref_slice %arg3[%dma_start3A_773, %multiple_of3A_760] : memref<32x1000000xf32, #tpu.memory_space<hbm>> -> memref<32x128xf32, #tpu.memory_space<hbm>>
      tpu.enqueue_dma source(%dma_start3A_774 : memref<32x128xf32, #tpu.memory_space<hbm>>) target(%dma_start3A_772 : memref<32x128xf32, #tpu.memory_space<vmem>>) target_semaphore(%arg16 : memref<!tpu.dma_semaphore, #tpu.memory_space<semaphore_mem>>)
      %slice3A_775 = vector.extract_strided_slice %mul3A_36 {offsets = [14], sizes = [1], strides = [1]} : vector<16xi32> to vector<1xi32>
      %squeeze3A_776 = vector.extract %slice3A_775[0] : i32 from vector<1xi32>
      %multiple_of3A_777 = tpu.assume_multiple %squeeze3A_776, 128 : i32
      %dma_start3A_778 = arith.constant 0 : i32
      %dma_start3A_779 = arith.constant 2 : i32
      %dma_start3A_780 = arith.constant 0 : i32
      %dma_start3A_781 = arith.constant 0 : i32
      %dma_start3A_782 = tpu.memref_slice %arg11[%dma_start3A_778, %dma_start3A_779, %dma_start3A_780, %dma_start3A_781] : memref<3x4x32x128xf32, #tpu.memory_space<vmem>> -> memref<1x1x32x128xf32, #tpu.memory_space<vmem>>
      %dma_start3A_783 = tpu.memref_squeeze %dma_start3A_782 : memref<1x1x32x128xf32, #tpu.memory_space<vmem>> -> memref<32x128xf32, #tpu.memory_space<vmem>>
      %dma_start3A_784 = arith.constant 0 : i32
      %dma_start3A_785 = tpu.memref_slice %arg2[%dma_start3A_784, %multiple_of3A_777] : memref<32x1000000xf32, #tpu.memory_space<hbm>> -> memref<32x128xf32, #tpu.memory_space<hbm>>
      %dma_start3A_786 = arith.constant 0 : i32
      %dma_start3A_787 = arith.constant 0 : i32
      %dma_start3A_788 = tpu.memref_slice %arg11[%dma_start3A_778, %dma_start3A_779, %dma_start3A_786, %dma_start3A_787] : memref<3x4x32x128xf32, #tpu.memory_space<vmem>> -> memref<1x1x32x128xf32, #tpu.memory_space<vmem>>
      %dma_start3A_789 = tpu.memref_squeeze %dma_start3A_788 : memref<1x1x32x128xf32, #tpu.memory_space<vmem>> -> memref<32x128xf32, #tpu.memory_space<vmem>>
      %dma_start3A_790 = arith.constant 0 : i32
      %dma_start3A_791 = tpu.memref_slice %arg2[%dma_start3A_790, %multiple_of3A_777] : memref<32x1000000xf32, #tpu.memory_space<hbm>> -> memref<32x128xf32, #tpu.memory_space<hbm>>
      tpu.enqueue_dma source(%dma_start3A_791 : memref<32x128xf32, #tpu.memory_space<hbm>>) target(%dma_start3A_789 : memref<32x128xf32, #tpu.memory_space<vmem>>) target_semaphore(%arg16 : memref<!tpu.dma_semaphore, #tpu.memory_space<semaphore_mem>>)
      %slice3A_792 = vector.extract_strided_slice %mul3A_44 {offsets = [14], sizes = [1], strides = [1]} : vector<16xi32> to vector<1xi32>
      %squeeze3A_793 = vector.extract %slice3A_792[0] : i32 from vector<1xi32>
      %multiple_of3A_794 = tpu.assume_multiple %squeeze3A_793, 128 : i32
      %dma_start3A_795 = arith.constant 0 : i32
      %dma_start3A_796 = arith.constant 2 : i32
      %dma_start3A_797 = arith.constant 0 : i32
      %dma_start3A_798 = arith.constant 0 : i32
      %dma_start3A_799 = tpu.memref_slice %arg12[%dma_start3A_795, %dma_start3A_796, %dma_start3A_797, %dma_start3A_798] : memref<3x4x32x128xf32, #tpu.memory_space<vmem>> -> memref<1x1x32x128xf32, #tpu.memory_space<vmem>>
      %dma_start3A_800 = tpu.memref_squeeze %dma_start3A_799 : memref<1x1x32x128xf32, #tpu.memory_space<vmem>> -> memref<32x128xf32, #tpu.memory_space<vmem>>
      %dma_start3A_801 = arith.constant 0 : i32
      %dma_start3A_802 = tpu.memref_slice %arg3[%dma_start3A_801, %multiple_of3A_794] : memref<32x1000000xf32, #tpu.memory_space<hbm>> -> memref<32x128xf32, #tpu.memory_space<hbm>>
      %dma_start3A_803 = arith.constant 0 : i32
      %dma_start3A_804 = arith.constant 0 : i32
      %dma_start3A_805 = tpu.memref_slice %arg12[%dma_start3A_795, %dma_start3A_796, %dma_start3A_803, %dma_start3A_804] : memref<3x4x32x128xf32, #tpu.memory_space<vmem>> -> memref<1x1x32x128xf32, #tpu.memory_space<vmem>>
      %dma_start3A_806 = tpu.memref_squeeze %dma_start3A_805 : memref<1x1x32x128xf32, #tpu.memory_space<vmem>> -> memref<32x128xf32, #tpu.memory_space<vmem>>
      %dma_start3A_807 = arith.constant 0 : i32
      %dma_start3A_808 = tpu.memref_slice %arg3[%dma_start3A_807, %multiple_of3A_794] : memref<32x1000000xf32, #tpu.memory_space<hbm>> -> memref<32x128xf32, #tpu.memory_space<hbm>>
      tpu.enqueue_dma source(%dma_start3A_808 : memref<32x128xf32, #tpu.memory_space<hbm>>) target(%dma_start3A_806 : memref<32x128xf32, #tpu.memory_space<vmem>>) target_semaphore(%arg16 : memref<!tpu.dma_semaphore, #tpu.memory_space<semaphore_mem>>)
      %slice3A_809 = vector.extract_strided_slice %mul3A_36 {offsets = [15], sizes = [1], strides = [1]} : vector<16xi32> to vector<1xi32>
      %squeeze3A_810 = vector.extract %slice3A_809[0] : i32 from vector<1xi32>
      %multiple_of3A_811 = tpu.assume_multiple %squeeze3A_810, 128 : i32
      %dma_start3A_812 = arith.constant 0 : i32
      %dma_start3A_813 = arith.constant 3 : i32
      %dma_start3A_814 = arith.constant 0 : i32
      %dma_start3A_815 = arith.constant 0 : i32
      %dma_start3A_816 = tpu.memref_slice %arg11[%dma_start3A_812, %dma_start3A_813, %dma_start3A_814, %dma_start3A_815] : memref<3x4x32x128xf32, #tpu.memory_space<vmem>> -> memref<1x1x32x128xf32, #tpu.memory_space<vmem>>
      %dma_start3A_817 = tpu.memref_squeeze %dma_start3A_816 : memref<1x1x32x128xf32, #tpu.memory_space<vmem>> -> memref<32x128xf32, #tpu.memory_space<vmem>>
      %dma_start3A_818 = arith.constant 0 : i32
      %dma_start3A_819 = tpu.memref_slice %arg2[%dma_start3A_818, %multiple_of3A_811] : memref<32x1000000xf32, #tpu.memory_space<hbm>> -> memref<32x128xf32, #tpu.memory_space<hbm>>
      %dma_start3A_820 = arith.constant 0 : i32
      %dma_start3A_821 = arith.constant 0 : i32
      %dma_start3A_822 = tpu.memref_slice %arg11[%dma_start3A_812, %dma_start3A_813, %dma_start3A_820, %dma_start3A_821] : memref<3x4x32x128xf32, #tpu.memory_space<vmem>> -> memref<1x1x32x128xf32, #tpu.memory_space<vmem>>
      %dma_start3A_823 = tpu.memref_squeeze %dma_start3A_822 : memref<1x1x32x128xf32, #tpu.memory_space<vmem>> -> memref<32x128xf32, #tpu.memory_space<vmem>>
      %dma_start3A_824 = arith.constant 0 : i32
      %dma_start3A_825 = tpu.memref_slice %arg2[%dma_start3A_824, %multiple_of3A_811] : memref<32x1000000xf32, #tpu.memory_space<hbm>> -> memref<32x128xf32, #tpu.memory_space<hbm>>
      tpu.enqueue_dma source(%dma_start3A_825 : memref<32x128xf32, #tpu.memory_space<hbm>>) target(%dma_start3A_823 : memref<32x128xf32, #tpu.memory_space<vmem>>) target_semaphore(%arg16 : memref<!tpu.dma_semaphore, #tpu.memory_space<semaphore_mem>>)
      %slice3A_826 = vector.extract_strided_slice %mul3A_44 {offsets = [15], sizes = [1], strides = [1]} : vector<16xi32> to vector<1xi32>
      %squeeze3A_827 = vector.extract %slice3A_826[0] : i32 from vector<1xi32>
      %multiple_of3A_828 = tpu.assume_multiple %squeeze3A_827, 128 : i32
      %dma_start3A_829 = arith.constant 0 : i32
      %dma_start3A_830 = arith.constant 3 : i32
      %dma_start3A_831 = arith.constant 0 : i32
      %dma_start3A_832 = arith.constant 0 : i32
      %dma_start3A_833 = tpu.memref_slice %arg12[%dma_start3A_829, %dma_start3A_830, %dma_start3A_831, %dma_start3A_832] : memref<3x4x32x128xf32, #tpu.memory_space<vmem>> -> memref<1x1x32x128xf32, #tpu.memory_space<vmem>>
      %dma_start3A_834 = tpu.memref_squeeze %dma_start3A_833 : memref<1x1x32x128xf32, #tpu.memory_space<vmem>> -> memref<32x128xf32, #tpu.memory_space<vmem>>
      %dma_start3A_835 = arith.constant 0 : i32
      %dma_start3A_836 = tpu.memref_slice %arg3[%dma_start3A_835, %multiple_of3A_828] : memref<32x1000000xf32, #tpu.memory_space<hbm>> -> memref<32x128xf32, #tpu.memory_space<hbm>>
      %dma_start3A_837 = arith.constant 0 : i32
      %dma_start3A_838 = arith.constant 0 : i32
      %dma_start3A_839 = tpu.memref_slice %arg12[%dma_start3A_829, %dma_start3A_830, %dma_start3A_837, %dma_start3A_838] : memref<3x4x32x128xf32, #tpu.memory_space<vmem>> -> memref<1x1x32x128xf32, #tpu.memory_space<vmem>>
      %dma_start3A_840 = tpu.memref_squeeze %dma_start3A_839 : memref<1x1x32x128xf32, #tpu.memory_space<vmem>> -> memref<32x128xf32, #tpu.memory_space<vmem>>
      %dma_start3A_841 = arith.constant 0 : i32
      %dma_start3A_842 = tpu.memref_slice %arg3[%dma_start3A_841, %multiple_of3A_828] : memref<32x1000000xf32, #tpu.memory_space<hbm>> -> memref<32x128xf32, #tpu.memory_space<hbm>>
      tpu.enqueue_dma source(%dma_start3A_842 : memref<32x128xf32, #tpu.memory_space<hbm>>) target(%dma_start3A_840 : memref<32x128xf32, #tpu.memory_space<vmem>>) target_semaphore(%arg16 : memref<!tpu.dma_semaphore, #tpu.memory_space<semaphore_mem>>)
      %slice3A_843 = vector.extract_strided_slice %mul3A_36 {offsets = [4], sizes = [1], strides = [1]} : vector<16xi32> to vector<1xi32>
      %squeeze3A_844 = vector.extract %slice3A_843[0] : i32 from vector<1xi32>
      %multiple_of3A_845 = tpu.assume_multiple %squeeze3A_844, 128 : i32
      %dma_wait3A_846 = arith.constant 1 : i32
      %dma_wait3A_847 = arith.constant 0 : i32
      %dma_wait3A_848 = arith.constant 0 : i32
      %dma_wait3A_849 = arith.constant 0 : i32
      %dma_wait3A_850 = tpu.memref_slice %arg11[%dma_wait3A_846, %dma_wait3A_847, %dma_wait3A_848, %dma_wait3A_849] : memref<3x4x32x128xf32, #tpu.memory_space<vmem>> -> memref<1x1x32x128xf32, #tpu.memory_space<vmem>>
      %dma_wait3A_851 = tpu.memref_squeeze %dma_wait3A_850 : memref<1x1x32x128xf32, #tpu.memory_space<vmem>> -> memref<32x128xf32, #tpu.memory_space<vmem>>
      %dma_wait3A_852 = arith.constant 0 : i32
      %dma_wait3A_853 = tpu.memref_slice %arg2[%dma_wait3A_852, %multiple_of3A_845] : memref<32x1000000xf32, #tpu.memory_space<hbm>> -> memref<32x128xf32, #tpu.memory_space<hbm>>
      %dma_wait3A_854 = arith.constant 0 : i32
      %dma_wait3A_855 = arith.constant 0 : i32
      %dma_wait3A_856 = tpu.memref_slice %arg11[%dma_wait3A_846, %dma_wait3A_847, %dma_wait3A_854, %dma_wait3A_855] : memref<3x4x32x128xf32, #tpu.memory_space<vmem>> -> memref<1x1x32x128xf32, #tpu.memory_space<vmem>>
      %dma_wait3A_857 = tpu.memref_squeeze %dma_wait3A_856 : memref<1x1x32x128xf32, #tpu.memory_space<vmem>> -> memref<32x128xf32, #tpu.memory_space<vmem>>
      %dma_wait3A_858 = arith.constant 0 : i32
      %dma_wait3A_859 = tpu.memref_slice %arg2[%dma_wait3A_858, %multiple_of3A_845] : memref<32x1000000xf32, #tpu.memory_space<hbm>> -> memref<32x128xf32, #tpu.memory_space<hbm>>
      tpu.wait_dma2 semaphore(%arg16 : memref<!tpu.dma_semaphore, #tpu.memory_space<semaphore_mem>>) src(%dma_wait3A_859 : memref<32x128xf32, #tpu.memory_space<hbm>>) dst(%dma_wait3A_857 : memref<32x128xf32, #tpu.memory_space<vmem>>)
      %slice3A_860 = vector.extract_strided_slice %mul3A_44 {offsets = [4], sizes = [1], strides = [1]} : vector<16xi32> to vector<1xi32>
      %squeeze3A_861 = vector.extract %slice3A_860[0] : i32 from vector<1xi32>
      %multiple_of3A_862 = tpu.assume_multiple %squeeze3A_861, 128 : i32
      %dma_wait3A_863 = arith.constant 1 : i32
      %dma_wait3A_864 = arith.constant 0 : i32
      %dma_wait3A_865 = arith.constant 0 : i32
      %dma_wait3A_866 = arith.constant 0 : i32
      %dma_wait3A_867 = tpu.memref_slice %arg12[%dma_wait3A_863, %dma_wait3A_864, %dma_wait3A_865, %dma_wait3A_866] : memref<3x4x32x128xf32, #tpu.memory_space<vmem>> -> memref<1x1x32x128xf32, #tpu.memory_space<vmem>>
      %dma_wait3A_868 = tpu.memref_squeeze %dma_wait3A_867 : memref<1x1x32x128xf32, #tpu.memory_space<vmem>> -> memref<32x128xf32, #tpu.memory_space<vmem>>
      %dma_wait3A_869 = arith.constant 0 : i32
      %dma_wait3A_870 = tpu.memref_slice %arg3[%dma_wait3A_869, %multiple_of3A_862] : memref<32x1000000xf32, #tpu.memory_space<hbm>> -> memref<32x128xf32, #tpu.memory_space<hbm>>
      %dma_wait3A_871 = arith.constant 0 : i32
      %dma_wait3A_872 = arith.constant 0 : i32
      %dma_wait3A_873 = tpu.memref_slice %arg12[%dma_wait3A_863, %dma_wait3A_864, %dma_wait3A_871, %dma_wait3A_872] : memref<3x4x32x128xf32, #tpu.memory_space<vmem>> -> memref<1x1x32x128xf32, #tpu.memory_space<vmem>>
      %dma_wait3A_874 = tpu.memref_squeeze %dma_wait3A_873 : memref<1x1x32x128xf32, #tpu.memory_space<vmem>> -> memref<32x128xf32, #tpu.memory_space<vmem>>
      %dma_wait3A_875 = arith.constant 0 : i32
      %dma_wait3A_876 = tpu.memref_slice %arg3[%dma_wait3A_875, %multiple_of3A_862] : memref<32x1000000xf32, #tpu.memory_space<hbm>> -> memref<32x128xf32, #tpu.memory_space<hbm>>
      tpu.wait_dma2 semaphore(%arg16 : memref<!tpu.dma_semaphore, #tpu.memory_space<semaphore_mem>>) src(%dma_wait3A_876 : memref<32x128xf32, #tpu.memory_space<hbm>>) dst(%dma_wait3A_874 : memref<32x128xf32, #tpu.memory_space<vmem>>)
      %slice3A_877 = vector.extract_strided_slice %mul3A_36 {offsets = [5], sizes = [1], strides = [1]} : vector<16xi32> to vector<1xi32>
      %squeeze3A_878 = vector.extract %slice3A_877[0] : i32 from vector<1xi32>
      %multiple_of3A_879 = tpu.assume_multiple %squeeze3A_878, 128 : i32
      %dma_wait3A_880 = arith.constant 1 : i32
      %dma_wait3A_881 = arith.constant 1 : i32
      %dma_wait3A_882 = arith.constant 0 : i32
      %dma_wait3A_883 = arith.constant 0 : i32
      %dma_wait3A_884 = tpu.memref_slice %arg11[%dma_wait3A_880, %dma_wait3A_881, %dma_wait3A_882, %dma_wait3A_883] : memref<3x4x32x128xf32, #tpu.memory_space<vmem>> -> memref<1x1x32x128xf32, #tpu.memory_space<vmem>>
      %dma_wait3A_885 = tpu.memref_squeeze %dma_wait3A_884 : memref<1x1x32x128xf32, #tpu.memory_space<vmem>> -> memref<32x128xf32, #tpu.memory_space<vmem>>
      %dma_wait3A_886 = arith.constant 0 : i32
      %dma_wait3A_887 = tpu.memref_slice %arg2[%dma_wait3A_886, %multiple_of3A_879] : memref<32x1000000xf32, #tpu.memory_space<hbm>> -> memref<32x128xf32, #tpu.memory_space<hbm>>
      %dma_wait3A_888 = arith.constant 0 : i32
      %dma_wait3A_889 = arith.constant 0 : i32
      %dma_wait3A_890 = tpu.memref_slice %arg11[%dma_wait3A_880, %dma_wait3A_881, %dma_wait3A_888, %dma_wait3A_889] : memref<3x4x32x128xf32, #tpu.memory_space<vmem>> -> memref<1x1x32x128xf32, #tpu.memory_space<vmem>>
      %dma_wait3A_891 = tpu.memref_squeeze %dma_wait3A_890 : memref<1x1x32x128xf32, #tpu.memory_space<vmem>> -> memref<32x128xf32, #tpu.memory_space<vmem>>
      %dma_wait3A_892 = arith.constant 0 : i32
      %dma_wait3A_893 = tpu.memref_slice %arg2[%dma_wait3A_892, %multiple_of3A_879] : memref<32x1000000xf32, #tpu.memory_space<hbm>> -> memref<32x128xf32, #tpu.memory_space<hbm>>
      tpu.wait_dma2 semaphore(%arg16 : memref<!tpu.dma_semaphore, #tpu.memory_space<semaphore_mem>>) src(%dma_wait3A_893 : memref<32x128xf32, #tpu.memory_space<hbm>>) dst(%dma_wait3A_891 : memref<32x128xf32, #tpu.memory_space<vmem>>)
      %slice3A_894 = vector.extract_strided_slice %mul3A_44 {offsets = [5], sizes = [1], strides = [1]} : vector<16xi32> to vector<1xi32>
      %squeeze3A_895 = vector.extract %slice3A_894[0] : i32 from vector<1xi32>
      %multiple_of3A_896 = tpu.assume_multiple %squeeze3A_895, 128 : i32
      %dma_wait3A_897 = arith.constant 1 : i32
      %dma_wait3A_898 = arith.constant 1 : i32
      %dma_wait3A_899 = arith.constant 0 : i32
      %dma_wait3A_900 = arith.constant 0 : i32
      %dma_wait3A_901 = tpu.memref_slice %arg12[%dma_wait3A_897, %dma_wait3A_898, %dma_wait3A_899, %dma_wait3A_900] : memref<3x4x32x128xf32, #tpu.memory_space<vmem>> -> memref<1x1x32x128xf32, #tpu.memory_space<vmem>>
      %dma_wait3A_902 = tpu.memref_squeeze %dma_wait3A_901 : memref<1x1x32x128xf32, #tpu.memory_space<vmem>> -> memref<32x128xf32, #tpu.memory_space<vmem>>
      %dma_wait3A_903 = arith.constant 0 : i32
      %dma_wait3A_904 = tpu.memref_slice %arg3[%dma_wait3A_903, %multiple_of3A_896] : memref<32x1000000xf32, #tpu.memory_space<hbm>> -> memref<32x128xf32, #tpu.memory_space<hbm>>
      %dma_wait3A_905 = arith.constant 0 : i32
      %dma_wait3A_906 = arith.constant 0 : i32
      %dma_wait3A_907 = tpu.memref_slice %arg12[%dma_wait3A_897, %dma_wait3A_898, %dma_wait3A_905, %dma_wait3A_906] : memref<3x4x32x128xf32, #tpu.memory_space<vmem>> -> memref<1x1x32x128xf32, #tpu.memory_space<vmem>>
      %dma_wait3A_908 = tpu.memref_squeeze %dma_wait3A_907 : memref<1x1x32x128xf32, #tpu.memory_space<vmem>> -> memref<32x128xf32, #tpu.memory_space<vmem>>
      %dma_wait3A_909 = arith.constant 0 : i32
      %dma_wait3A_910 = tpu.memref_slice %arg3[%dma_wait3A_909, %multiple_of3A_896] : memref<32x1000000xf32, #tpu.memory_space<hbm>> -> memref<32x128xf32, #tpu.memory_space<hbm>>
      tpu.wait_dma2 semaphore(%arg16 : memref<!tpu.dma_semaphore, #tpu.memory_space<semaphore_mem>>) src(%dma_wait3A_910 : memref<32x128xf32, #tpu.memory_space<hbm>>) dst(%dma_wait3A_908 : memref<32x128xf32, #tpu.memory_space<vmem>>)
      %slice3A_911 = vector.extract_strided_slice %mul3A_36 {offsets = [6], sizes = [1], strides = [1]} : vector<16xi32> to vector<1xi32>
      %squeeze3A_912 = vector.extract %slice3A_911[0] : i32 from vector<1xi32>
      %multiple_of3A_913 = tpu.assume_multiple %squeeze3A_912, 128 : i32
      %dma_wait3A_914 = arith.constant 1 : i32
      %dma_wait3A_915 = arith.constant 2 : i32
      %dma_wait3A_916 = arith.constant 0 : i32
      %dma_wait3A_917 = arith.constant 0 : i32
      %dma_wait3A_918 = tpu.memref_slice %arg11[%dma_wait3A_914, %dma_wait3A_915, %dma_wait3A_916, %dma_wait3A_917] : memref<3x4x32x128xf32, #tpu.memory_space<vmem>> -> memref<1x1x32x128xf32, #tpu.memory_space<vmem>>
      %dma_wait3A_919 = tpu.memref_squeeze %dma_wait3A_918 : memref<1x1x32x128xf32, #tpu.memory_space<vmem>> -> memref<32x128xf32, #tpu.memory_space<vmem>>
      %dma_wait3A_920 = arith.constant 0 : i32
      %dma_wait3A_921 = tpu.memref_slice %arg2[%dma_wait3A_920, %multiple_of3A_913] : memref<32x1000000xf32, #tpu.memory_space<hbm>> -> memref<32x128xf32, #tpu.memory_space<hbm>>
      %dma_wait3A_922 = arith.constant 0 : i32
      %dma_wait3A_923 = arith.constant 0 : i32
      %dma_wait3A_924 = tpu.memref_slice %arg11[%dma_wait3A_914, %dma_wait3A_915, %dma_wait3A_922, %dma_wait3A_923] : memref<3x4x32x128xf32, #tpu.memory_space<vmem>> -> memref<1x1x32x128xf32, #tpu.memory_space<vmem>>
      %dma_wait3A_925 = tpu.memref_squeeze %dma_wait3A_924 : memref<1x1x32x128xf32, #tpu.memory_space<vmem>> -> memref<32x128xf32, #tpu.memory_space<vmem>>
      %dma_wait3A_926 = arith.constant 0 : i32
      %dma_wait3A_927 = tpu.memref_slice %arg2[%dma_wait3A_926, %multiple_of3A_913] : memref<32x1000000xf32, #tpu.memory_space<hbm>> -> memref<32x128xf32, #tpu.memory_space<hbm>>
      tpu.wait_dma2 semaphore(%arg16 : memref<!tpu.dma_semaphore, #tpu.memory_space<semaphore_mem>>) src(%dma_wait3A_927 : memref<32x128xf32, #tpu.memory_space<hbm>>) dst(%dma_wait3A_925 : memref<32x128xf32, #tpu.memory_space<vmem>>)
      %slice3A_928 = vector.extract_strided_slice %mul3A_44 {offsets = [6], sizes = [1], strides = [1]} : vector<16xi32> to vector<1xi32>
      %squeeze3A_929 = vector.extract %slice3A_928[0] : i32 from vector<1xi32>
      %multiple_of3A_930 = tpu.assume_multiple %squeeze3A_929, 128 : i32
      %dma_wait3A_931 = arith.constant 1 : i32
      %dma_wait3A_932 = arith.constant 2 : i32
      %dma_wait3A_933 = arith.constant 0 : i32
      %dma_wait3A_934 = arith.constant 0 : i32
      %dma_wait3A_935 = tpu.memref_slice %arg12[%dma_wait3A_931, %dma_wait3A_932, %dma_wait3A_933, %dma_wait3A_934] : memref<3x4x32x128xf32, #tpu.memory_space<vmem>> -> memref<1x1x32x128xf32, #tpu.memory_space<vmem>>
      %dma_wait3A_936 = tpu.memref_squeeze %dma_wait3A_935 : memref<1x1x32x128xf32, #tpu.memory_space<vmem>> -> memref<32x128xf32, #tpu.memory_space<vmem>>
      %dma_wait3A_937 = arith.constant 0 : i32
      %dma_wait3A_938 = tpu.memref_slice %arg3[%dma_wait3A_937, %multiple_of3A_930] : memref<32x1000000xf32, #tpu.memory_space<hbm>> -> memref<32x128xf32, #tpu.memory_space<hbm>>
      %dma_wait3A_939 = arith.constant 0 : i32
      %dma_wait3A_940 = arith.constant 0 : i32
      %dma_wait3A_941 = tpu.memref_slice %arg12[%dma_wait3A_931, %dma_wait3A_932, %dma_wait3A_939, %dma_wait3A_940] : memref<3x4x32x128xf32, #tpu.memory_space<vmem>> -> memref<1x1x32x128xf32, #tpu.memory_space<vmem>>
      %dma_wait3A_942 = tpu.memref_squeeze %dma_wait3A_941 : memref<1x1x32x128xf32, #tpu.memory_space<vmem>> -> memref<32x128xf32, #tpu.memory_space<vmem>>
      %dma_wait3A_943 = arith.constant 0 : i32
      %dma_wait3A_944 = tpu.memref_slice %arg3[%dma_wait3A_943, %multiple_of3A_930] : memref<32x1000000xf32, #tpu.memory_space<hbm>> -> memref<32x128xf32, #tpu.memory_space<hbm>>
      tpu.wait_dma2 semaphore(%arg16 : memref<!tpu.dma_semaphore, #tpu.memory_space<semaphore_mem>>) src(%dma_wait3A_944 : memref<32x128xf32, #tpu.memory_space<hbm>>) dst(%dma_wait3A_942 : memref<32x128xf32, #tpu.memory_space<vmem>>)
      %slice3A_945 = vector.extract_strided_slice %mul3A_36 {offsets = [7], sizes = [1], strides = [1]} : vector<16xi32> to vector<1xi32>
      %squeeze3A_946 = vector.extract %slice3A_945[0] : i32 from vector<1xi32>
      %multiple_of3A_947 = tpu.assume_multiple %squeeze3A_946, 128 : i32
      %dma_wait3A_948 = arith.constant 1 : i32
      %dma_wait3A_949 = arith.constant 3 : i32
      %dma_wait3A_950 = arith.constant 0 : i32
      %dma_wait3A_951 = arith.constant 0 : i32
      %dma_wait3A_952 = tpu.memref_slice %arg11[%dma_wait3A_948, %dma_wait3A_949, %dma_wait3A_950, %dma_wait3A_951] : memref<3x4x32x128xf32, #tpu.memory_space<vmem>> -> memref<1x1x32x128xf32, #tpu.memory_space<vmem>>
      %dma_wait3A_953 = tpu.memref_squeeze %dma_wait3A_952 : memref<1x1x32x128xf32, #tpu.memory_space<vmem>> -> memref<32x128xf32, #tpu.memory_space<vmem>>
      %dma_wait3A_954 = arith.constant 0 : i32
      %dma_wait3A_955 = tpu.memref_slice %arg2[%dma_wait3A_954, %multiple_of3A_947] : memref<32x1000000xf32, #tpu.memory_space<hbm>> -> memref<32x128xf32, #tpu.memory_space<hbm>>
      %dma_wait3A_956 = arith.constant 0 : i32
      %dma_wait3A_957 = arith.constant 0 : i32
      %dma_wait3A_958 = tpu.memref_slice %arg11[%dma_wait3A_948, %dma_wait3A_949, %dma_wait3A_956, %dma_wait3A_957] : memref<3x4x32x128xf32, #tpu.memory_space<vmem>> -> memref<1x1x32x128xf32, #tpu.memory_space<vmem>>
      %dma_wait3A_959 = tpu.memref_squeeze %dma_wait3A_958 : memref<1x1x32x128xf32, #tpu.memory_space<vmem>> -> memref<32x128xf32, #tpu.memory_space<vmem>>
      %dma_wait3A_960 = arith.constant 0 : i32
      %dma_wait3A_961 = tpu.memref_slice %arg2[%dma_wait3A_960, %multiple_of3A_947] : memref<32x1000000xf32, #tpu.memory_space<hbm>> -> memref<32x128xf32, #tpu.memory_space<hbm>>
      tpu.wait_dma2 semaphore(%arg16 : memref<!tpu.dma_semaphore, #tpu.memory_space<semaphore_mem>>) src(%dma_wait3A_961 : memref<32x128xf32, #tpu.memory_space<hbm>>) dst(%dma_wait3A_959 : memref<32x128xf32, #tpu.memory_space<vmem>>)
      %slice3A_962 = vector.extract_strided_slice %mul3A_44 {offsets = [7], sizes = [1], strides = [1]} : vector<16xi32> to vector<1xi32>
      %squeeze3A_963 = vector.extract %slice3A_962[0] : i32 from vector<1xi32>
      %multiple_of3A_964 = tpu.assume_multiple %squeeze3A_963, 128 : i32
      %dma_wait3A_965 = arith.constant 1 : i32
      %dma_wait3A_966 = arith.constant 3 : i32
      %dma_wait3A_967 = arith.constant 0 : i32
      %dma_wait3A_968 = arith.constant 0 : i32
      %dma_wait3A_969 = tpu.memref_slice %arg12[%dma_wait3A_965, %dma_wait3A_966, %dma_wait3A_967, %dma_wait3A_968] : memref<3x4x32x128xf32, #tpu.memory_space<vmem>> -> memref<1x1x32x128xf32, #tpu.memory_space<vmem>>
      %dma_wait3A_970 = tpu.memref_squeeze %dma_wait3A_969 : memref<1x1x32x128xf32, #tpu.memory_space<vmem>> -> memref<32x128xf32, #tpu.memory_space<vmem>>
      %dma_wait3A_971 = arith.constant 0 : i32
      %dma_wait3A_972 = tpu.memref_slice %arg3[%dma_wait3A_971, %multiple_of3A_964] : memref<32x1000000xf32, #tpu.memory_space<hbm>> -> memref<32x128xf32, #tpu.memory_space<hbm>>
      %dma_wait3A_973 = arith.constant 0 : i32
      %dma_wait3A_974 = arith.constant 0 : i32
      %dma_wait3A_975 = tpu.memref_slice %arg12[%dma_wait3A_965, %dma_wait3A_966, %dma_wait3A_973, %dma_wait3A_974] : memref<3x4x32x128xf32, #tpu.memory_space<vmem>> -> memref<1x1x32x128xf32, #tpu.memory_space<vmem>>
      %dma_wait3A_976 = tpu.memref_squeeze %dma_wait3A_975 : memref<1x1x32x128xf32, #tpu.memory_space<vmem>> -> memref<32x128xf32, #tpu.memory_space<vmem>>
      %dma_wait3A_977 = arith.constant 0 : i32
      %dma_wait3A_978 = tpu.memref_slice %arg3[%dma_wait3A_977, %multiple_of3A_964] : memref<32x1000000xf32, #tpu.memory_space<hbm>> -> memref<32x128xf32, #tpu.memory_space<hbm>>
      tpu.wait_dma2 semaphore(%arg16 : memref<!tpu.dma_semaphore, #tpu.memory_space<semaphore_mem>>) src(%dma_wait3A_978 : memref<32x128xf32, #tpu.memory_space<hbm>>) dst(%dma_wait3A_976 : memref<32x128xf32, #tpu.memory_space<vmem>>)
      %broadcast_in_dim3A_979 = arith.constant 1 : i32
      %broadcast_in_dim3A_980 = vector.broadcast %broadcast_in_dim3A_979 : i32 to vector<16xi32>
      %broadcast_in_dim3A_981 = arith.constant 0 : i32
      %broadcast_in_dim3A_982 = vector.broadcast %broadcast_in_dim3A_981 : i32 to vector<16xi32>
      %slice3A_983 = vector.extract_strided_slice %and3A_38 {offsets = [4], sizes = [1], strides = [1]} : vector<16xi32> to vector<1xi32>
      %squeeze3A_984 = vector.extract %slice3A_983[0] : i32 from vector<1xi32>
      %add3A_985 = vector.broadcast %squeeze3A_984 : i32 to vector<16xi32>
      %add3A_986 = arith.addi %broadcast_in_dim3A_12, %add3A_985 : vector<16xi32>
      %slice3A_987 = vector.extract_strided_slice %and3A_47 {offsets = [4], sizes = [1], strides = [1]} : vector<16xi32> to vector<1xi32>
      %squeeze3A_988 = vector.extract %slice3A_987[0] : i32 from vector<1xi32>
      %add3A_989 = vector.broadcast %squeeze3A_988 : i32 to vector<16xi32>
      %add3A_990 = arith.addi %broadcast_in_dim3A_12, %add3A_989 : vector<16xi32>
      %gather3A_991 = tpu.vector_load_idx %arg11[%broadcast_in_dim3A_980, %broadcast_in_dim3A_982, %iota3A, %add3A_986] : memref<3x4x32x128xf32, #tpu.memory_space<vmem>>[vector<16xi32>, vector<16xi32>, vector<16xi32>, vector<16xi32>], vector<16xf32>,
      %gather3A_992 = tpu.vector_load_idx %arg11[%broadcast_in_dim3A_980, %broadcast_in_dim3A_982, %add3A_15, %add3A_986] : memref<3x4x32x128xf32, #tpu.memory_space<vmem>>[vector<16xi32>, vector<16xi32>, vector<16xi32>, vector<16xi32>], vector<16xf32>,
      %gather3A_993 = tpu.vector_load_idx %arg12[%broadcast_in_dim3A_980, %broadcast_in_dim3A_982, %iota3A, %add3A_990] : memref<3x4x32x128xf32, #tpu.memory_space<vmem>>[vector<16xi32>, vector<16xi32>, vector<16xi32>, vector<16xi32>], vector<16xf32>,
      %gather3A_994 = tpu.vector_load_idx %arg12[%broadcast_in_dim3A_980, %broadcast_in_dim3A_982, %add3A_15, %add3A_990] : memref<3x4x32x128xf32, #tpu.memory_space<vmem>>[vector<16xi32>, vector<16xi32>, vector<16xi32>, vector<16xi32>], vector<16xf32>,
      %mul3A_995 = arith.mulf %gather3A_991, %gather3A_993 : vector<16xf32>
      %mul3A_996 = arith.mulf %mul3A_995, %get3A_5 : vector<16xf32>
      %mul3A_997 = arith.mulf %gather3A_992, %gather3A_994 : vector<16xf32>
      %mul3A_998 = arith.mulf %mul3A_997, %get3A_9 : vector<16xf32>
      %add3A_999 = arith.addf %mul3A_996, %mul3A_998 : vector<16xf32>
      %eq3A_1000 = arith.constant 4 : i32
      %eq3A_1001 = vector.broadcast %eq3A_1000 : i32 to vector<16xi32>
      %eq3A_1002 = arith.cmpi eq, %iota3A, %eq3A_1001 : vector<16xi32>
      %reduce_sum3A_1003 = arith.constant true
      %reduce_sum3A_1004 = vector.broadcast %reduce_sum3A_1003 : i1 to vector<16xi1>
      %reduce_sum3A_1005 = tpu.scan <sum>, %add3A_999 masked %reduce_sum3A_1004 : vector<16xf32>, vector<16xi1> -> vector<16xf32>
      %reduce_sum3A_1006 = vector.extract %reduce_sum3A_1005[15] : f32 from vector<16xf32>
      %add3A_1007 = vector.broadcast %reduce_sum3A_1006 : f32 to vector<16xf32>
      %add3A_1008 = arith.addf %select_n3A_706, %add3A_1007 : vector<16xf32>
      %select_n3A_1009 = arith.select %eq3A_1002, %add3A_1008, %select_n3A_706 : vector<16xi1>, vector<16xf32>
      %broadcast_in_dim3A_1010 = arith.constant 1 : i32
      %broadcast_in_dim3A_1011 = vector.broadcast %broadcast_in_dim3A_1010 : i32 to vector<16xi32>
      %broadcast_in_dim3A_1012 = arith.constant 1 : i32
      %broadcast_in_dim3A_1013 = vector.broadcast %broadcast_in_dim3A_1012 : i32 to vector<16xi32>
      %slice3A_1014 = vector.extract_strided_slice %and3A_38 {offsets = [5], sizes = [1], strides = [1]} : vector<16xi32> to vector<1xi32>
      %squeeze3A_1015 = vector.extract %slice3A_1014[0] : i32 from vector<1xi32>
      %add3A_1016 = vector.broadcast %squeeze3A_1015 : i32 to vector<16xi32>
      %add3A_1017 = arith.addi %broadcast_in_dim3A_12, %add3A_1016 : vector<16xi32>
      %slice3A_1018 = vector.extract_strided_slice %and3A_47 {offsets = [5], sizes = [1], strides = [1]} : vector<16xi32> to vector<1xi32>
      %squeeze3A_1019 = vector.extract %slice3A_1018[0] : i32 from vector<1xi32>
      %add3A_1020 = vector.broadcast %squeeze3A_1019 : i32 to vector<16xi32>
      %add3A_1021 = arith.addi %broadcast_in_dim3A_12, %add3A_1020 : vector<16xi32>
      %gather3A_1022 = tpu.vector_load_idx %arg11[%broadcast_in_dim3A_1011, %broadcast_in_dim3A_1013, %iota3A, %add3A_1017] : memref<3x4x32x128xf32, #tpu.memory_space<vmem>>[vector<16xi32>, vector<16xi32>, vector<16xi32>, vector<16xi32>], vector<16xf32>,
      %gather3A_1023 = tpu.vector_load_idx %arg11[%broadcast_in_dim3A_1011, %broadcast_in_dim3A_1013, %add3A_15, %add3A_1017] : memref<3x4x32x128xf32, #tpu.memory_space<vmem>>[vector<16xi32>, vector<16xi32>, vector<16xi32>, vector<16xi32>], vector<16xf32>,
      %gather3A_1024 = tpu.vector_load_idx %arg12[%broadcast_in_dim3A_1011, %broadcast_in_dim3A_1013, %iota3A, %add3A_1021] : memref<3x4x32x128xf32, #tpu.memory_space<vmem>>[vector<16xi32>, vector<16xi32>, vector<16xi32>, vector<16xi32>], vector<16xf32>,
      %gather3A_1025 = tpu.vector_load_idx %arg12[%broadcast_in_dim3A_1011, %broadcast_in_dim3A_1013, %add3A_15, %add3A_1021] : memref<3x4x32x128xf32, #tpu.memory_space<vmem>>[vector<16xi32>, vector<16xi32>, vector<16xi32>, vector<16xi32>], vector<16xf32>,
      %mul3A_1026 = arith.mulf %gather3A_1022, %gather3A_1024 : vector<16xf32>
      %mul3A_1027 = arith.mulf %mul3A_1026, %get3A_5 : vector<16xf32>
      %mul3A_1028 = arith.mulf %gather3A_1023, %gather3A_1025 : vector<16xf32>
      %mul3A_1029 = arith.mulf %mul3A_1028, %get3A_9 : vector<16xf32>
      %add3A_1030 = arith.addf %mul3A_1027, %mul3A_1029 : vector<16xf32>
      %eq3A_1031 = arith.constant 5 : i32
      %eq3A_1032 = vector.broadcast %eq3A_1031 : i32 to vector<16xi32>
      %eq3A_1033 = arith.cmpi eq, %iota3A, %eq3A_1032 : vector<16xi32>
      %reduce_sum3A_1034 = arith.constant true
      %reduce_sum3A_1035 = vector.broadcast %reduce_sum3A_1034 : i1 to vector<16xi1>
      %reduce_sum3A_1036 = tpu.scan <sum>, %add3A_1030 masked %reduce_sum3A_1035 : vector<16xf32>, vector<16xi1> -> vector<16xf32>
      %reduce_sum3A_1037 = vector.extract %reduce_sum3A_1036[15] : f32 from vector<16xf32>
      %add3A_1038 = vector.broadcast %reduce_sum3A_1037 : f32 to vector<16xf32>
      %add3A_1039 = arith.addf %select_n3A_1009, %add3A_1038 : vector<16xf32>
      %select_n3A_1040 = arith.select %eq3A_1033, %add3A_1039, %select_n3A_1009 : vector<16xi1>, vector<16xf32>
      %broadcast_in_dim3A_1041 = arith.constant 1 : i32
      %broadcast_in_dim3A_1042 = vector.broadcast %broadcast_in_dim3A_1041 : i32 to vector<16xi32>
      %broadcast_in_dim3A_1043 = arith.constant 2 : i32
      %broadcast_in_dim3A_1044 = vector.broadcast %broadcast_in_dim3A_1043 : i32 to vector<16xi32>
      %slice3A_1045 = vector.extract_strided_slice %and3A_38 {offsets = [6], sizes = [1], strides = [1]} : vector<16xi32> to vector<1xi32>
      %squeeze3A_1046 = vector.extract %slice3A_1045[0] : i32 from vector<1xi32>
      %add3A_1047 = vector.broadcast %squeeze3A_1046 : i32 to vector<16xi32>
      %add3A_1048 = arith.addi %broadcast_in_dim3A_12, %add3A_1047 : vector<16xi32>
      %slice3A_1049 = vector.extract_strided_slice %and3A_47 {offsets = [6], sizes = [1], strides = [1]} : vector<16xi32> to vector<1xi32>
      %squeeze3A_1050 = vector.extract %slice3A_1049[0] : i32 from vector<1xi32>
      %add3A_1051 = vector.broadcast %squeeze3A_1050 : i32 to vector<16xi32>
      %add3A_1052 = arith.addi %broadcast_in_dim3A_12, %add3A_1051 : vector<16xi32>
      %gather3A_1053 = tpu.vector_load_idx %arg11[%broadcast_in_dim3A_1042, %broadcast_in_dim3A_1044, %iota3A, %add3A_1048] : memref<3x4x32x128xf32, #tpu.memory_space<vmem>>[vector<16xi32>, vector<16xi32>, vector<16xi32>, vector<16xi32>], vector<16xf32>,
      %gather3A_1054 = tpu.vector_load_idx %arg11[%broadcast_in_dim3A_1042, %broadcast_in_dim3A_1044, %add3A_15, %add3A_1048] : memref<3x4x32x128xf32, #tpu.memory_space<vmem>>[vector<16xi32>, vector<16xi32>, vector<16xi32>, vector<16xi32>], vector<16xf32>,
      %gather3A_1055 = tpu.vector_load_idx %arg12[%broadcast_in_dim3A_1042, %broadcast_in_dim3A_1044, %iota3A, %add3A_1052] : memref<3x4x32x128xf32, #tpu.memory_space<vmem>>[vector<16xi32>, vector<16xi32>, vector<16xi32>, vector<16xi32>], vector<16xf32>,
      %gather3A_1056 = tpu.vector_load_idx %arg12[%broadcast_in_dim3A_1042, %broadcast_in_dim3A_1044, %add3A_15, %add3A_1052] : memref<3x4x32x128xf32, #tpu.memory_space<vmem>>[vector<16xi32>, vector<16xi32>, vector<16xi32>, vector<16xi32>], vector<16xf32>,
      %mul3A_1057 = arith.mulf %gather3A_1053, %gather3A_1055 : vector<16xf32>
      %mul3A_1058 = arith.mulf %mul3A_1057, %get3A_5 : vector<16xf32>
      %mul3A_1059 = arith.mulf %gather3A_1054, %gather3A_1056 : vector<16xf32>
      %mul3A_1060 = arith.mulf %mul3A_1059, %get3A_9 : vector<16xf32>
      %add3A_1061 = arith.addf %mul3A_1058, %mul3A_1060 : vector<16xf32>
      %eq3A_1062 = arith.constant 6 : i32
      %eq3A_1063 = vector.broadcast %eq3A_1062 : i32 to vector<16xi32>
      %eq3A_1064 = arith.cmpi eq, %iota3A, %eq3A_1063 : vector<16xi32>
      %reduce_sum3A_1065 = arith.constant true
      %reduce_sum3A_1066 = vector.broadcast %reduce_sum3A_1065 : i1 to vector<16xi1>
      %reduce_sum3A_1067 = tpu.scan <sum>, %add3A_1061 masked %reduce_sum3A_1066 : vector<16xf32>, vector<16xi1> -> vector<16xf32>
      %reduce_sum3A_1068 = vector.extract %reduce_sum3A_1067[15] : f32 from vector<16xf32>
      %add3A_1069 = vector.broadcast %reduce_sum3A_1068 : f32 to vector<16xf32>
      %add3A_1070 = arith.addf %select_n3A_1040, %add3A_1069 : vector<16xf32>
      %select_n3A_1071 = arith.select %eq3A_1064, %add3A_1070, %select_n3A_1040 : vector<16xi1>, vector<16xf32>
      %broadcast_in_dim3A_1072 = arith.constant 1 : i32
      %broadcast_in_dim3A_1073 = vector.broadcast %broadcast_in_dim3A_1072 : i32 to vector<16xi32>
      %broadcast_in_dim3A_1074 = arith.constant 3 : i32
      %broadcast_in_dim3A_1075 = vector.broadcast %broadcast_in_dim3A_1074 : i32 to vector<16xi32>
      %slice3A_1076 = vector.extract_strided_slice %and3A_38 {offsets = [7], sizes = [1], strides = [1]} : vector<16xi32> to vector<1xi32>
      %squeeze3A_1077 = vector.extract %slice3A_1076[0] : i32 from vector<1xi32>
      %add3A_1078 = vector.broadcast %squeeze3A_1077 : i32 to vector<16xi32>
      %add3A_1079 = arith.addi %broadcast_in_dim3A_12, %add3A_1078 : vector<16xi32>
      %slice3A_1080 = vector.extract_strided_slice %and3A_47 {offsets = [7], sizes = [1], strides = [1]} : vector<16xi32> to vector<1xi32>
      %squeeze3A_1081 = vector.extract %slice3A_1080[0] : i32 from vector<1xi32>
      %add3A_1082 = vector.broadcast %squeeze3A_1081 : i32 to vector<16xi32>
      %add3A_1083 = arith.addi %broadcast_in_dim3A_12, %add3A_1082 : vector<16xi32>
      %gather3A_1084 = tpu.vector_load_idx %arg11[%broadcast_in_dim3A_1073, %broadcast_in_dim3A_1075, %iota3A, %add3A_1079] : memref<3x4x32x128xf32, #tpu.memory_space<vmem>>[vector<16xi32>, vector<16xi32>, vector<16xi32>, vector<16xi32>], vector<16xf32>,
      %gather3A_1085 = tpu.vector_load_idx %arg11[%broadcast_in_dim3A_1073, %broadcast_in_dim3A_1075, %add3A_15, %add3A_1079] : memref<3x4x32x128xf32, #tpu.memory_space<vmem>>[vector<16xi32>, vector<16xi32>, vector<16xi32>, vector<16xi32>], vector<16xf32>,
      %gather3A_1086 = tpu.vector_load_idx %arg12[%broadcast_in_dim3A_1073, %broadcast_in_dim3A_1075, %iota3A, %add3A_1083] : memref<3x4x32x128xf32, #tpu.memory_space<vmem>>[vector<16xi32>, vector<16xi32>, vector<16xi32>, vector<16xi32>], vector<16xf32>,
      %gather3A_1087 = tpu.vector_load_idx %arg12[%broadcast_in_dim3A_1073, %broadcast_in_dim3A_1075, %add3A_15, %add3A_1083] : memref<3x4x32x128xf32, #tpu.memory_space<vmem>>[vector<16xi32>, vector<16xi32>, vector<16xi32>, vector<16xi32>], vector<16xf32>,
      %mul3A_1088 = arith.mulf %gather3A_1084, %gather3A_1086 : vector<16xf32>
      %mul3A_1089 = arith.mulf %mul3A_1088, %get3A_5 : vector<16xf32>
      %mul3A_1090 = arith.mulf %gather3A_1085, %gather3A_1087 : vector<16xf32>
      %mul3A_1091 = arith.mulf %mul3A_1090, %get3A_9 : vector<16xf32>
      %add3A_1092 = arith.addf %mul3A_1089, %mul3A_1091 : vector<16xf32>
      %eq3A_1093 = arith.constant 7 : i32
      %eq3A_1094 = vector.broadcast %eq3A_1093 : i32 to vector<16xi32>
      %eq3A_1095 = arith.cmpi eq, %iota3A, %eq3A_1094 : vector<16xi32>
      %reduce_sum3A_1096 = arith.constant true
      %reduce_sum3A_1097 = vector.broadcast %reduce_sum3A_1096 : i1 to vector<16xi1>
      %reduce_sum3A_1098 = tpu.scan <sum>, %add3A_1092 masked %reduce_sum3A_1097 : vector<16xf32>, vector<16xi1> -> vector<16xf32>
      %reduce_sum3A_1099 = vector.extract %reduce_sum3A_1098[15] : f32 from vector<16xf32>
      %add3A_1100 = vector.broadcast %reduce_sum3A_1099 : f32 to vector<16xf32>
      %add3A_1101 = arith.addf %select_n3A_1071, %add3A_1100 : vector<16xf32>
      %select_n3A_1102 = arith.select %eq3A_1095, %add3A_1101, %select_n3A_1071 : vector<16xi1>, vector<16xf32>
      %slice3A_1103 = vector.extract_strided_slice %mul3A_36 {offsets = [8], sizes = [1], strides = [1]} : vector<16xi32> to vector<1xi32>
      %squeeze3A_1104 = vector.extract %slice3A_1103[0] : i32 from vector<1xi32>
      %multiple_of3A_1105 = tpu.assume_multiple %squeeze3A_1104, 128 : i32
      %dma_wait3A_1106 = arith.constant 2 : i32
      %dma_wait3A_1107 = arith.constant 0 : i32
      %dma_wait3A_1108 = arith.constant 0 : i32
      %dma_wait3A_1109 = arith.constant 0 : i32
      %dma_wait3A_1110 = tpu.memref_slice %arg11[%dma_wait3A_1106, %dma_wait3A_1107, %dma_wait3A_1108, %dma_wait3A_1109] : memref<3x4x32x128xf32, #tpu.memory_space<vmem>> -> memref<1x1x32x128xf32, #tpu.memory_space<vmem>>
      %dma_wait3A_1111 = tpu.memref_squeeze %dma_wait3A_1110 : memref<1x1x32x128xf32, #tpu.memory_space<vmem>> -> memref<32x128xf32, #tpu.memory_space<vmem>>
      %dma_wait3A_1112 = arith.constant 0 : i32
      %dma_wait3A_1113 = tpu.memref_slice %arg2[%dma_wait3A_1112, %multiple_of3A_1105] : memref<32x1000000xf32, #tpu.memory_space<hbm>> -> memref<32x128xf32, #tpu.memory_space<hbm>>
      %dma_wait3A_1114 = arith.constant 0 : i32
      %dma_wait3A_1115 = arith.constant 0 : i32
      %dma_wait3A_1116 = tpu.memref_slice %arg11[%dma_wait3A_1106, %dma_wait3A_1107, %dma_wait3A_1114, %dma_wait3A_1115] : memref<3x4x32x128xf32, #tpu.memory_space<vmem>> -> memref<1x1x32x128xf32, #tpu.memory_space<vmem>>
      %dma_wait3A_1117 = tpu.memref_squeeze %dma_wait3A_1116 : memref<1x1x32x128xf32, #tpu.memory_space<vmem>> -> memref<32x128xf32, #tpu.memory_space<vmem>>
      %dma_wait3A_1118 = arith.constant 0 : i32
      %dma_wait3A_1119 = tpu.memref_slice %arg2[%dma_wait3A_1118, %multiple_of3A_1105] : memref<32x1000000xf32, #tpu.memory_space<hbm>> -> memref<32x128xf32, #tpu.memory_space<hbm>>
      tpu.wait_dma2 semaphore(%arg16 : memref<!tpu.dma_semaphore, #tpu.memory_space<semaphore_mem>>) src(%dma_wait3A_1119 : memref<32x128xf32, #tpu.memory_space<hbm>>) dst(%dma_wait3A_1117 : memref<32x128xf32, #tpu.memory_space<vmem>>)
      %slice3A_1120 = vector.extract_strided_slice %mul3A_44 {offsets = [8], sizes = [1], strides = [1]} : vector<16xi32> to vector<1xi32>
      %squeeze3A_1121 = vector.extract %slice3A_1120[0] : i32 from vector<1xi32>
      %multiple_of3A_1122 = tpu.assume_multiple %squeeze3A_1121, 128 : i32
      %dma_wait3A_1123 = arith.constant 2 : i32
      %dma_wait3A_1124 = arith.constant 0 : i32
      %dma_wait3A_1125 = arith.constant 0 : i32
      %dma_wait3A_1126 = arith.constant 0 : i32
      %dma_wait3A_1127 = tpu.memref_slice %arg12[%dma_wait3A_1123, %dma_wait3A_1124, %dma_wait3A_1125, %dma_wait3A_1126] : memref<3x4x32x128xf32, #tpu.memory_space<vmem>> -> memref<1x1x32x128xf32, #tpu.memory_space<vmem>>
      %dma_wait3A_1128 = tpu.memref_squeeze %dma_wait3A_1127 : memref<1x1x32x128xf32, #tpu.memory_space<vmem>> -> memref<32x128xf32, #tpu.memory_space<vmem>>
      %dma_wait3A_1129 = arith.constant 0 : i32
      %dma_wait3A_1130 = tpu.memref_slice %arg3[%dma_wait3A_1129, %multiple_of3A_1122] : memref<32x1000000xf32, #tpu.memory_space<hbm>> -> memref<32x128xf32, #tpu.memory_space<hbm>>
      %dma_wait3A_1131 = arith.constant 0 : i32
      %dma_wait3A_1132 = arith.constant 0 : i32
      %dma_wait3A_1133 = tpu.memref_slice %arg12[%dma_wait3A_1123, %dma_wait3A_1124, %dma_wait3A_1131, %dma_wait3A_1132] : memref<3x4x32x128xf32, #tpu.memory_space<vmem>> -> memref<1x1x32x128xf32, #tpu.memory_space<vmem>>
      %dma_wait3A_1134 = tpu.memref_squeeze %dma_wait3A_1133 : memref<1x1x32x128xf32, #tpu.memory_space<vmem>> -> memref<32x128xf32, #tpu.memory_space<vmem>>
      %dma_wait3A_1135 = arith.constant 0 : i32
      %dma_wait3A_1136 = tpu.memref_slice %arg3[%dma_wait3A_1135, %multiple_of3A_1122] : memref<32x1000000xf32, #tpu.memory_space<hbm>> -> memref<32x128xf32, #tpu.memory_space<hbm>>
      tpu.wait_dma2 semaphore(%arg16 : memref<!tpu.dma_semaphore, #tpu.memory_space<semaphore_mem>>) src(%dma_wait3A_1136 : memref<32x128xf32, #tpu.memory_space<hbm>>) dst(%dma_wait3A_1134 : memref<32x128xf32, #tpu.memory_space<vmem>>)
      %slice3A_1137 = vector.extract_strided_slice %mul3A_36 {offsets = [9], sizes = [1], strides = [1]} : vector<16xi32> to vector<1xi32>
      %squeeze3A_1138 = vector.extract %slice3A_1137[0] : i32 from vector<1xi32>
      %multiple_of3A_1139 = tpu.assume_multiple %squeeze3A_1138, 128 : i32
      %dma_wait3A_1140 = arith.constant 2 : i32
      %dma_wait3A_1141 = arith.constant 1 : i32
      %dma_wait3A_1142 = arith.constant 0 : i32
      %dma_wait3A_1143 = arith.constant 0 : i32
      %dma_wait3A_1144 = tpu.memref_slice %arg11[%dma_wait3A_1140, %dma_wait3A_1141, %dma_wait3A_1142, %dma_wait3A_1143] : memref<3x4x32x128xf32, #tpu.memory_space<vmem>> -> memref<1x1x32x128xf32, #tpu.memory_space<vmem>>
      %dma_wait3A_1145 = tpu.memref_squeeze %dma_wait3A_1144 : memref<1x1x32x128xf32, #tpu.memory_space<vmem>> -> memref<32x128xf32, #tpu.memory_space<vmem>>
      %dma_wait3A_1146 = arith.constant 0 : i32
      %dma_wait3A_1147 = tpu.memref_slice %arg2[%dma_wait3A_1146, %multiple_of3A_1139] : memref<32x1000000xf32, #tpu.memory_space<hbm>> -> memref<32x128xf32, #tpu.memory_space<hbm>>
      %dma_wait3A_1148 = arith.constant 0 : i32
      %dma_wait3A_1149 = arith.constant 0 : i32
      %dma_wait3A_1150 = tpu.memref_slice %arg11[%dma_wait3A_1140, %dma_wait3A_1141, %dma_wait3A_1148, %dma_wait3A_1149] : memref<3x4x32x128xf32, #tpu.memory_space<vmem>> -> memref<1x1x32x128xf32, #tpu.memory_space<vmem>>
      %dma_wait3A_1151 = tpu.memref_squeeze %dma_wait3A_1150 : memref<1x1x32x128xf32, #tpu.memory_space<vmem>> -> memref<32x128xf32, #tpu.memory_space<vmem>>
      %dma_wait3A_1152 = arith.constant 0 : i32
      %dma_wait3A_1153 = tpu.memref_slice %arg2[%dma_wait3A_1152, %multiple_of3A_1139] : memref<32x1000000xf32, #tpu.memory_space<hbm>> -> memref<32x128xf32, #tpu.memory_space<hbm>>
      tpu.wait_dma2 semaphore(%arg16 : memref<!tpu.dma_semaphore, #tpu.memory_space<semaphore_mem>>) src(%dma_wait3A_1153 : memref<32x128xf32, #tpu.memory_space<hbm>>) dst(%dma_wait3A_1151 : memref<32x128xf32, #tpu.memory_space<vmem>>)
      %slice3A_1154 = vector.extract_strided_slice %mul3A_44 {offsets = [9], sizes = [1], strides = [1]} : vector<16xi32> to vector<1xi32>
      %squeeze3A_1155 = vector.extract %slice3A_1154[0] : i32 from vector<1xi32>
      %multiple_of3A_1156 = tpu.assume_multiple %squeeze3A_1155, 128 : i32
      %dma_wait3A_1157 = arith.constant 2 : i32
      %dma_wait3A_1158 = arith.constant 1 : i32
      %dma_wait3A_1159 = arith.constant 0 : i32
      %dma_wait3A_1160 = arith.constant 0 : i32
      %dma_wait3A_1161 = tpu.memref_slice %arg12[%dma_wait3A_1157, %dma_wait3A_1158, %dma_wait3A_1159, %dma_wait3A_1160] : memref<3x4x32x128xf32, #tpu.memory_space<vmem>> -> memref<1x1x32x128xf32, #tpu.memory_space<vmem>>
      %dma_wait3A_1162 = tpu.memref_squeeze %dma_wait3A_1161 : memref<1x1x32x128xf32, #tpu.memory_space<vmem>> -> memref<32x128xf32, #tpu.memory_space<vmem>>
      %dma_wait3A_1163 = arith.constant 0 : i32
      %dma_wait3A_1164 = tpu.memref_slice %arg3[%dma_wait3A_1163, %multiple_of3A_1156] : memref<32x1000000xf32, #tpu.memory_space<hbm>> -> memref<32x128xf32, #tpu.memory_space<hbm>>
      %dma_wait3A_1165 = arith.constant 0 : i32
      %dma_wait3A_1166 = arith.constant 0 : i32
      %dma_wait3A_1167 = tpu.memref_slice %arg12[%dma_wait3A_1157, %dma_wait3A_1158, %dma_wait3A_1165, %dma_wait3A_1166] : memref<3x4x32x128xf32, #tpu.memory_space<vmem>> -> memref<1x1x32x128xf32, #tpu.memory_space<vmem>>
      %dma_wait3A_1168 = tpu.memref_squeeze %dma_wait3A_1167 : memref<1x1x32x128xf32, #tpu.memory_space<vmem>> -> memref<32x128xf32, #tpu.memory_space<vmem>>
      %dma_wait3A_1169 = arith.constant 0 : i32
      %dma_wait3A_1170 = tpu.memref_slice %arg3[%dma_wait3A_1169, %multiple_of3A_1156] : memref<32x1000000xf32, #tpu.memory_space<hbm>> -> memref<32x128xf32, #tpu.memory_space<hbm>>
      tpu.wait_dma2 semaphore(%arg16 : memref<!tpu.dma_semaphore, #tpu.memory_space<semaphore_mem>>) src(%dma_wait3A_1170 : memref<32x128xf32, #tpu.memory_space<hbm>>) dst(%dma_wait3A_1168 : memref<32x128xf32, #tpu.memory_space<vmem>>)
      %slice3A_1171 = vector.extract_strided_slice %mul3A_36 {offsets = [10], sizes = [1], strides = [1]} : vector<16xi32> to vector<1xi32>
      %squeeze3A_1172 = vector.extract %slice3A_1171[0] : i32 from vector<1xi32>
      %multiple_of3A_1173 = tpu.assume_multiple %squeeze3A_1172, 128 : i32
      %dma_wait3A_1174 = arith.constant 2 : i32
      %dma_wait3A_1175 = arith.constant 2 : i32
      %dma_wait3A_1176 = arith.constant 0 : i32
      %dma_wait3A_1177 = arith.constant 0 : i32
      %dma_wait3A_1178 = tpu.memref_slice %arg11[%dma_wait3A_1174, %dma_wait3A_1175, %dma_wait3A_1176, %dma_wait3A_1177] : memref<3x4x32x128xf32, #tpu.memory_space<vmem>> -> memref<1x1x32x128xf32, #tpu.memory_space<vmem>>
      %dma_wait3A_1179 = tpu.memref_squeeze %dma_wait3A_1178 : memref<1x1x32x128xf32, #tpu.memory_space<vmem>> -> memref<32x128xf32, #tpu.memory_space<vmem>>
      %dma_wait3A_1180 = arith.constant 0 : i32
      %dma_wait3A_1181 = tpu.memref_slice %arg2[%dma_wait3A_1180, %multiple_of3A_1173] : memref<32x1000000xf32, #tpu.memory_space<hbm>> -> memref<32x128xf32, #tpu.memory_space<hbm>>
      %dma_wait3A_1182 = arith.constant 0 : i32
      %dma_wait3A_1183 = arith.constant 0 : i32
      %dma_wait3A_1184 = tpu.memref_slice %arg11[%dma_wait3A_1174, %dma_wait3A_1175, %dma_wait3A_1182, %dma_wait3A_1183] : memref<3x4x32x128xf32, #tpu.memory_space<vmem>> -> memref<1x1x32x128xf32, #tpu.memory_space<vmem>>
      %dma_wait3A_1185 = tpu.memref_squeeze %dma_wait3A_1184 : memref<1x1x32x128xf32, #tpu.memory_space<vmem>> -> memref<32x128xf32, #tpu.memory_space<vmem>>
      %dma_wait3A_1186 = arith.constant 0 : i32
      %dma_wait3A_1187 = tpu.memref_slice %arg2[%dma_wait3A_1186, %multiple_of3A_1173] : memref<32x1000000xf32, #tpu.memory_space<hbm>> -> memref<32x128xf32, #tpu.memory_space<hbm>>
      tpu.wait_dma2 semaphore(%arg16 : memref<!tpu.dma_semaphore, #tpu.memory_space<semaphore_mem>>) src(%dma_wait3A_1187 : memref<32x128xf32, #tpu.memory_space<hbm>>) dst(%dma_wait3A_1185 : memref<32x128xf32, #tpu.memory_space<vmem>>)
      %slice3A_1188 = vector.extract_strided_slice %mul3A_44 {offsets = [10], sizes = [1], strides = [1]} : vector<16xi32> to vector<1xi32>
      %squeeze3A_1189 = vector.extract %slice3A_1188[0] : i32 from vector<1xi32>
      %multiple_of3A_1190 = tpu.assume_multiple %squeeze3A_1189, 128 : i32
      %dma_wait3A_1191 = arith.constant 2 : i32
      %dma_wait3A_1192 = arith.constant 2 : i32
      %dma_wait3A_1193 = arith.constant 0 : i32
      %dma_wait3A_1194 = arith.constant 0 : i32
      %dma_wait3A_1195 = tpu.memref_slice %arg12[%dma_wait3A_1191, %dma_wait3A_1192, %dma_wait3A_1193, %dma_wait3A_1194] : memref<3x4x32x128xf32, #tpu.memory_space<vmem>> -> memref<1x1x32x128xf32, #tpu.memory_space<vmem>>
      %dma_wait3A_1196 = tpu.memref_squeeze %dma_wait3A_1195 : memref<1x1x32x128xf32, #tpu.memory_space<vmem>> -> memref<32x128xf32, #tpu.memory_space<vmem>>
      %dma_wait3A_1197 = arith.constant 0 : i32
      %dma_wait3A_1198 = tpu.memref_slice %arg3[%dma_wait3A_1197, %multiple_of3A_1190] : memref<32x1000000xf32, #tpu.memory_space<hbm>> -> memref<32x128xf32, #tpu.memory_space<hbm>>
      %dma_wait3A_1199 = arith.constant 0 : i32
      %dma_wait3A_1200 = arith.constant 0 : i32
      %dma_wait3A_1201 = tpu.memref_slice %arg12[%dma_wait3A_1191, %dma_wait3A_1192, %dma_wait3A_1199, %dma_wait3A_1200] : memref<3x4x32x128xf32, #tpu.memory_space<vmem>> -> memref<1x1x32x128xf32, #tpu.memory_space<vmem>>
      %dma_wait3A_1202 = tpu.memref_squeeze %dma_wait3A_1201 : memref<1x1x32x128xf32, #tpu.memory_space<vmem>> -> memref<32x128xf32, #tpu.memory_space<vmem>>
      %dma_wait3A_1203 = arith.constant 0 : i32
      %dma_wait3A_1204 = tpu.memref_slice %arg3[%dma_wait3A_1203, %multiple_of3A_1190] : memref<32x1000000xf32, #tpu.memory_space<hbm>> -> memref<32x128xf32, #tpu.memory_space<hbm>>
      tpu.wait_dma2 semaphore(%arg16 : memref<!tpu.dma_semaphore, #tpu.memory_space<semaphore_mem>>) src(%dma_wait3A_1204 : memref<32x128xf32, #tpu.memory_space<hbm>>) dst(%dma_wait3A_1202 : memref<32x128xf32, #tpu.memory_space<vmem>>)
      %slice3A_1205 = vector.extract_strided_slice %mul3A_36 {offsets = [11], sizes = [1], strides = [1]} : vector<16xi32> to vector<1xi32>
      %squeeze3A_1206 = vector.extract %slice3A_1205[0] : i32 from vector<1xi32>
      %multiple_of3A_1207 = tpu.assume_multiple %squeeze3A_1206, 128 : i32
      %dma_wait3A_1208 = arith.constant 2 : i32
      %dma_wait3A_1209 = arith.constant 3 : i32
      %dma_wait3A_1210 = arith.constant 0 : i32
      %dma_wait3A_1211 = arith.constant 0 : i32
      %dma_wait3A_1212 = tpu.memref_slice %arg11[%dma_wait3A_1208, %dma_wait3A_1209, %dma_wait3A_1210, %dma_wait3A_1211] : memref<3x4x32x128xf32, #tpu.memory_space<vmem>> -> memref<1x1x32x128xf32, #tpu.memory_space<vmem>>
      %dma_wait3A_1213 = tpu.memref_squeeze %dma_wait3A_1212 : memref<1x1x32x128xf32, #tpu.memory_space<vmem>> -> memref<32x128xf32, #tpu.memory_space<vmem>>
      %dma_wait3A_1214 = arith.constant 0 : i32
      %dma_wait3A_1215 = tpu.memref_slice %arg2[%dma_wait3A_1214, %multiple_of3A_1207] : memref<32x1000000xf32, #tpu.memory_space<hbm>> -> memref<32x128xf32, #tpu.memory_space<hbm>>
      %dma_wait3A_1216 = arith.constant 0 : i32
      %dma_wait3A_1217 = arith.constant 0 : i32
      %dma_wait3A_1218 = tpu.memref_slice %arg11[%dma_wait3A_1208, %dma_wait3A_1209, %dma_wait3A_1216, %dma_wait3A_1217] : memref<3x4x32x128xf32, #tpu.memory_space<vmem>> -> memref<1x1x32x128xf32, #tpu.memory_space<vmem>>
      %dma_wait3A_1219 = tpu.memref_squeeze %dma_wait3A_1218 : memref<1x1x32x128xf32, #tpu.memory_space<vmem>> -> memref<32x128xf32, #tpu.memory_space<vmem>>
      %dma_wait3A_1220 = arith.constant 0 : i32
      %dma_wait3A_1221 = tpu.memref_slice %arg2[%dma_wait3A_1220, %multiple_of3A_1207] : memref<32x1000000xf32, #tpu.memory_space<hbm>> -> memref<32x128xf32, #tpu.memory_space<hbm>>
      tpu.wait_dma2 semaphore(%arg16 : memref<!tpu.dma_semaphore, #tpu.memory_space<semaphore_mem>>) src(%dma_wait3A_1221 : memref<32x128xf32, #tpu.memory_space<hbm>>) dst(%dma_wait3A_1219 : memref<32x128xf32, #tpu.memory_space<vmem>>)
      %slice3A_1222 = vector.extract_strided_slice %mul3A_44 {offsets = [11], sizes = [1], strides = [1]} : vector<16xi32> to vector<1xi32>
      %squeeze3A_1223 = vector.extract %slice3A_1222[0] : i32 from vector<1xi32>
      %multiple_of3A_1224 = tpu.assume_multiple %squeeze3A_1223, 128 : i32
      %dma_wait3A_1225 = arith.constant 2 : i32
      %dma_wait3A_1226 = arith.constant 3 : i32
      %dma_wait3A_1227 = arith.constant 0 : i32
      %dma_wait3A_1228 = arith.constant 0 : i32
      %dma_wait3A_1229 = tpu.memref_slice %arg12[%dma_wait3A_1225, %dma_wait3A_1226, %dma_wait3A_1227, %dma_wait3A_1228] : memref<3x4x32x128xf32, #tpu.memory_space<vmem>> -> memref<1x1x32x128xf32, #tpu.memory_space<vmem>>
      %dma_wait3A_1230 = tpu.memref_squeeze %dma_wait3A_1229 : memref<1x1x32x128xf32, #tpu.memory_space<vmem>> -> memref<32x128xf32, #tpu.memory_space<vmem>>
      %dma_wait3A_1231 = arith.constant 0 : i32
      %dma_wait3A_1232 = tpu.memref_slice %arg3[%dma_wait3A_1231, %multiple_of3A_1224] : memref<32x1000000xf32, #tpu.memory_space<hbm>> -> memref<32x128xf32, #tpu.memory_space<hbm>>
      %dma_wait3A_1233 = arith.constant 0 : i32
      %dma_wait3A_1234 = arith.constant 0 : i32
      %dma_wait3A_1235 = tpu.memref_slice %arg12[%dma_wait3A_1225, %dma_wait3A_1226, %dma_wait3A_1233, %dma_wait3A_1234] : memref<3x4x32x128xf32, #tpu.memory_space<vmem>> -> memref<1x1x32x128xf32, #tpu.memory_space<vmem>>
      %dma_wait3A_1236 = tpu.memref_squeeze %dma_wait3A_1235 : memref<1x1x32x128xf32, #tpu.memory_space<vmem>> -> memref<32x128xf32, #tpu.memory_space<vmem>>
      %dma_wait3A_1237 = arith.constant 0 : i32
      %dma_wait3A_1238 = tpu.memref_slice %arg3[%dma_wait3A_1237, %multiple_of3A_1224] : memref<32x1000000xf32, #tpu.memory_space<hbm>> -> memref<32x128xf32, #tpu.memory_space<hbm>>
      tpu.wait_dma2 semaphore(%arg16 : memref<!tpu.dma_semaphore, #tpu.memory_space<semaphore_mem>>) src(%dma_wait3A_1238 : memref<32x128xf32, #tpu.memory_space<hbm>>) dst(%dma_wait3A_1236 : memref<32x128xf32, #tpu.memory_space<vmem>>)
      %broadcast_in_dim3A_1239 = arith.constant 2 : i32
      %broadcast_in_dim3A_1240 = vector.broadcast %broadcast_in_dim3A_1239 : i32 to vector<16xi32>
      %broadcast_in_dim3A_1241 = arith.constant 0 : i32
      %broadcast_in_dim3A_1242 = vector.broadcast %broadcast_in_dim3A_1241 : i32 to vector<16xi32>
      %slice3A_1243 = vector.extract_strided_slice %and3A_38 {offsets = [8], sizes = [1], strides = [1]} : vector<16xi32> to vector<1xi32>
      %squeeze3A_1244 = vector.extract %slice3A_1243[0] : i32 from vector<1xi32>
      %add3A_1245 = vector.broadcast %squeeze3A_1244 : i32 to vector<16xi32>
      %add3A_1246 = arith.addi %broadcast_in_dim3A_12, %add3A_1245 : vector<16xi32>
      %slice3A_1247 = vector.extract_strided_slice %and3A_47 {offsets = [8], sizes = [1], strides = [1]} : vector<16xi32> to vector<1xi32>
      %squeeze3A_1248 = vector.extract %slice3A_1247[0] : i32 from vector<1xi32>
      %add3A_1249 = vector.broadcast %squeeze3A_1248 : i32 to vector<16xi32>
      %add3A_1250 = arith.addi %broadcast_in_dim3A_12, %add3A_1249 : vector<16xi32>
      %gather3A_1251 = tpu.vector_load_idx %arg11[%broadcast_in_dim3A_1240, %broadcast_in_dim3A_1242, %iota3A, %add3A_1246] : memref<3x4x32x128xf32, #tpu.memory_space<vmem>>[vector<16xi32>, vector<16xi32>, vector<16xi32>, vector<16xi32>], vector<16xf32>,
      %gather3A_1252 = tpu.vector_load_idx %arg11[%broadcast_in_dim3A_1240, %broadcast_in_dim3A_1242, %add3A_15, %add3A_1246] : memref<3x4x32x128xf32, #tpu.memory_space<vmem>>[vector<16xi32>, vector<16xi32>, vector<16xi32>, vector<16xi32>], vector<16xf32>,
      %gather3A_1253 = tpu.vector_load_idx %arg12[%broadcast_in_dim3A_1240, %broadcast_in_dim3A_1242, %iota3A, %add3A_1250] : memref<3x4x32x128xf32, #tpu.memory_space<vmem>>[vector<16xi32>, vector<16xi32>, vector<16xi32>, vector<16xi32>], vector<16xf32>,
      %gather3A_1254 = tpu.vector_load_idx %arg12[%broadcast_in_dim3A_1240, %broadcast_in_dim3A_1242, %add3A_15, %add3A_1250] : memref<3x4x32x128xf32, #tpu.memory_space<vmem>>[vector<16xi32>, vector<16xi32>, vector<16xi32>, vector<16xi32>], vector<16xf32>,
      %mul3A_1255 = arith.mulf %gather3A_1251, %gather3A_1253 : vector<16xf32>
      %mul3A_1256 = arith.mulf %mul3A_1255, %get3A_5 : vector<16xf32>
      %mul3A_1257 = arith.mulf %gather3A_1252, %gather3A_1254 : vector<16xf32>
      %mul3A_1258 = arith.mulf %mul3A_1257, %get3A_9 : vector<16xf32>
      %add3A_1259 = arith.addf %mul3A_1256, %mul3A_1258 : vector<16xf32>
      %eq3A_1260 = arith.constant 8 : i32
      %eq3A_1261 = vector.broadcast %eq3A_1260 : i32 to vector<16xi32>
      %eq3A_1262 = arith.cmpi eq, %iota3A, %eq3A_1261 : vector<16xi32>
      %reduce_sum3A_1263 = arith.constant true
      %reduce_sum3A_1264 = vector.broadcast %reduce_sum3A_1263 : i1 to vector<16xi1>
      %reduce_sum3A_1265 = tpu.scan <sum>, %add3A_1259 masked %reduce_sum3A_1264 : vector<16xf32>, vector<16xi1> -> vector<16xf32>
      %reduce_sum3A_1266 = vector.extract %reduce_sum3A_1265[15] : f32 from vector<16xf32>
      %add3A_1267 = vector.broadcast %reduce_sum3A_1266 : f32 to vector<16xf32>
      %add3A_1268 = arith.addf %select_n3A_1102, %add3A_1267 : vector<16xf32>
      %select_n3A_1269 = arith.select %eq3A_1262, %add3A_1268, %select_n3A_1102 : vector<16xi1>, vector<16xf32>
      %broadcast_in_dim3A_1270 = arith.constant 2 : i32
      %broadcast_in_dim3A_1271 = vector.broadcast %broadcast_in_dim3A_1270 : i32 to vector<16xi32>
      %broadcast_in_dim3A_1272 = arith.constant 1 : i32
      %broadcast_in_dim3A_1273 = vector.broadcast %broadcast_in_dim3A_1272 : i32 to vector<16xi32>
      %slice3A_1274 = vector.extract_strided_slice %and3A_38 {offsets = [9], sizes = [1], strides = [1]} : vector<16xi32> to vector<1xi32>
      %squeeze3A_1275 = vector.extract %slice3A_1274[0] : i32 from vector<1xi32>
      %add3A_1276 = vector.broadcast %squeeze3A_1275 : i32 to vector<16xi32>
      %add3A_1277 = arith.addi %broadcast_in_dim3A_12, %add3A_1276 : vector<16xi32>
      %slice3A_1278 = vector.extract_strided_slice %and3A_47 {offsets = [9], sizes = [1], strides = [1]} : vector<16xi32> to vector<1xi32>
      %squeeze3A_1279 = vector.extract %slice3A_1278[0] : i32 from vector<1xi32>
      %add3A_1280 = vector.broadcast %squeeze3A_1279 : i32 to vector<16xi32>
      %add3A_1281 = arith.addi %broadcast_in_dim3A_12, %add3A_1280 : vector<16xi32>
      %gather3A_1282 = tpu.vector_load_idx %arg11[%broadcast_in_dim3A_1271, %broadcast_in_dim3A_1273, %iota3A, %add3A_1277] : memref<3x4x32x128xf32, #tpu.memory_space<vmem>>[vector<16xi32>, vector<16xi32>, vector<16xi32>, vector<16xi32>], vector<16xf32>,
      %gather3A_1283 = tpu.vector_load_idx %arg11[%broadcast_in_dim3A_1271, %broadcast_in_dim3A_1273, %add3A_15, %add3A_1277] : memref<3x4x32x128xf32, #tpu.memory_space<vmem>>[vector<16xi32>, vector<16xi32>, vector<16xi32>, vector<16xi32>], vector<16xf32>,
      %gather3A_1284 = tpu.vector_load_idx %arg12[%broadcast_in_dim3A_1271, %broadcast_in_dim3A_1273, %iota3A, %add3A_1281] : memref<3x4x32x128xf32, #tpu.memory_space<vmem>>[vector<16xi32>, vector<16xi32>, vector<16xi32>, vector<16xi32>], vector<16xf32>,
      %gather3A_1285 = tpu.vector_load_idx %arg12[%broadcast_in_dim3A_1271, %broadcast_in_dim3A_1273, %add3A_15, %add3A_1281] : memref<3x4x32x128xf32, #tpu.memory_space<vmem>>[vector<16xi32>, vector<16xi32>, vector<16xi32>, vector<16xi32>], vector<16xf32>,
      %mul3A_1286 = arith.mulf %gather3A_1282, %gather3A_1284 : vector<16xf32>
      %mul3A_1287 = arith.mulf %mul3A_1286, %get3A_5 : vector<16xf32>
      %mul3A_1288 = arith.mulf %gather3A_1283, %gather3A_1285 : vector<16xf32>
      %mul3A_1289 = arith.mulf %mul3A_1288, %get3A_9 : vector<16xf32>
      %add3A_1290 = arith.addf %mul3A_1287, %mul3A_1289 : vector<16xf32>
      %eq3A_1291 = arith.constant 9 : i32
      %eq3A_1292 = vector.broadcast %eq3A_1291 : i32 to vector<16xi32>
      %eq3A_1293 = arith.cmpi eq, %iota3A, %eq3A_1292 : vector<16xi32>
      %reduce_sum3A_1294 = arith.constant true
      %reduce_sum3A_1295 = vector.broadcast %reduce_sum3A_1294 : i1 to vector<16xi1>
      %reduce_sum3A_1296 = tpu.scan <sum>, %add3A_1290 masked %reduce_sum3A_1295 : vector<16xf32>, vector<16xi1> -> vector<16xf32>
      %reduce_sum3A_1297 = vector.extract %reduce_sum3A_1296[15] : f32 from vector<16xf32>
      %add3A_1298 = vector.broadcast %reduce_sum3A_1297 : f32 to vector<16xf32>
      %add3A_1299 = arith.addf %select_n3A_1269, %add3A_1298 : vector<16xf32>
      %select_n3A_1300 = arith.select %eq3A_1293, %add3A_1299, %select_n3A_1269 : vector<16xi1>, vector<16xf32>
      %broadcast_in_dim3A_1301 = arith.constant 2 : i32
      %broadcast_in_dim3A_1302 = vector.broadcast %broadcast_in_dim3A_1301 : i32 to vector<16xi32>
      %broadcast_in_dim3A_1303 = arith.constant 2 : i32
      %broadcast_in_dim3A_1304 = vector.broadcast %broadcast_in_dim3A_1303 : i32 to vector<16xi32>
      %slice3A_1305 = vector.extract_strided_slice %and3A_38 {offsets = [10], sizes = [1], strides = [1]} : vector<16xi32> to vector<1xi32>
      %squeeze3A_1306 = vector.extract %slice3A_1305[0] : i32 from vector<1xi32>
      %add3A_1307 = vector.broadcast %squeeze3A_1306 : i32 to vector<16xi32>
      %add3A_1308 = arith.addi %broadcast_in_dim3A_12, %add3A_1307 : vector<16xi32>
      %slice3A_1309 = vector.extract_strided_slice %and3A_47 {offsets = [10], sizes = [1], strides = [1]} : vector<16xi32> to vector<1xi32>
      %squeeze3A_1310 = vector.extract %slice3A_1309[0] : i32 from vector<1xi32>
      %add3A_1311 = vector.broadcast %squeeze3A_1310 : i32 to vector<16xi32>
      %add3A_1312 = arith.addi %broadcast_in_dim3A_12, %add3A_1311 : vector<16xi32>
      %gather3A_1313 = tpu.vector_load_idx %arg11[%broadcast_in_dim3A_1302, %broadcast_in_dim3A_1304, %iota3A, %add3A_1308] : memref<3x4x32x128xf32, #tpu.memory_space<vmem>>[vector<16xi32>, vector<16xi32>, vector<16xi32>, vector<16xi32>], vector<16xf32>,
      %gather3A_1314 = tpu.vector_load_idx %arg11[%broadcast_in_dim3A_1302, %broadcast_in_dim3A_1304, %add3A_15, %add3A_1308] : memref<3x4x32x128xf32, #tpu.memory_space<vmem>>[vector<16xi32>, vector<16xi32>, vector<16xi32>, vector<16xi32>], vector<16xf32>,
      %gather3A_1315 = tpu.vector_load_idx %arg12[%broadcast_in_dim3A_1302, %broadcast_in_dim3A_1304, %iota3A, %add3A_1312] : memref<3x4x32x128xf32, #tpu.memory_space<vmem>>[vector<16xi32>, vector<16xi32>, vector<16xi32>, vector<16xi32>], vector<16xf32>,
      %gather3A_1316 = tpu.vector_load_idx %arg12[%broadcast_in_dim3A_1302, %broadcast_in_dim3A_1304, %add3A_15, %add3A_1312] : memref<3x4x32x128xf32, #tpu.memory_space<vmem>>[vector<16xi32>, vector<16xi32>, vector<16xi32>, vector<16xi32>], vector<16xf32>,
      %mul3A_1317 = arith.mulf %gather3A_1313, %gather3A_1315 : vector<16xf32>
      %mul3A_1318 = arith.mulf %mul3A_1317, %get3A_5 : vector<16xf32>
      %mul3A_1319 = arith.mulf %gather3A_1314, %gather3A_1316 : vector<16xf32>
      %mul3A_1320 = arith.mulf %mul3A_1319, %get3A_9 : vector<16xf32>
      %add3A_1321 = arith.addf %mul3A_1318, %mul3A_1320 : vector<16xf32>
      %eq3A_1322 = arith.constant 10 : i32
      %eq3A_1323 = vector.broadcast %eq3A_1322 : i32 to vector<16xi32>
      %eq3A_1324 = arith.cmpi eq, %iota3A, %eq3A_1323 : vector<16xi32>
      %reduce_sum3A_1325 = arith.constant true
      %reduce_sum3A_1326 = vector.broadcast %reduce_sum3A_1325 : i1 to vector<16xi1>
      %reduce_sum3A_1327 = tpu.scan <sum>, %add3A_1321 masked %reduce_sum3A_1326 : vector<16xf32>, vector<16xi1> -> vector<16xf32>
      %reduce_sum3A_1328 = vector.extract %reduce_sum3A_1327[15] : f32 from vector<16xf32>
      %add3A_1329 = vector.broadcast %reduce_sum3A_1328 : f32 to vector<16xf32>
      %add3A_1330 = arith.addf %select_n3A_1300, %add3A_1329 : vector<16xf32>
      %select_n3A_1331 = arith.select %eq3A_1324, %add3A_1330, %select_n3A_1300 : vector<16xi1>, vector<16xf32>
      %broadcast_in_dim3A_1332 = arith.constant 2 : i32
      %broadcast_in_dim3A_1333 = vector.broadcast %broadcast_in_dim3A_1332 : i32 to vector<16xi32>
      %broadcast_in_dim3A_1334 = arith.constant 3 : i32
      %broadcast_in_dim3A_1335 = vector.broadcast %broadcast_in_dim3A_1334 : i32 to vector<16xi32>
      %slice3A_1336 = vector.extract_strided_slice %and3A_38 {offsets = [11], sizes = [1], strides = [1]} : vector<16xi32> to vector<1xi32>
      %squeeze3A_1337 = vector.extract %slice3A_1336[0] : i32 from vector<1xi32>
      %add3A_1338 = vector.broadcast %squeeze3A_1337 : i32 to vector<16xi32>
      %add3A_1339 = arith.addi %broadcast_in_dim3A_12, %add3A_1338 : vector<16xi32>
      %slice3A_1340 = vector.extract_strided_slice %and3A_47 {offsets = [11], sizes = [1], strides = [1]} : vector<16xi32> to vector<1xi32>
      %squeeze3A_1341 = vector.extract %slice3A_1340[0] : i32 from vector<1xi32>
      %add3A_1342 = vector.broadcast %squeeze3A_1341 : i32 to vector<16xi32>
      %add3A_1343 = arith.addi %broadcast_in_dim3A_12, %add3A_1342 : vector<16xi32>
      %gather3A_1344 = tpu.vector_load_idx %arg11[%broadcast_in_dim3A_1333, %broadcast_in_dim3A_1335, %iota3A, %add3A_1339] : memref<3x4x32x128xf32, #tpu.memory_space<vmem>>[vector<16xi32>, vector<16xi32>, vector<16xi32>, vector<16xi32>], vector<16xf32>,
      %gather3A_1345 = tpu.vector_load_idx %arg11[%broadcast_in_dim3A_1333, %broadcast_in_dim3A_1335, %add3A_15, %add3A_1339] : memref<3x4x32x128xf32, #tpu.memory_space<vmem>>[vector<16xi32>, vector<16xi32>, vector<16xi32>, vector<16xi32>], vector<16xf32>,
      %gather3A_1346 = tpu.vector_load_idx %arg12[%broadcast_in_dim3A_1333, %broadcast_in_dim3A_1335, %iota3A, %add3A_1343] : memref<3x4x32x128xf32, #tpu.memory_space<vmem>>[vector<16xi32>, vector<16xi32>, vector<16xi32>, vector<16xi32>], vector<16xf32>,
      %gather3A_1347 = tpu.vector_load_idx %arg12[%broadcast_in_dim3A_1333, %broadcast_in_dim3A_1335, %add3A_15, %add3A_1343] : memref<3x4x32x128xf32, #tpu.memory_space<vmem>>[vector<16xi32>, vector<16xi32>, vector<16xi32>, vector<16xi32>], vector<16xf32>,
      %mul3A_1348 = arith.mulf %gather3A_1344, %gather3A_1346 : vector<16xf32>
      %mul3A_1349 = arith.mulf %mul3A_1348, %get3A_5 : vector<16xf32>
      %mul3A_1350 = arith.mulf %gather3A_1345, %gather3A_1347 : vector<16xf32>
      %mul3A_1351 = arith.mulf %mul3A_1350, %get3A_9 : vector<16xf32>
      %add3A_1352 = arith.addf %mul3A_1349, %mul3A_1351 : vector<16xf32>
      %eq3A_1353 = arith.constant 11 : i32
      %eq3A_1354 = vector.broadcast %eq3A_1353 : i32 to vector<16xi32>
      %eq3A_1355 = arith.cmpi eq, %iota3A, %eq3A_1354 : vector<16xi32>
      %reduce_sum3A_1356 = arith.constant true
      %reduce_sum3A_1357 = vector.broadcast %reduce_sum3A_1356 : i1 to vector<16xi1>
      %reduce_sum3A_1358 = tpu.scan <sum>, %add3A_1352 masked %reduce_sum3A_1357 : vector<16xf32>, vector<16xi1> -> vector<16xf32>
      %reduce_sum3A_1359 = vector.extract %reduce_sum3A_1358[15] : f32 from vector<16xf32>
      %add3A_1360 = vector.broadcast %reduce_sum3A_1359 : f32 to vector<16xf32>
      %add3A_1361 = arith.addf %select_n3A_1331, %add3A_1360 : vector<16xf32>
      %select_n3A_1362 = arith.select %eq3A_1355, %add3A_1361, %select_n3A_1331 : vector<16xi1>, vector<16xf32>
      %slice3A_1363 = vector.extract_strided_slice %mul3A_36 {offsets = [12], sizes = [1], strides = [1]} : vector<16xi32> to vector<1xi32>
      %squeeze3A_1364 = vector.extract %slice3A_1363[0] : i32 from vector<1xi32>
      %multiple_of3A_1365 = tpu.assume_multiple %squeeze3A_1364, 128 : i32
      %dma_wait3A_1366 = arith.constant 0 : i32
      %dma_wait3A_1367 = arith.constant 0 : i32
      %dma_wait3A_1368 = arith.constant 0 : i32
      %dma_wait3A_1369 = arith.constant 0 : i32
      %dma_wait3A_1370 = tpu.memref_slice %arg11[%dma_wait3A_1366, %dma_wait3A_1367, %dma_wait3A_1368, %dma_wait3A_1369] : memref<3x4x32x128xf32, #tpu.memory_space<vmem>> -> memref<1x1x32x128xf32, #tpu.memory_space<vmem>>
      %dma_wait3A_1371 = tpu.memref_squeeze %dma_wait3A_1370 : memref<1x1x32x128xf32, #tpu.memory_space<vmem>> -> memref<32x128xf32, #tpu.memory_space<vmem>>
      %dma_wait3A_1372 = arith.constant 0 : i32
      %dma_wait3A_1373 = tpu.memref_slice %arg2[%dma_wait3A_1372, %multiple_of3A_1365] : memref<32x1000000xf32, #tpu.memory_space<hbm>> -> memref<32x128xf32, #tpu.memory_space<hbm>>
      %dma_wait3A_1374 = arith.constant 0 : i32
      %dma_wait3A_1375 = arith.constant 0 : i32
      %dma_wait3A_1376 = tpu.memref_slice %arg11[%dma_wait3A_1366, %dma_wait3A_1367, %dma_wait3A_1374, %dma_wait3A_1375] : memref<3x4x32x128xf32, #tpu.memory_space<vmem>> -> memref<1x1x32x128xf32, #tpu.memory_space<vmem>>
      %dma_wait3A_1377 = tpu.memref_squeeze %dma_wait3A_1376 : memref<1x1x32x128xf32, #tpu.memory_space<vmem>> -> memref<32x128xf32, #tpu.memory_space<vmem>>
      %dma_wait3A_1378 = arith.constant 0 : i32
      %dma_wait3A_1379 = tpu.memref_slice %arg2[%dma_wait3A_1378, %multiple_of3A_1365] : memref<32x1000000xf32, #tpu.memory_space<hbm>> -> memref<32x128xf32, #tpu.memory_space<hbm>>
      tpu.wait_dma2 semaphore(%arg16 : memref<!tpu.dma_semaphore, #tpu.memory_space<semaphore_mem>>) src(%dma_wait3A_1379 : memref<32x128xf32, #tpu.memory_space<hbm>>) dst(%dma_wait3A_1377 : memref<32x128xf32, #tpu.memory_space<vmem>>)
      %slice3A_1380 = vector.extract_strided_slice %mul3A_44 {offsets = [12], sizes = [1], strides = [1]} : vector<16xi32> to vector<1xi32>
      %squeeze3A_1381 = vector.extract %slice3A_1380[0] : i32 from vector<1xi32>
      %multiple_of3A_1382 = tpu.assume_multiple %squeeze3A_1381, 128 : i32
      %dma_wait3A_1383 = arith.constant 0 : i32
      %dma_wait3A_1384 = arith.constant 0 : i32
      %dma_wait3A_1385 = arith.constant 0 : i32
      %dma_wait3A_1386 = arith.constant 0 : i32
      %dma_wait3A_1387 = tpu.memref_slice %arg12[%dma_wait3A_1383, %dma_wait3A_1384, %dma_wait3A_1385, %dma_wait3A_1386] : memref<3x4x32x128xf32, #tpu.memory_space<vmem>> -> memref<1x1x32x128xf32, #tpu.memory_space<vmem>>
      %dma_wait3A_1388 = tpu.memref_squeeze %dma_wait3A_1387 : memref<1x1x32x128xf32, #tpu.memory_space<vmem>> -> memref<32x128xf32, #tpu.memory_space<vmem>>
      %dma_wait3A_1389 = arith.constant 0 : i32
      %dma_wait3A_1390 = tpu.memref_slice %arg3[%dma_wait3A_1389, %multiple_of3A_1382] : memref<32x1000000xf32, #tpu.memory_space<hbm>> -> memref<32x128xf32, #tpu.memory_space<hbm>>
      %dma_wait3A_1391 = arith.constant 0 : i32
      %dma_wait3A_1392 = arith.constant 0 : i32
      %dma_wait3A_1393 = tpu.memref_slice %arg12[%dma_wait3A_1383, %dma_wait3A_1384, %dma_wait3A_1391, %dma_wait3A_1392] : memref<3x4x32x128xf32, #tpu.memory_space<vmem>> -> memref<1x1x32x128xf32, #tpu.memory_space<vmem>>
      %dma_wait3A_1394 = tpu.memref_squeeze %dma_wait3A_1393 : memref<1x1x32x128xf32, #tpu.memory_space<vmem>> -> memref<32x128xf32, #tpu.memory_space<vmem>>
      %dma_wait3A_1395 = arith.constant 0 : i32
      %dma_wait3A_1396 = tpu.memref_slice %arg3[%dma_wait3A_1395, %multiple_of3A_1382] : memref<32x1000000xf32, #tpu.memory_space<hbm>> -> memref<32x128xf32, #tpu.memory_space<hbm>>
      tpu.wait_dma2 semaphore(%arg16 : memref<!tpu.dma_semaphore, #tpu.memory_space<semaphore_mem>>) src(%dma_wait3A_1396 : memref<32x128xf32, #tpu.memory_space<hbm>>) dst(%dma_wait3A_1394 : memref<32x128xf32, #tpu.memory_space<vmem>>)
      %slice3A_1397 = vector.extract_strided_slice %mul3A_36 {offsets = [13], sizes = [1], strides = [1]} : vector<16xi32> to vector<1xi32>
      %squeeze3A_1398 = vector.extract %slice3A_1397[0] : i32 from vector<1xi32>
      %multiple_of3A_1399 = tpu.assume_multiple %squeeze3A_1398, 128 : i32
      %dma_wait3A_1400 = arith.constant 0 : i32
      %dma_wait3A_1401 = arith.constant 1 : i32
      %dma_wait3A_1402 = arith.constant 0 : i32
      %dma_wait3A_1403 = arith.constant 0 : i32
      %dma_wait3A_1404 = tpu.memref_slice %arg11[%dma_wait3A_1400, %dma_wait3A_1401, %dma_wait3A_1402, %dma_wait3A_1403] : memref<3x4x32x128xf32, #tpu.memory_space<vmem>> -> memref<1x1x32x128xf32, #tpu.memory_space<vmem>>
      %dma_wait3A_1405 = tpu.memref_squeeze %dma_wait3A_1404 : memref<1x1x32x128xf32, #tpu.memory_space<vmem>> -> memref<32x128xf32, #tpu.memory_space<vmem>>
      %dma_wait3A_1406 = arith.constant 0 : i32
      %dma_wait3A_1407 = tpu.memref_slice %arg2[%dma_wait3A_1406, %multiple_of3A_1399] : memref<32x1000000xf32, #tpu.memory_space<hbm>> -> memref<32x128xf32, #tpu.memory_space<hbm>>
      %dma_wait3A_1408 = arith.constant 0 : i32
      %dma_wait3A_1409 = arith.constant 0 : i32
      %dma_wait3A_1410 = tpu.memref_slice %arg11[%dma_wait3A_1400, %dma_wait3A_1401, %dma_wait3A_1408, %dma_wait3A_1409] : memref<3x4x32x128xf32, #tpu.memory_space<vmem>> -> memref<1x1x32x128xf32, #tpu.memory_space<vmem>>
      %dma_wait3A_1411 = tpu.memref_squeeze %dma_wait3A_1410 : memref<1x1x32x128xf32, #tpu.memory_space<vmem>> -> memref<32x128xf32, #tpu.memory_space<vmem>>
      %dma_wait3A_1412 = arith.constant 0 : i32
      %dma_wait3A_1413 = tpu.memref_slice %arg2[%dma_wait3A_1412, %multiple_of3A_1399] : memref<32x1000000xf32, #tpu.memory_space<hbm>> -> memref<32x128xf32, #tpu.memory_space<hbm>>
      tpu.wait_dma2 semaphore(%arg16 : memref<!tpu.dma_semaphore, #tpu.memory_space<semaphore_mem>>) src(%dma_wait3A_1413 : memref<32x128xf32, #tpu.memory_space<hbm>>) dst(%dma_wait3A_1411 : memref<32x128xf32, #tpu.memory_space<vmem>>)
      %slice3A_1414 = vector.extract_strided_slice %mul3A_44 {offsets = [13], sizes = [1], strides = [1]} : vector<16xi32> to vector<1xi32>
      %squeeze3A_1415 = vector.extract %slice3A_1414[0] : i32 from vector<1xi32>
      %multiple_of3A_1416 = tpu.assume_multiple %squeeze3A_1415, 128 : i32
      %dma_wait3A_1417 = arith.constant 0 : i32
      %dma_wait3A_1418 = arith.constant 1 : i32
      %dma_wait3A_1419 = arith.constant 0 : i32
      %dma_wait3A_1420 = arith.constant 0 : i32
      %dma_wait3A_1421 = tpu.memref_slice %arg12[%dma_wait3A_1417, %dma_wait3A_1418, %dma_wait3A_1419, %dma_wait3A_1420] : memref<3x4x32x128xf32, #tpu.memory_space<vmem>> -> memref<1x1x32x128xf32, #tpu.memory_space<vmem>>
      %dma_wait3A_1422 = tpu.memref_squeeze %dma_wait3A_1421 : memref<1x1x32x128xf32, #tpu.memory_space<vmem>> -> memref<32x128xf32, #tpu.memory_space<vmem>>
      %dma_wait3A_1423 = arith.constant 0 : i32
      %dma_wait3A_1424 = tpu.memref_slice %arg3[%dma_wait3A_1423, %multiple_of3A_1416] : memref<32x1000000xf32, #tpu.memory_space<hbm>> -> memref<32x128xf32, #tpu.memory_space<hbm>>
      %dma_wait3A_1425 = arith.constant 0 : i32
      %dma_wait3A_1426 = arith.constant 0 : i32
      %dma_wait3A_1427 = tpu.memref_slice %arg12[%dma_wait3A_1417, %dma_wait3A_1418, %dma_wait3A_1425, %dma_wait3A_1426] : memref<3x4x32x128xf32, #tpu.memory_space<vmem>> -> memref<1x1x32x128xf32, #tpu.memory_space<vmem>>
      %dma_wait3A_1428 = tpu.memref_squeeze %dma_wait3A_1427 : memref<1x1x32x128xf32, #tpu.memory_space<vmem>> -> memref<32x128xf32, #tpu.memory_space<vmem>>
      %dma_wait3A_1429 = arith.constant 0 : i32
      %dma_wait3A_1430 = tpu.memref_slice %arg3[%dma_wait3A_1429, %multiple_of3A_1416] : memref<32x1000000xf32, #tpu.memory_space<hbm>> -> memref<32x128xf32, #tpu.memory_space<hbm>>
      tpu.wait_dma2 semaphore(%arg16 : memref<!tpu.dma_semaphore, #tpu.memory_space<semaphore_mem>>) src(%dma_wait3A_1430 : memref<32x128xf32, #tpu.memory_space<hbm>>) dst(%dma_wait3A_1428 : memref<32x128xf32, #tpu.memory_space<vmem>>)
      %slice3A_1431 = vector.extract_strided_slice %mul3A_36 {offsets = [14], sizes = [1], strides = [1]} : vector<16xi32> to vector<1xi32>
      %squeeze3A_1432 = vector.extract %slice3A_1431[0] : i32 from vector<1xi32>
      %multiple_of3A_1433 = tpu.assume_multiple %squeeze3A_1432, 128 : i32
      %dma_wait3A_1434 = arith.constant 0 : i32
      %dma_wait3A_1435 = arith.constant 2 : i32
      %dma_wait3A_1436 = arith.constant 0 : i32
      %dma_wait3A_1437 = arith.constant 0 : i32
      %dma_wait3A_1438 = tpu.memref_slice %arg11[%dma_wait3A_1434, %dma_wait3A_1435, %dma_wait3A_1436, %dma_wait3A_1437] : memref<3x4x32x128xf32, #tpu.memory_space<vmem>> -> memref<1x1x32x128xf32, #tpu.memory_space<vmem>>
      %dma_wait3A_1439 = tpu.memref_squeeze %dma_wait3A_1438 : memref<1x1x32x128xf32, #tpu.memory_space<vmem>> -> memref<32x128xf32, #tpu.memory_space<vmem>>
      %dma_wait3A_1440 = arith.constant 0 : i32
      %dma_wait3A_1441 = tpu.memref_slice %arg2[%dma_wait3A_1440, %multiple_of3A_1433] : memref<32x1000000xf32, #tpu.memory_space<hbm>> -> memref<32x128xf32, #tpu.memory_space<hbm>>
      %dma_wait3A_1442 = arith.constant 0 : i32
      %dma_wait3A_1443 = arith.constant 0 : i32
      %dma_wait3A_1444 = tpu.memref_slice %arg11[%dma_wait3A_1434, %dma_wait3A_1435, %dma_wait3A_1442, %dma_wait3A_1443] : memref<3x4x32x128xf32, #tpu.memory_space<vmem>> -> memref<1x1x32x128xf32, #tpu.memory_space<vmem>>
      %dma_wait3A_1445 = tpu.memref_squeeze %dma_wait3A_1444 : memref<1x1x32x128xf32, #tpu.memory_space<vmem>> -> memref<32x128xf32, #tpu.memory_space<vmem>>
      %dma_wait3A_1446 = arith.constant 0 : i32
      %dma_wait3A_1447 = tpu.memref_slice %arg2[%dma_wait3A_1446, %multiple_of3A_1433] : memref<32x1000000xf32, #tpu.memory_space<hbm>> -> memref<32x128xf32, #tpu.memory_space<hbm>>
      tpu.wait_dma2 semaphore(%arg16 : memref<!tpu.dma_semaphore, #tpu.memory_space<semaphore_mem>>) src(%dma_wait3A_1447 : memref<32x128xf32, #tpu.memory_space<hbm>>) dst(%dma_wait3A_1445 : memref<32x128xf32, #tpu.memory_space<vmem>>)
      %slice3A_1448 = vector.extract_strided_slice %mul3A_44 {offsets = [14], sizes = [1], strides = [1]} : vector<16xi32> to vector<1xi32>
      %squeeze3A_1449 = vector.extract %slice3A_1448[0] : i32 from vector<1xi32>
      %multiple_of3A_1450 = tpu.assume_multiple %squeeze3A_1449, 128 : i32
      %dma_wait3A_1451 = arith.constant 0 : i32
      %dma_wait3A_1452 = arith.constant 2 : i32
      %dma_wait3A_1453 = arith.constant 0 : i32
      %dma_wait3A_1454 = arith.constant 0 : i32
      %dma_wait3A_1455 = tpu.memref_slice %arg12[%dma_wait3A_1451, %dma_wait3A_1452, %dma_wait3A_1453, %dma_wait3A_1454] : memref<3x4x32x128xf32, #tpu.memory_space<vmem>> -> memref<1x1x32x128xf32, #tpu.memory_space<vmem>>
      %dma_wait3A_1456 = tpu.memref_squeeze %dma_wait3A_1455 : memref<1x1x32x128xf32, #tpu.memory_space<vmem>> -> memref<32x128xf32, #tpu.memory_space<vmem>>
      %dma_wait3A_1457 = arith.constant 0 : i32
      %dma_wait3A_1458 = tpu.memref_slice %arg3[%dma_wait3A_1457, %multiple_of3A_1450] : memref<32x1000000xf32, #tpu.memory_space<hbm>> -> memref<32x128xf32, #tpu.memory_space<hbm>>
      %dma_wait3A_1459 = arith.constant 0 : i32
      %dma_wait3A_1460 = arith.constant 0 : i32
      %dma_wait3A_1461 = tpu.memref_slice %arg12[%dma_wait3A_1451, %dma_wait3A_1452, %dma_wait3A_1459, %dma_wait3A_1460] : memref<3x4x32x128xf32, #tpu.memory_space<vmem>> -> memref<1x1x32x128xf32, #tpu.memory_space<vmem>>
      %dma_wait3A_1462 = tpu.memref_squeeze %dma_wait3A_1461 : memref<1x1x32x128xf32, #tpu.memory_space<vmem>> -> memref<32x128xf32, #tpu.memory_space<vmem>>
      %dma_wait3A_1463 = arith.constant 0 : i32
      %dma_wait3A_1464 = tpu.memref_slice %arg3[%dma_wait3A_1463, %multiple_of3A_1450] : memref<32x1000000xf32, #tpu.memory_space<hbm>> -> memref<32x128xf32, #tpu.memory_space<hbm>>
      tpu.wait_dma2 semaphore(%arg16 : memref<!tpu.dma_semaphore, #tpu.memory_space<semaphore_mem>>) src(%dma_wait3A_1464 : memref<32x128xf32, #tpu.memory_space<hbm>>) dst(%dma_wait3A_1462 : memref<32x128xf32, #tpu.memory_space<vmem>>)
      %slice3A_1465 = vector.extract_strided_slice %mul3A_36 {offsets = [15], sizes = [1], strides = [1]} : vector<16xi32> to vector<1xi32>
      %squeeze3A_1466 = vector.extract %slice3A_1465[0] : i32 from vector<1xi32>
      %multiple_of3A_1467 = tpu.assume_multiple %squeeze3A_1466, 128 : i32
      %dma_wait3A_1468 = arith.constant 0 : i32
      %dma_wait3A_1469 = arith.constant 3 : i32
      %dma_wait3A_1470 = arith.constant 0 : i32
      %dma_wait3A_1471 = arith.constant 0 : i32
      %dma_wait3A_1472 = tpu.memref_slice %arg11[%dma_wait3A_1468, %dma_wait3A_1469, %dma_wait3A_1470, %dma_wait3A_1471] : memref<3x4x32x128xf32, #tpu.memory_space<vmem>> -> memref<1x1x32x128xf32, #tpu.memory_space<vmem>>
      %dma_wait3A_1473 = tpu.memref_squeeze %dma_wait3A_1472 : memref<1x1x32x128xf32, #tpu.memory_space<vmem>> -> memref<32x128xf32, #tpu.memory_space<vmem>>
      %dma_wait3A_1474 = arith.constant 0 : i32
      %dma_wait3A_1475 = tpu.memref_slice %arg2[%dma_wait3A_1474, %multiple_of3A_1467] : memref<32x1000000xf32, #tpu.memory_space<hbm>> -> memref<32x128xf32, #tpu.memory_space<hbm>>
      %dma_wait3A_1476 = arith.constant 0 : i32
      %dma_wait3A_1477 = arith.constant 0 : i32
      %dma_wait3A_1478 = tpu.memref_slice %arg11[%dma_wait3A_1468, %dma_wait3A_1469, %dma_wait3A_1476, %dma_wait3A_1477] : memref<3x4x32x128xf32, #tpu.memory_space<vmem>> -> memref<1x1x32x128xf32, #tpu.memory_space<vmem>>
      %dma_wait3A_1479 = tpu.memref_squeeze %dma_wait3A_1478 : memref<1x1x32x128xf32, #tpu.memory_space<vmem>> -> memref<32x128xf32, #tpu.memory_space<vmem>>
      %dma_wait3A_1480 = arith.constant 0 : i32
      %dma_wait3A_1481 = tpu.memref_slice %arg2[%dma_wait3A_1480, %multiple_of3A_1467] : memref<32x1000000xf32, #tpu.memory_space<hbm>> -> memref<32x128xf32, #tpu.memory_space<hbm>>
      tpu.wait_dma2 semaphore(%arg16 : memref<!tpu.dma_semaphore, #tpu.memory_space<semaphore_mem>>) src(%dma_wait3A_1481 : memref<32x128xf32, #tpu.memory_space<hbm>>) dst(%dma_wait3A_1479 : memref<32x128xf32, #tpu.memory_space<vmem>>)
      %slice3A_1482 = vector.extract_strided_slice %mul3A_44 {offsets = [15], sizes = [1], strides = [1]} : vector<16xi32> to vector<1xi32>
      %squeeze3A_1483 = vector.extract %slice3A_1482[0] : i32 from vector<1xi32>
      %multiple_of3A_1484 = tpu.assume_multiple %squeeze3A_1483, 128 : i32
      %dma_wait3A_1485 = arith.constant 0 : i32
      %dma_wait3A_1486 = arith.constant 3 : i32
      %dma_wait3A_1487 = arith.constant 0 : i32
      %dma_wait3A_1488 = arith.constant 0 : i32
      %dma_wait3A_1489 = tpu.memref_slice %arg12[%dma_wait3A_1485, %dma_wait3A_1486, %dma_wait3A_1487, %dma_wait3A_1488] : memref<3x4x32x128xf32, #tpu.memory_space<vmem>> -> memref<1x1x32x128xf32, #tpu.memory_space<vmem>>
      %dma_wait3A_1490 = tpu.memref_squeeze %dma_wait3A_1489 : memref<1x1x32x128xf32, #tpu.memory_space<vmem>> -> memref<32x128xf32, #tpu.memory_space<vmem>>
      %dma_wait3A_1491 = arith.constant 0 : i32
      %dma_wait3A_1492 = tpu.memref_slice %arg3[%dma_wait3A_1491, %multiple_of3A_1484] : memref<32x1000000xf32, #tpu.memory_space<hbm>> -> memref<32x128xf32, #tpu.memory_space<hbm>>
      %dma_wait3A_1493 = arith.constant 0 : i32
      %dma_wait3A_1494 = arith.constant 0 : i32
      %dma_wait3A_1495 = tpu.memref_slice %arg12[%dma_wait3A_1485, %dma_wait3A_1486, %dma_wait3A_1493, %dma_wait3A_1494] : memref<3x4x32x128xf32, #tpu.memory_space<vmem>> -> memref<1x1x32x128xf32, #tpu.memory_space<vmem>>
      %dma_wait3A_1496 = tpu.memref_squeeze %dma_wait3A_1495 : memref<1x1x32x128xf32, #tpu.memory_space<vmem>> -> memref<32x128xf32, #tpu.memory_space<vmem>>
      %dma_wait3A_1497 = arith.constant 0 : i32
      %dma_wait3A_1498 = tpu.memref_slice %arg3[%dma_wait3A_1497, %multiple_of3A_1484] : memref<32x1000000xf32, #tpu.memory_space<hbm>> -> memref<32x128xf32, #tpu.memory_space<hbm>>
      tpu.wait_dma2 semaphore(%arg16 : memref<!tpu.dma_semaphore, #tpu.memory_space<semaphore_mem>>) src(%dma_wait3A_1498 : memref<32x128xf32, #tpu.memory_space<hbm>>) dst(%dma_wait3A_1496 : memref<32x128xf32, #tpu.memory_space<vmem>>)
      %broadcast_in_dim3A_1499 = arith.constant 0 : i32
      %broadcast_in_dim3A_1500 = vector.broadcast %broadcast_in_dim3A_1499 : i32 to vector<16xi32>
      %broadcast_in_dim3A_1501 = arith.constant 0 : i32
      %broadcast_in_dim3A_1502 = vector.broadcast %broadcast_in_dim3A_1501 : i32 to vector<16xi32>
      %slice3A_1503 = vector.extract_strided_slice %and3A_38 {offsets = [12], sizes = [1], strides = [1]} : vector<16xi32> to vector<1xi32>
      %squeeze3A_1504 = vector.extract %slice3A_1503[0] : i32 from vector<1xi32>
      %add3A_1505 = vector.broadcast %squeeze3A_1504 : i32 to vector<16xi32>
      %add3A_1506 = arith.addi %broadcast_in_dim3A_12, %add3A_1505 : vector<16xi32>
      %slice3A_1507 = vector.extract_strided_slice %and3A_47 {offsets = [12], sizes = [1], strides = [1]} : vector<16xi32> to vector<1xi32>
      %squeeze3A_1508 = vector.extract %slice3A_1507[0] : i32 from vector<1xi32>
      %add3A_1509 = vector.broadcast %squeeze3A_1508 : i32 to vector<16xi32>
      %add3A_1510 = arith.addi %broadcast_in_dim3A_12, %add3A_1509 : vector<16xi32>
      %gather3A_1511 = tpu.vector_load_idx %arg11[%broadcast_in_dim3A_1500, %broadcast_in_dim3A_1502, %iota3A, %add3A_1506] : memref<3x4x32x128xf32, #tpu.memory_space<vmem>>[vector<16xi32>, vector<16xi32>, vector<16xi32>, vector<16xi32>], vector<16xf32>,
      %gather3A_1512 = tpu.vector_load_idx %arg11[%broadcast_in_dim3A_1500, %broadcast_in_dim3A_1502, %add3A_15, %add3A_1506] : memref<3x4x32x128xf32, #tpu.memory_space<vmem>>[vector<16xi32>, vector<16xi32>, vector<16xi32>, vector<16xi32>], vector<16xf32>,
      %gather3A_1513 = tpu.vector_load_idx %arg12[%broadcast_in_dim3A_1500, %broadcast_in_dim3A_1502, %iota3A, %add3A_1510] : memref<3x4x32x128xf32, #tpu.memory_space<vmem>>[vector<16xi32>, vector<16xi32>, vector<16xi32>, vector<16xi32>], vector<16xf32>,
      %gather3A_1514 = tpu.vector_load_idx %arg12[%broadcast_in_dim3A_1500, %broadcast_in_dim3A_1502, %add3A_15, %add3A_1510] : memref<3x4x32x128xf32, #tpu.memory_space<vmem>>[vector<16xi32>, vector<16xi32>, vector<16xi32>, vector<16xi32>], vector<16xf32>,
      %mul3A_1515 = arith.mulf %gather3A_1511, %gather3A_1513 : vector<16xf32>
      %mul3A_1516 = arith.mulf %mul3A_1515, %get3A_5 : vector<16xf32>
      %mul3A_1517 = arith.mulf %gather3A_1512, %gather3A_1514 : vector<16xf32>
      %mul3A_1518 = arith.mulf %mul3A_1517, %get3A_9 : vector<16xf32>
      %add3A_1519 = arith.addf %mul3A_1516, %mul3A_1518 : vector<16xf32>
      %eq3A_1520 = arith.constant 12 : i32
      %eq3A_1521 = vector.broadcast %eq3A_1520 : i32 to vector<16xi32>
      %eq3A_1522 = arith.cmpi eq, %iota3A, %eq3A_1521 : vector<16xi32>
      %reduce_sum3A_1523 = arith.constant true
      %reduce_sum3A_1524 = vector.broadcast %reduce_sum3A_1523 : i1 to vector<16xi1>
      %reduce_sum3A_1525 = tpu.scan <sum>, %add3A_1519 masked %reduce_sum3A_1524 : vector<16xf32>, vector<16xi1> -> vector<16xf32>
      %reduce_sum3A_1526 = vector.extract %reduce_sum3A_1525[15] : f32 from vector<16xf32>
      %add3A_1527 = vector.broadcast %reduce_sum3A_1526 : f32 to vector<16xf32>
      %add3A_1528 = arith.addf %select_n3A_1362, %add3A_1527 : vector<16xf32>
      %select_n3A_1529 = arith.select %eq3A_1522, %add3A_1528, %select_n3A_1362 : vector<16xi1>, vector<16xf32>
      %broadcast_in_dim3A_1530 = arith.constant 0 : i32
      %broadcast_in_dim3A_1531 = vector.broadcast %broadcast_in_dim3A_1530 : i32 to vector<16xi32>
      %broadcast_in_dim3A_1532 = arith.constant 1 : i32
      %broadcast_in_dim3A_1533 = vector.broadcast %broadcast_in_dim3A_1532 : i32 to vector<16xi32>
      %slice3A_1534 = vector.extract_strided_slice %and3A_38 {offsets = [13], sizes = [1], strides = [1]} : vector<16xi32> to vector<1xi32>
      %squeeze3A_1535 = vector.extract %slice3A_1534[0] : i32 from vector<1xi32>
      %add3A_1536 = vector.broadcast %squeeze3A_1535 : i32 to vector<16xi32>
      %add3A_1537 = arith.addi %broadcast_in_dim3A_12, %add3A_1536 : vector<16xi32>
      %slice3A_1538 = vector.extract_strided_slice %and3A_47 {offsets = [13], sizes = [1], strides = [1]} : vector<16xi32> to vector<1xi32>
      %squeeze3A_1539 = vector.extract %slice3A_1538[0] : i32 from vector<1xi32>
      %add3A_1540 = vector.broadcast %squeeze3A_1539 : i32 to vector<16xi32>
      %add3A_1541 = arith.addi %broadcast_in_dim3A_12, %add3A_1540 : vector<16xi32>
      %gather3A_1542 = tpu.vector_load_idx %arg11[%broadcast_in_dim3A_1531, %broadcast_in_dim3A_1533, %iota3A, %add3A_1537] : memref<3x4x32x128xf32, #tpu.memory_space<vmem>>[vector<16xi32>, vector<16xi32>, vector<16xi32>, vector<16xi32>], vector<16xf32>,
      %gather3A_1543 = tpu.vector_load_idx %arg11[%broadcast_in_dim3A_1531, %broadcast_in_dim3A_1533, %add3A_15, %add3A_1537] : memref<3x4x32x128xf32, #tpu.memory_space<vmem>>[vector<16xi32>, vector<16xi32>, vector<16xi32>, vector<16xi32>], vector<16xf32>,
      %gather3A_1544 = tpu.vector_load_idx %arg12[%broadcast_in_dim3A_1531, %broadcast_in_dim3A_1533, %iota3A, %add3A_1541] : memref<3x4x32x128xf32, #tpu.memory_space<vmem>>[vector<16xi32>, vector<16xi32>, vector<16xi32>, vector<16xi32>], vector<16xf32>,
      %gather3A_1545 = tpu.vector_load_idx %arg12[%broadcast_in_dim3A_1531, %broadcast_in_dim3A_1533, %add3A_15, %add3A_1541] : memref<3x4x32x128xf32, #tpu.memory_space<vmem>>[vector<16xi32>, vector<16xi32>, vector<16xi32>, vector<16xi32>], vector<16xf32>,
      %mul3A_1546 = arith.mulf %gather3A_1542, %gather3A_1544 : vector<16xf32>
      %mul3A_1547 = arith.mulf %mul3A_1546, %get3A_5 : vector<16xf32>
      %mul3A_1548 = arith.mulf %gather3A_1543, %gather3A_1545 : vector<16xf32>
      %mul3A_1549 = arith.mulf %mul3A_1548, %get3A_9 : vector<16xf32>
      %add3A_1550 = arith.addf %mul3A_1547, %mul3A_1549 : vector<16xf32>
      %eq3A_1551 = arith.constant 13 : i32
      %eq3A_1552 = vector.broadcast %eq3A_1551 : i32 to vector<16xi32>
      %eq3A_1553 = arith.cmpi eq, %iota3A, %eq3A_1552 : vector<16xi32>
      %reduce_sum3A_1554 = arith.constant true
      %reduce_sum3A_1555 = vector.broadcast %reduce_sum3A_1554 : i1 to vector<16xi1>
      %reduce_sum3A_1556 = tpu.scan <sum>, %add3A_1550 masked %reduce_sum3A_1555 : vector<16xf32>, vector<16xi1> -> vector<16xf32>
      %reduce_sum3A_1557 = vector.extract %reduce_sum3A_1556[15] : f32 from vector<16xf32>
      %add3A_1558 = vector.broadcast %reduce_sum3A_1557 : f32 to vector<16xf32>
      %add3A_1559 = arith.addf %select_n3A_1529, %add3A_1558 : vector<16xf32>
      %select_n3A_1560 = arith.select %eq3A_1553, %add3A_1559, %select_n3A_1529 : vector<16xi1>, vector<16xf32>
      %broadcast_in_dim3A_1561 = arith.constant 0 : i32
      %broadcast_in_dim3A_1562 = vector.broadcast %broadcast_in_dim3A_1561 : i32 to vector<16xi32>
      %broadcast_in_dim3A_1563 = arith.constant 2 : i32
      %broadcast_in_dim3A_1564 = vector.broadcast %broadcast_in_dim3A_1563 : i32 to vector<16xi32>
      %slice3A_1565 = vector.extract_strided_slice %and3A_38 {offsets = [14], sizes = [1], strides = [1]} : vector<16xi32> to vector<1xi32>
      %squeeze3A_1566 = vector.extract %slice3A_1565[0] : i32 from vector<1xi32>
      %add3A_1567 = vector.broadcast %squeeze3A_1566 : i32 to vector<16xi32>
      %add3A_1568 = arith.addi %broadcast_in_dim3A_12, %add3A_1567 : vector<16xi32>
      %slice3A_1569 = vector.extract_strided_slice %and3A_47 {offsets = [14], sizes = [1], strides = [1]} : vector<16xi32> to vector<1xi32>
      %squeeze3A_1570 = vector.extract %slice3A_1569[0] : i32 from vector<1xi32>
      %add3A_1571 = vector.broadcast %squeeze3A_1570 : i32 to vector<16xi32>
      %add3A_1572 = arith.addi %broadcast_in_dim3A_12, %add3A_1571 : vector<16xi32>
      %gather3A_1573 = tpu.vector_load_idx %arg11[%broadcast_in_dim3A_1562, %broadcast_in_dim3A_1564, %iota3A, %add3A_1568] : memref<3x4x32x128xf32, #tpu.memory_space<vmem>>[vector<16xi32>, vector<16xi32>, vector<16xi32>, vector<16xi32>], vector<16xf32>,
      %gather3A_1574 = tpu.vector_load_idx %arg11[%broadcast_in_dim3A_1562, %broadcast_in_dim3A_1564, %add3A_15, %add3A_1568] : memref<3x4x32x128xf32, #tpu.memory_space<vmem>>[vector<16xi32>, vector<16xi32>, vector<16xi32>, vector<16xi32>], vector<16xf32>,
      %gather3A_1575 = tpu.vector_load_idx %arg12[%broadcast_in_dim3A_1562, %broadcast_in_dim3A_1564, %iota3A, %add3A_1572] : memref<3x4x32x128xf32, #tpu.memory_space<vmem>>[vector<16xi32>, vector<16xi32>, vector<16xi32>, vector<16xi32>], vector<16xf32>,
      %gather3A_1576 = tpu.vector_load_idx %arg12[%broadcast_in_dim3A_1562, %broadcast_in_dim3A_1564, %add3A_15, %add3A_1572] : memref<3x4x32x128xf32, #tpu.memory_space<vmem>>[vector<16xi32>, vector<16xi32>, vector<16xi32>, vector<16xi32>], vector<16xf32>,
      %mul3A_1577 = arith.mulf %gather3A_1573, %gather3A_1575 : vector<16xf32>
      %mul3A_1578 = arith.mulf %mul3A_1577, %get3A_5 : vector<16xf32>
      %mul3A_1579 = arith.mulf %gather3A_1574, %gather3A_1576 : vector<16xf32>
      %mul3A_1580 = arith.mulf %mul3A_1579, %get3A_9 : vector<16xf32>
      %add3A_1581 = arith.addf %mul3A_1578, %mul3A_1580 : vector<16xf32>
      %eq3A_1582 = arith.constant 14 : i32
      %eq3A_1583 = vector.broadcast %eq3A_1582 : i32 to vector<16xi32>
      %eq3A_1584 = arith.cmpi eq, %iota3A, %eq3A_1583 : vector<16xi32>
      %reduce_sum3A_1585 = arith.constant true
      %reduce_sum3A_1586 = vector.broadcast %reduce_sum3A_1585 : i1 to vector<16xi1>
      %reduce_sum3A_1587 = tpu.scan <sum>, %add3A_1581 masked %reduce_sum3A_1586 : vector<16xf32>, vector<16xi1> -> vector<16xf32>
      %reduce_sum3A_1588 = vector.extract %reduce_sum3A_1587[15] : f32 from vector<16xf32>
      %add3A_1589 = vector.broadcast %reduce_sum3A_1588 : f32 to vector<16xf32>
      %add3A_1590 = arith.addf %select_n3A_1560, %add3A_1589 : vector<16xf32>
      %select_n3A_1591 = arith.select %eq3A_1584, %add3A_1590, %select_n3A_1560 : vector<16xi1>, vector<16xf32>
      %broadcast_in_dim3A_1592 = arith.constant 0 : i32
      %broadcast_in_dim3A_1593 = vector.broadcast %broadcast_in_dim3A_1592 : i32 to vector<16xi32>
      %broadcast_in_dim3A_1594 = arith.constant 3 : i32
      %broadcast_in_dim3A_1595 = vector.broadcast %broadcast_in_dim3A_1594 : i32 to vector<16xi32>
      %slice3A_1596 = vector.extract_strided_slice %and3A_38 {offsets = [15], sizes = [1], strides = [1]} : vector<16xi32> to vector<1xi32>
      %squeeze3A_1597 = vector.extract %slice3A_1596[0] : i32 from vector<1xi32>
      %add3A_1598 = vector.broadcast %squeeze3A_1597 : i32 to vector<16xi32>
      %add3A_1599 = arith.addi %broadcast_in_dim3A_12, %add3A_1598 : vector<16xi32>
      %slice3A_1600 = vector.extract_strided_slice %and3A_47 {offsets = [15], sizes = [1], strides = [1]} : vector<16xi32> to vector<1xi32>
      %squeeze3A_1601 = vector.extract %slice3A_1600[0] : i32 from vector<1xi32>
      %add3A_1602 = vector.broadcast %squeeze3A_1601 : i32 to vector<16xi32>
      %add3A_1603 = arith.addi %broadcast_in_dim3A_12, %add3A_1602 : vector<16xi32>
      %gather3A_1604 = tpu.vector_load_idx %arg11[%broadcast_in_dim3A_1593, %broadcast_in_dim3A_1595, %iota3A, %add3A_1599] : memref<3x4x32x128xf32, #tpu.memory_space<vmem>>[vector<16xi32>, vector<16xi32>, vector<16xi32>, vector<16xi32>], vector<16xf32>,
      %gather3A_1605 = tpu.vector_load_idx %arg11[%broadcast_in_dim3A_1593, %broadcast_in_dim3A_1595, %add3A_15, %add3A_1599] : memref<3x4x32x128xf32, #tpu.memory_space<vmem>>[vector<16xi32>, vector<16xi32>, vector<16xi32>, vector<16xi32>], vector<16xf32>,
      %gather3A_1606 = tpu.vector_load_idx %arg12[%broadcast_in_dim3A_1593, %broadcast_in_dim3A_1595, %iota3A, %add3A_1603] : memref<3x4x32x128xf32, #tpu.memory_space<vmem>>[vector<16xi32>, vector<16xi32>, vector<16xi32>, vector<16xi32>], vector<16xf32>,
      %gather3A_1607 = tpu.vector_load_idx %arg12[%broadcast_in_dim3A_1593, %broadcast_in_dim3A_1595, %add3A_15, %add3A_1603] : memref<3x4x32x128xf32, #tpu.memory_space<vmem>>[vector<16xi32>, vector<16xi32>, vector<16xi32>, vector<16xi32>], vector<16xf32>,
      %mul3A_1608 = arith.mulf %gather3A_1604, %gather3A_1606 : vector<16xf32>
      %mul3A_1609 = arith.mulf %mul3A_1608, %get3A_5 : vector<16xf32>
      %mul3A_1610 = arith.mulf %gather3A_1605, %gather3A_1607 : vector<16xf32>
      %mul3A_1611 = arith.mulf %mul3A_1610, %get3A_9 : vector<16xf32>
      %add3A_1612 = arith.addf %mul3A_1609, %mul3A_1611 : vector<16xf32>
      %eq3A_1613 = arith.constant 15 : i32
      %eq3A_1614 = vector.broadcast %eq3A_1613 : i32 to vector<16xi32>
      %eq3A_1615 = arith.cmpi eq, %iota3A, %eq3A_1614 : vector<16xi32>
      %reduce_sum3A_1616 = arith.constant true
      %reduce_sum3A_1617 = vector.broadcast %reduce_sum3A_1616 : i1 to vector<16xi1>
      %reduce_sum3A_1618 = tpu.scan <sum>, %add3A_1612 masked %reduce_sum3A_1617 : vector<16xf32>, vector<16xi1> -> vector<16xf32>
      %reduce_sum3A_1619 = vector.extract %reduce_sum3A_1618[15] : f32 from vector<16xf32>
      %add3A_1620 = vector.broadcast %reduce_sum3A_1619 : f32 to vector<16xf32>
      %add3A_1621 = arith.addf %select_n3A_1591, %add3A_1620 : vector<16xf32>
      %select_n3A_1622 = arith.select %eq3A_1615, %add3A_1621, %select_n3A_1591 : vector<16xi1>, vector<16xf32>
      %mul3A_1623 = arith.constant 16 : i32
      %mul3A_1624 = arith.muli %scan3A_22, %mul3A_1623 : i32
      %swap3A = arith.index_cast %mul3A_1624 : i32 to index
      %swap3A_1625 = tpu.vector_load %arg13[%swap3A] {strides = array<i32>} : memref<512xf32, #tpu.memory_space<vmem>>, vector<16xf32>,
      tpu.vector_store %arg13[%swap3A], %select_n3A_1622 {strides = array<i32>} : memref<512xf32, #tpu.memory_space<vmem>>, vector<16xf32>,
      %scan3A_1626 = arith.constant 0 : i32
      scf.yield %scan3A_1626 : i32
    }
    %scan3A_21 = arith.constant 32 : i32
    "tpu.region"() ({
      %run_scoped3A = tpu.sem_alloc : memref<!tpu.dma_semaphore, #tpu.memory_space<semaphore_mem>>
      %dma_start3A = tpu.memref_slice %arg8[%mul3A_2] : memref<16384xf32, #tpu.memory_space<hbm>> -> memref<512xf32, #tpu.memory_space<hbm>>
      %dma_start3A_22 = tpu.memref_slice %arg8[%mul3A_2] : memref<16384xf32, #tpu.memory_space<hbm>> -> memref<512xf32, #tpu.memory_space<hbm>>
      tpu.enqueue_dma source(%arg13 : memref<512xf32, #tpu.memory_space<vmem>>) target(%dma_start3A_22 : memref<512xf32, #tpu.memory_space<hbm>>) target_semaphore(%run_scoped3A : memref<!tpu.dma_semaphore, #tpu.memory_space<semaphore_mem>>)
      %dma_wait3A = tpu.memref_slice %arg8[%mul3A_2] : memref<16384xf32, #tpu.memory_space<hbm>> -> memref<512xf32, #tpu.memory_space<hbm>>
      %dma_wait3A_23 = tpu.memref_slice %arg8[%mul3A_2] : memref<16384xf32, #tpu.memory_space<hbm>> -> memref<512xf32, #tpu.memory_space<hbm>>
      tpu.wait_dma2 semaphore(%run_scoped3A : memref<!tpu.dma_semaphore, #tpu.memory_space<semaphore_mem>>) src(%arg13 : memref<512xf32, #tpu.memory_space<vmem>>) dst(%dma_wait3A_23 : memref<512xf32, #tpu.memory_space<hbm>>)
      tpu.yield
    }) : () -> ()
    return
  }
}

</mosaic_0001>

<sc_bundles>
// kernel: kernel.3.cloned.1.call-start
scs
__scs_entry_jumppad:
0x0: {  	(pc) =	sbr.rel $0x88, $3  }
0x1: {  	(tag) =	ssettag $0x0;
	lr =	simm.s32 $0x1  }
0x2: {  	[smem:$0x3F9B] =	sst lr;
	_ =	strace $0xD0000000  }
0x3: {  	_ = 	snop  }
0x4: {  	_ = 	snop  }
0x5: {  	_ = 	snop  }
0x6: {  	_ = 	snop  }
0x7: {  	_ = 	snop  }
__scs_overlays_trampoline_lowered:
0x8: {  	[smem:$0x3FAA] =	sst s0  }
0x9: {  	[smem:$0x3FAB] =	sst s1  }
0xa: {  	[smem:$0x3FAC] =	sst s2  }
0xb: {  	[smem:$0x3FAD] =	sst s3  }
0xc: {  	[smem:$0x3FAE] =	sst s4  }
0xd: {  	[smem:$0x3FAF] =	sst s5  }
0xe: {  	[smem:$0x3FB0] =	sst s6  }
0xf: {  	[smem:$0x3FB1] =	sst s7  }
0x10: {  	[smem:$0x3FB2] =	sst s8  }
0x11: {  	[smem:$0x3FB3] =	sst s9;
	s0 =	simm.s32 @!p0 $0x0  }
0x12: {  	s1 =	sld [smem:$0x3F99];
	s0 =	simm.s32 @p0 $0x1  }
0x13: {  	[smem:$0x3FB4] =	sst s0;
	s0 =	simm.s32 @!p1 $0x0  }
0x14: {  	s2 =	sld [smem:$0x3F98];
	s0 =	simm.s32 @p1 $0x1  }
0x15: {  	[smem:$0x3FB5] =	sst s0;
	s0 =	simm.s32 @!p2 $0x0  }
0x16: {  	s3 =	sld [smem:$0x3FDB];
	s0 =	simm.s32 @p2 $0x1  }
0x17: {  	s4 =	simm.s32 $0x1BF5;
	[smem:$0x3FB7] =	sst s0  }
0x18: {  	s0 =	sld [smem:$0x3F9A];
	_ =	swait.ge [sflag:s4], $0x0  }
0x19: {  	s7 =	sld [smem:$0x3F9B]  }
0x1a: {  	s8 =	sadd.s32 $0xFFFFE003, lr  }
0x1b: {  	s9 =	sadd.s32 $0xFFFFFEF7, lr;
	s5 =	simm.s32 $0xFFFFFFFF;
	p2 =	slt.u32 s8, $0xFFFFF086  }
0x1c: {  	p1 =	slt.u32 s9, $0xF7A;
	s5 =	simm.s32 @!p2 $0x0  }
0x1d: {  	s5 =	simm.s32 @p1 $0x1;
	p0 =	seq.s32 s7, s2  }
0x1e: {  	s7 =	smul.u32 @!p0 $0xF7A, s2;
	p2 =	seq.s32 @!p0 s5, $0x0  }
0x1f: {  	s9 =	smul.u32 $0xF7A, s1;
	s8 =	simm.s32 @!p0 $0x1BF5;
	p2 =	por !p2, p0  }
0x20: {  	[sflag:s8] =	ssyncset.s32 @!p0 $0xFFFFF086;
	s6 =	sadd.s32 @!p0 s3, s7;
	s7 =	simm.s32 @!p0 $0x108  }
0x21: {  	s3 =	sadd.s32 s3, s9;
	s6 =	sadd.s32 @!p0 $0x88, s6;
	s7 =	simm.s32 @p2 $0x1082  }
0x22: {  	[simem:s7], [sflag:s8] =	dma.local @!p0 [hbm:s6], $0xF7A  }
0x23: {  	s9 =	sor.u32 $0xD0000000, s2;
	s6 =	simm.s32 $0x108;
	_ =	swait.ge @!p0 [sflag:s8], $0x0  }
0x24: {  	s3 =	sadd.s32 $0x88, s3;
	s6 =	simm.s32 @!p1 $0x1082;
	[sflag:s4] =	ssyncset.s32 $0xFFFFF086  }
0x25: {  	[simem:s6], [sflag:s4] =	dma.local [hbm:s3], $0xF7A  }
0x26: {  	[smem:$0x3F9B] =	sst s1;
	(tag) =	ssettag s2;
	_ =	strace s9  }
0x27: {  	s1 =	sld [smem:$0x3FAB]  }
0x28: {  	s2 =	sld [smem:$0x3FAC]  }
0x29: {  	s4 =	sld [smem:$0x3FAE]  }
0x2a: {  	p0 =	seq.s32 s5, $0x0;
	s5 =	sld [smem:$0x3FAF]  }
0x2b: {  	s6 =	sld [smem:$0x3FB0]  }
0x2c: {  	s7 =	sld [smem:$0x3FB1]  }
0x2d: {  	s3 =	simm.s32 $0x108;
	s8 =	sld [smem:$0x3FB2]  }
0x2e: {  	s3 =	simm.s32 @!p0 $0x1082;
	s9 =	sld [smem:$0x3FB3]  }
0x2f: {  	lr =	sadd.s32 s0, s3;
	s0 =	sld [smem:$0x3FAA]  }
0x30: {  	s3 =	sld [smem:$0x3FAD]  }
0x31: {  	[smem:$0x3FB6] =	sst s10  }
0x32: {  	s10 =	sld [smem:$0x3FB4];
	_ =	sdelay $0x3  }
0x33: {  	p0 =	seq.s32 s10, $0x1;
	s10 =	sld [smem:$0x3FB6];
	_ =	sdelay $0x3  }
0x34: {  	[smem:$0x3FB6] =	sst s10  }
0x35: {  	s10 =	sld [smem:$0x3FB5];
	_ =	sdelay $0x3  }
0x36: {  	p1 =	seq.s32 s10, $0x1;
	s10 =	sld [smem:$0x3FB6];
	_ =	sdelay $0x3  }
0x37: {  	[smem:$0x3FB6] =	sst s10  }
0x38: {  	s10 =	sld [smem:$0x3FB7]  }
0x39: {  	_ = 	snop;
	(pc) =	sbr.ind lr, $3  }
0x3a: {  	_ = 	snop  }
0x3b: {  	_ = 	snop  }
0x3c: {  	p2 =	seq.s32 s10, $0x1;
	s10 =	sld [smem:$0x3FB6]  }
0x3d: {  	_ =	shalt  }
0x3e: {  	_ =	shalt  }
0x3f: {  	_ =	shalt  }
0x40: {  	_ =	shalt  }
0x41: {  	_ =	shalt  }
0x42: {  	_ =	shalt  }
0x43: {  	_ =	shalt  }
0x44: {  	_ =	shalt  }
0x45: {  	_ =	shalt  }
0x46: {  	_ =	shalt  }
0x47: {  	_ =	shalt  }
0x48: {  	_ =	shalt  }
0x49: {  	_ =	shalt  }
0x4a: {  	_ =	shalt  }
0x4b: {  	_ =	shalt  }
0x4c: {  	_ =	shalt  }
0x4d: {  	_ =	shalt  }
0x4e: {  	_ =	shalt  }
0x4f: {  	_ =	shalt  }
0x50: {  	_ =	shalt  }
0x51: {  	_ =	shalt  }
0x52: {  	_ =	shalt  }
0x53: {  	_ =	shalt  }
0x54: {  	_ =	shalt  }
0x55: {  	_ =	shalt  }
0x56: {  	_ =	shalt  }
0x57: {  	_ =	shalt  }
0x58: {  	_ =	shalt  }
0x59: {  	_ =	shalt  }
0x5a: {  	_ =	shalt  }
0x5b: {  	_ =	shalt  }
0x5c: {  	_ =	shalt  }
0x5d: {  	_ =	shalt  }
0x5e: {  	_ =	shalt  }
0x5f: {  	_ =	shalt  }
0x60: {  	_ =	shalt  }
0x61: {  	_ =	shalt  }
0x62: {  	_ =	shalt  }
0x63: {  	_ =	shalt  }
0x64: {  	_ =	shalt  }
0x65: {  	_ =	shalt  }
0x66: {  	_ =	shalt  }
0x67: {  	_ =	shalt  }
0x68: {  	_ =	shalt  }
0x69: {  	_ =	shalt  }
0x6a: {  	_ =	shalt  }
0x6b: {  	_ =	shalt  }
0x6c: {  	_ =	shalt  }
0x6d: {  	_ =	shalt  }
0x6e: {  	_ =	shalt  }
0x6f: {  	_ =	shalt  }
0x70: {  	_ =	shalt  }
0x71: {  	_ =	shalt  }
0x72: {  	_ =	shalt  }
0x73: {  	_ =	shalt  }
0x74: {  	_ =	shalt  }
0x75: {  	_ =	shalt  }
0x76: {  	_ =	shalt  }
0x77: {  	_ =	shalt  }
0x78: {  	_ =	shalt  }
0x79: {  	_ =	shalt  }
0x7a: {  	_ =	shalt  }
0x7b: {  	_ =	shalt  }
0x7c: {  	_ =	shalt  }
0x7d: {  	_ =	shalt  }
0x7e: {  	_ =	shalt  }
0x7f: {  	_ =	shalt  }
0x80: {  	_ =	shalt  }
0x81: {  	_ =	shalt  }
0x82: {  	_ =	shalt  }
0x83: {  	_ =	shalt  }
0x84: {  	_ =	shalt  }
0x85: {  	_ =	shalt  }
0x86: {  	_ =	shalt  }
0x87: {  	_ =	shalt  }
.Lfunc_end0:
.L_simem_size_0:
called_computation_lowered:
.L_overlay_start_0:
0x88: {  	s2 =	sld [smem:$0x3FD9]  }
0x89: {  	s3 =	sld [smem:$0x3FFE];
	_ =	sdelay $0x1  }
0x8a: {  	s1 =	srdreg.scid  }
0x8b: {  	s0 =	sand.u32 $0x1, s1  }
0x8c: {  	s17 =	sshll.u32 s0, $0xA;
	s2 =	sadd.s32 s3, s2  }
0x8d: {  	s2 =	sadd.s32 s2, s17  }
0x8e: {  	[smem:$0x3FC2] =	sst s2  }
0x8f: {  	_ = 	snop  }
0x90: {  	s2 =	sld [smem:$0x3FC9]  }
0x91: {  	s18 =	sld [smem:$0x3FC8]  }
0x92: {  	s4 =	sld [smem:$0x3FC7]  }
0x93: {  	s5 =	sld [smem:$0x3FC6]  }
0x94: {  	s6 =	sld [smem:$0x3FC5]  }
0x95: {  	s7 =	sld [smem:$0x3FD0];
	(tm) =	ssettm $0x1  }
0x96: {  	s8 =	sld [smem:$0x3FFB];
	_ =	sdelay $0x3  }
0x97: {  	_ =	strace s8  }
0x98: {  	s8 =	sld [smem:$0x3FFC];
	_ =	sdelay $0x3  }
0x99: {  	_ =	strace s8  }
0x9a: {  	s8 =	sld [smem:$0x3FFD];
	_ =	sdelay $0x3  }
0x9b: {  	_ =	strace s8  }
0x9c: {  	_ =	strace $0x8FFFFFFF  }
0x9d: {  	s19 =	sld [smem:$0x3FDB];
	_ =	sdelay $0x1  }
0x9e: {  	s9 =	simm.s32 $_scs_section_size  }
0x9f: {  	s10 =	simm.s32 $_size__tile_overlayer_lowered;
	s11 =	simm.s32 $_tile_overlayer_lowered  }
0xa0: {  	s22 =	simm.s32 $0x1BFF;
	s21 =	sshll.u32 s11, $0x1;
	s8 =	sadd.s32 s9, s19  }
0xa1: {  	s12 =	simm.s32 $0x0;
	s20 =	sshll.u32 s10, $0x1;
	s10 =	sadd.s32 s21, s8  }
0xa2: {  	[timem:s12], [sflag:s22] =	dma.local [hbm:s10], s20  }
0xa3: {  	_ =	swait.ge [sflag:s22], s20  }
0xa4: {  	s9 =	ssub.s32 $0x0, s20;
	[sflag:s22] =	ssyncset.done $0x0  }
0xa5: {  	[sflag:s22] =	ssyncadd.s32 s9;
	_ =	sdelay $0x1  }
0xa6: {  	s23 =	simm.s32 $0x1B8B  }
0xa7: {  	_ =	swait.ge [sflag:s23], $0x1  }
0xa8: {  	[sflag:s23] =	ssyncset.done $0x0  }
0xa9: {  	s25 =	simm.s32 $0x1B8E;
	s24 =	sld [smem:$0x3FFE];
	[sflag:s23] =	ssyncadd.s32 $0xFFFFFFFF  }
0xaa: {  	s26 =	simm.s32 $execute0_lowered;
	[smem:$0x3FD2] =	sst s25  }
0xab: {  	s10 =	sshll.u32 s26, $0x1;
	_ =	strace $0x80000046;
	[dreg:$0x1] =	wrdreg $0xFFFFFFFF  }
0xac: {  	s28 =	simm.s32 $_size_execute0_lowered;
	s8 =	sadd.s32 s8, s10;
	[dreg:$0x0] =	wrdreg $0x0  }
0xad: {  	s10 =	sshll.u32 s28, $0x1;
	[dreg:$0x2] =	wrdreg s8  }
0xae: {  	[dreg:$0x3] =	wrdreg s10  }
0xaf: {  	[dreg:$0x4] =	wrdreg $0xC0  }
0xb0: {  	_ =	task [dreg:s12], $0x5FFFF  }
0xb1: {  	[dreg:$0x1] =	wrdreg $0xFFFFFFFF  }
0xb2: {  	[dreg:$0x0] =	wrdreg $0x60  }
0xb3: {  	[dreg:$0x2] =	wrdreg s4  }
0xb4: {  	[dreg:$0x3] =	wrdreg s5  }
0xb5: {  	[dreg:$0x4] =	wrdreg s2  }
0xb6: {  	[dreg:$0x5] =	wrdreg s18  }
0xb7: {  	[dreg:$0x6] =	wrdreg s6  }
0xb8: {  	[dreg:$0x7] =	wrdreg s24  }
0xb9: {  	[dreg:$0x8] =	wrdreg s7  }
0xba: {  	[dreg:$0x9] =	wrdreg $0x9  }
0xbb: {  	_ =	task.clear_ibuf [dreg:s12], $0xAFFFF;
	_ =	strace $0x90000046  }
0xbc: {  	s29 =	simm.s32 $0x9;
	_ =	strace $0x80000048  }
0xbd: {  	_ =	swait.ge [sflag:s29], $0x1  }
0xbe: {  	[sflag:s29] =	ssyncadd.s32 $0xFFFFFFFF  }
0xbf: {  	_ =	strace $0x90000048  }
0xc0: {  	_ =	sfence  }
0xc1: {  	s30 =	sld [smem:$0x0];
	_ =	sdelay $0x2  }
0xc2: {  	s31 =	sshll.u32 s1, $0xD;
	s1 =	sshrl.u32 s1, $0x2  }
0xc3: {  	s3 =	sand.u32 $0x4000, s31;
	s1 =	sadd.s32 s1, s30  }
0xc4: {  	s0 =	sor.u32 s3, s0;
	s1 =	sshll.u32 s1, $0x11  }
0xc5: {  	s0 =	sor.u32 s1, s0  }
0xc6: {  	s0 =	sadd.s32 $0x8F2B, s0  }
0xc7: {  	[sflag:s0] =	ssyncadd.remote.s32 $0x1  }
0xc8: {  	_ =	sfence.sel $0xFFFF  }
0xc9: {  	[dreg:$0x0] =	wrdreg $0xFFFFFFFF;
	(pc) =	sbr.abs _section_cstart, $3  }
0xca: {  	[dreg:$0x1] =	wrdreg $0xFFFFFFFF  }
0xcb: {  	_ =	task.clear_ibuf [dreg:s12], $0x2FFFF;
	_ =	strace $0x9FFFFFFF  }
0xcc: {  	(tm) =	ssettm $0x7FFFFFFF  }
0xcd: {  	_ =	shalt  }
tec
execute0_lowered:
.L_overlay_start_1:
0x0: {  	(tag) =	ssettag $0x1  }
0x1: {  	s0 =	rddreg [dreg:$0x0]  }
0x2: {  	s25 =	rddreg [dreg:$0x1]  }
0x3: {  	s5 =	rddreg [dreg:$0x2]  }
0x4: {  	s6 =	rddreg [dreg:$0x3]  }
0x5: {  	s1 =	rddreg [dreg:$0x4]  }
0x6: {  	s4 =	rddreg [dreg:$0x5]  }
0x7: {  	s7 =	rddreg [dreg:$0x6]  }
0x8: {  	s3 =	simm.s32 $0x0;
	s8 =	srdreg.scid;
	[dreg:$0x8] =	wrdreg s0  }
0x9: {  	s2 =	stileid.u32;
	s26 =	simm.s32 $0x4500;
	[dreg:$0x9] =	wrdreg s25  }
0xa: {  	s28 =	simm.s32 $0x10500;
	s29 =	simm.s32 $0x5500;
	s0 =	rddreg [dreg:$0x7]  }
0xb: {  	s30 =	simm.s32 $0x11500;
	s31 =	simm.s32 $0x6500;
	[smem:$0x7FF] =	sst s3  }
0xc: {  	s12 =	simm.s32 $0x12500;
	_ =	strace $0x80000047;
	[dreg:$0xa] =	wrdreg s26  }
0xd: {  	s13 =	simm.s32 $0x7500;
	s14 =	simm.s32 $0x13500;
	[dreg:$0xb] =	wrdreg s28  }
0xe: {  	s15 =	simm.s32 $0x8500;
	s16 =	simm.s32 $0x14500;
	[dreg:$0xc] =	wrdreg s29  }
0xf: {  	v0 =	vlaneseq.u32;
	vm0 =	vmmov $0x1;
	s17 =	simm.s32 $0x9500;
	s18 =	simm.s32 $0x15500;
	[dreg:$0xd] =	wrdreg s30  }
0x10: {  	vm1 =	vcmask $0x30C;
	vm2 =	vcmask $0xF0C;
	vm3 =	vcmask $0x714;
	s19 =	simm.s32 $0xA500;
	s20 =	simm.s32 $0x16500;
	[dreg:$0xe] =	wrdreg s31  }
0x11: {  	vm4 =	vcmask $0xF18;
	vm5 =	vcmask $0x131C;
	vm6 =	vcmask $0x1F1C;
	s21 =	simm.s32 $0xB500;
	s23 =	simm.s32 $0x17500;
	[dreg:$0xf] =	wrdreg s12  }
0x12: {  	vm7 =	vcmask $0x1724;
	vm8 =	vcmask $0x1F28;
	vm9 =	vcmask $0x232C;
	s22 =	simm.s32 $0xF500;
	s24 =	simm.s32 $0x18500;
	[dreg:$0x10] =	wrdreg s13  }
0x13: {  	vm10 =	vcmask $0x2F2C;
	vm11 =	vcmask $0x2734;
	vm12 =	vcmask $0x2F38;
	s8 =	sand.u32 $0x1, s8;
	s10 =	sshll.u32 s2, $0x7;
	[dreg:$0x11] =	wrdreg s14  }
0x14: {  	vm13 =	vcmask $0x333C;
	vm14 =	vmmov $0x3fff;
	vm15 =	vmmov $0x7fff;
	s4 =	sadd.s32 $0x400, s4;
	s25 =	simm.s32 $0x0;
	[dreg:$0x12] =	wrdreg s15  }
0x15: {  	v0 =	vmul.u32 $0x80, v0;
	vm2 =	vmor vm3, vm2;
	vm3 =	vcmask $0xB14;
	s9 =	ssub.s32 $0x2, s8;
	s8 =	sshll.u32 s8, $0x6;
	[dreg:$0x13] =	wrdreg s16  }
0x16: {  	vm6 =	vmor vm7, vm6;
	vm7 =	vcmask $0x1B24;
	vm10 =	vmor vm11, vm10;
	s12 =	simm.s32 $0x280;
	s13 =	simm.s32 $0x400;
	[dreg:$0x14] =	wrdreg s17  }
0x17: {  	vm11 =	vcmask $0x2B34;
	s14 =	simm.s32 $0x7A1400;
	s15 =	simm.s32 $0x500;
	[dreg:$0x15] =	wrdreg s18;
	v1 =	vor.u32 $0x800, v0;
	v2 =	vor.u32 $0x1000, v0  }
0x18: {  	s16 =	simm.s32 $0xC500;
	s17 =	simm.s32 $0x1500;
	[dreg:$0x16] =	wrdreg s19;
	v3 =	vor.u32 $0x1800, v0;
	v4 =	vor.u32 $0x2000, v0;
	v5 =	vor.u32 $0x2800, v0  }
0x19: {  	s18 =	simm.s32 $0xD500;
	s19 =	simm.s32 $0x2500;
	[dreg:$0x17] =	wrdreg s20;
	v6 =	vor.u32 $0x3000, v0;
	v7 =	vor.u32 $0x3800, v0;
	v8 =	vor.u32 $0x4000, v0  }
0x1a: {  	s20 =	simm.s32 $0xE500;
	[dreg:$0x18] =	wrdreg s21;
	s21 =	simm.s32 $0x3500;
	v9 =	vor.u32 $0x4800, v0;
	v10 =	vor.u32 $0x5000, v0;
	v11 =	vor.u32 $0x5800, v0  }
0x1b: {  	[dreg:$0x19] =	wrdreg s23;
	s23 =	simm.s32 $0x1;
	s11 =	sshrl.u32 s9, $0x1;
	v12 =	vor.u32 $0x6000, v0;
	v13 =	vor.u32 $0x6800, v0;
	v14 =	vor.u32 $0x7000, v0  }
0x1c: {  	s8 =	sor.u32 s8, s10;
	s10 =	simm.s32 $0x2;
	v15 =	vor.u32 $0x7800, v0;
	v16 =	vor.u32 $0x8000, v0;
	v17 =	vor.u32 $0x8800, v0;
	s9 =	ssub.s32 s9, s11  }
0x1d: {  	v18 =	vor.u32 $0x9000, v0;
	v19 =	vor.u32 $0x9800, v0;
	v20 =	vor.u32 $0xA000, v0;
	s5 =	sadd.s32 s5, s8;
	s6 =	sadd.s32 s6, s8;
	s7 =	sadd.s32 s7, s8  }
0x1e: {  	v21 =	vor.u32 $0xA800, v0;
	v22 =	vor.u32 $0xB000, v0;
	v23 =	vor.u32 $0xB800, v0;
	s11 =	simm.s32 $0x18780;
	s8 =	smax.u32 s9, $0x1;
	s9 =	simm.s32 $0x18700  }
.LBB2_1:
0x1f: {  	[tilespmem:s9], [sflag:$0x2] =	stream.linear.gather [hbm4b:s1+s3], $0x80, $0x38;
	[tilespmem:$0x18800] =	vst v63  }
0x20: {  	_ =	swait.ge [sflag:s10], $0x80  }
0x21: {  	[sflag:s10] =	ssyncset.done $0x0  }
0x22: {  	[sflag:s10] =	ssyncadd.s32 $0xFFFFFF80  }
0x23: {  	[tilespmem:s11], [sflag:$0x2] =	stream.linear.gather [hbm4b:s4+s3], $0x80, $0x38;
	[tilespmem:$0x18800] =	vst v63  }
0x24: {  	_ =	swait.ge [sflag:s10], $0x80  }
0x25: {  	[sflag:s10] =	ssyncset.done $0x0  }
0x26: {  	[sflag:s10] =	ssyncadd.s32 $0xFFFFFF80  }
0x27: {  	[tilespmem:s3], [sflag:$0x2] =	stream.linear.gather [hbm4b:s5+s3], $0x200, $0x38;
	[tilespmem:$0x18800] =	vst v63  }
0x28: {  	_ =	swait.ge [sflag:s10], $0x200  }
0x29: {  	[sflag:s10] =	ssyncset.done $0x0  }
0x2a: {  	[sflag:s10] =	ssyncadd.s32 $0xFFFFFE00  }
0x2b: {  	[tilespmem:s12], [sflag:$0x2] =	stream.linear.gather [hbm4b:s6+s3], $0x200, $0x38;
	[tilespmem:$0x18800] =	vst v63  }
0x2c: {  	_ =	swait.ge [sflag:s10], $0x200  }
0x2d: {  	[sflag:s10] =	ssyncset.done $0x0  }
0x2e: {  	[sflag:s10] =	ssyncadd.s32 $0xFFFFFE00  }
0x2f: {  	v24 =	vld [tilespmem:$0x18700]  }
0x30: {  	v25 =	vld [tilespmem:$0x18710]  }
0x31: {  	s26 =	simm.s32 $0x0;
	v26 =	vld [tilespmem:$0x18780]  }
.LBB2_2:
0x32: {  	s28 =	sshra.s32 s26, $0x2  }
0x33: {  	v27 =	vld [tilespmem:s28+$0x0];
	_ =	sdelay $0x1  }
0x34: {  	v28 =	vld [tilespmem:s28+$0x280];
	_ =	sdelay $0x2  }
0x35: {  	s29 =	rddreg [dreg:$0x8];
	v29 =	vand.u32 $0xFFFFFF80, v27  }
0x36: {  	v30 =	vadd.s32 s29, v29  }
0x37: {  	s30 =	rddreg [dreg:$0x9];
	v56 =	vand.u32 $0xFFFFFF80, v28;
	(v2sf) =	vpush v30, $0x0  }
0x38: {  	v29 =	vadd.s32 s30, v56  }
0x39: {  	(v2sf) =	vpush v29, $0x0;
	_ =	sdelay $0x1  }
0x3a: {  	(v2sf) =	vpush v30, $0x1;
	_ =	sdelay $0x1  }
0x3b: {  	(v2sf) =	vpush v29, $0x1;
	_ =	sdelay $0x1  }
0x3c: {  	(v2sf) =	vpush v30, $0x2;
	_ =	sdelay $0x1  }
0x3d: {  	(v2sf) =	vpush v29, $0x2;
	_ =	sdelay $0x1  }
0x3e: {  	(v2sf) =	vpush v30, $0x3;
	_ =	sdelay $0x1  }
0x3f: {  	(v2sf) =	vpush v29, $0x3  }
0x40: {  	s30 =	spop (v2sf)  }
0x41: {  	(v2sf) =	vpush v30, $0x4;
	[tilespmem:s15], [sflag:$0x1] =	stream.strided.gather [hbm4b:s30+s13], $0x1000, s14, s13, $0x38;
	[tilespmem:$0x18800] =	vst v63  }
0x42: {  	s31 =	spop (v2sf)  }
0x43: {  	(v2sf) =	vpush v29, $0x4;
	[tilespmem:s16], [sflag:$0x1] =	stream.strided.gather [hbm4b:s31+s13], $0x1000, s14, s13, $0x38;
	[tilespmem:$0x18800] =	vst v63  }
0x44: {  	s30 =	spop (v2sf)  }
0x45: {  	(v2sf) =	vpush v30, $0x5;
	[tilespmem:s17], [sflag:$0x1] =	stream.strided.gather [hbm4b:s30+s13], $0x1000, s14, s13, $0x38;
	[tilespmem:$0x18800] =	vst v63  }
0x46: {  	s31 =	spop (v2sf)  }
0x47: {  	(v2sf) =	vpush v29, $0x5;
	[tilespmem:s18], [sflag:$0x1] =	stream.strided.gather [hbm4b:s31+s13], $0x1000, s14, s13, $0x38;
	[tilespmem:$0x18800] =	vst v63  }
0x48: {  	s30 =	spop (v2sf)  }
0x49: {  	(v2sf) =	vpush v30, $0x6;
	[tilespmem:s19], [sflag:$0x1] =	stream.strided.gather [hbm4b:s30+s13], $0x1000, s14, s13, $0x38;
	[tilespmem:$0x18800] =	vst v63  }
0x4a: {  	s31 =	spop (v2sf)  }
0x4b: {  	(v2sf) =	vpush v29, $0x6;
	[tilespmem:s20], [sflag:$0x1] =	stream.strided.gather [hbm4b:s31+s13], $0x1000, s14, s13, $0x38;
	[tilespmem:$0x18800] =	vst v63  }
0x4c: {  	s30 =	spop (v2sf)  }
0x4d: {  	(v2sf) =	vpush v30, $0x7;
	[tilespmem:s21], [sflag:$0x1] =	stream.strided.gather [hbm4b:s30+s13], $0x1000, s14, s13, $0x38;
	[tilespmem:$0x18800] =	vst v63  }
0x4e: {  	s31 =	spop (v2sf)  }
0x4f: {  	(v2sf) =	vpush v29, $0x7;
	[tilespmem:s22], [sflag:$0x1] =	stream.strided.gather [hbm4b:s31+s13], $0x1000, s14, s13, $0x38;
	[tilespmem:$0x18800] =	vst v63  }
0x50: {  	s30 =	rddreg [dreg:$0xa];
	s29 =	spop (v2sf)  }
0x51: {  	(v2sf) =	vpush v30, $0x8;
	[tilespmem:s30], [sflag:$0x1] =	stream.strided.gather [hbm4b:s29+s13], $0x1000, s14, s13, $0x38;
	[tilespmem:$0x18800] =	vst v63  }
0x52: {  	s31 =	rddreg [dreg:$0xb];
	s29 =	spop (v2sf)  }
0x53: {  	(v2sf) =	vpush v29, $0x8;
	[tilespmem:s31], [sflag:$0x1] =	stream.strided.gather [hbm4b:s29+s13], $0x1000, s14, s13, $0x38;
	[tilespmem:$0x18800] =	vst v63  }
0x54: {  	s30 =	rddreg [dreg:$0xc];
	s29 =	spop (v2sf)  }
0x55: {  	(v2sf) =	vpush v30, $0x9;
	[tilespmem:s30], [sflag:$0x1] =	stream.strided.gather [hbm4b:s29+s13], $0x1000, s14, s13, $0x38;
	[tilespmem:$0x18800] =	vst v63  }
0x56: {  	s31 =	rddreg [dreg:$0xd];
	s29 =	spop (v2sf)  }
0x57: {  	(v2sf) =	vpush v29, $0x9;
	[tilespmem:s31], [sflag:$0x1] =	stream.strided.gather [hbm4b:s29+s13], $0x1000, s14, s13, $0x38;
	[tilespmem:$0x18800] =	vst v63  }
0x58: {  	s30 =	rddreg [dreg:$0xe];
	s29 =	spop (v2sf)  }
0x59: {  	(v2sf) =	vpush v30, $0xA;
	[tilespmem:s30], [sflag:$0x1] =	stream.strided.gather [hbm4b:s29+s13], $0x1000, s14, s13, $0x38;
	[tilespmem:$0x18800] =	vst v63  }
0x5a: {  	s31 =	rddreg [dreg:$0xf];
	s29 =	spop (v2sf)  }
0x5b: {  	(v2sf) =	vpush v29, $0xA;
	[tilespmem:s31], [sflag:$0x1] =	stream.strided.gather [hbm4b:s29+s13], $0x1000, s14, s13, $0x38;
	[tilespmem:$0x18800] =	vst v63  }
0x5c: {  	s30 =	rddreg [dreg:$0x10];
	s29 =	spop (v2sf)  }
0x5d: {  	(v2sf) =	vpush v30, $0xB;
	[tilespmem:s30], [sflag:$0x1] =	stream.strided.gather [hbm4b:s29+s13], $0x1000, s14, s13, $0x38;
	[tilespmem:$0x18800] =	vst v63  }
0x5e: {  	s31 =	rddreg [dreg:$0x11];
	s29 =	spop (v2sf)  }
0x5f: {  	(v2sf) =	vpush v29, $0xB;
	[tilespmem:s31], [sflag:$0x1] =	stream.strided.gather [hbm4b:s29+s13], $0x1000, s14, s13, $0x38;
	[tilespmem:$0x18800] =	vst v63  }
0x60: {  	s30 =	rddreg [dreg:$0x12];
	s29 =	spop (v2sf)  }
0x61: {  	[tilespmem:s30], [sflag:$0x1] =	stream.strided.gather [hbm4b:s29+s13], $0x1000, s14, s13, $0x38;
	[tilespmem:$0x18800] =	vst v63  }
0x62: {  	s31 =	rddreg [dreg:$0x13];
	s29 =	spop (v2sf)  }
0x63: {  	[tilespmem:s31], [sflag:$0x1] =	stream.strided.gather [hbm4b:s29+s13], $0x1000, s14, s13, $0x38;
	[tilespmem:$0x18800] =	vst v63  }
0x64: {  	s30 =	rddreg [dreg:$0x14];
	s29 =	spop (v2sf)  }
0x65: {  	[tilespmem:s30], [sflag:$0x1] =	stream.strided.gather [hbm4b:s29+s13], $0x1000, s14, s13, $0x38;
	[tilespmem:$0x18800] =	vst v63  }
0x66: {  	s31 =	rddreg [dreg:$0x15];
	s29 =	spop (v2sf)  }
0x67: {  	[tilespmem:s31], [sflag:$0x1] =	stream.strided.gather [hbm4b:s29+s13], $0x1000, s14, s13, $0x38;
	[tilespmem:$0x18800] =	vst v63  }
0x68: {  	s30 =	rddreg [dreg:$0x16];
	s29 =	spop (v2sf)  }
0x69: {  	[tilespmem:s30], [sflag:$0x1] =	stream.strided.gather [hbm4b:s29+s13], $0x1000, s14, s13, $0x38;
	[tilespmem:$0x18800] =	vst v63  }
0x6a: {  	s31 =	rddreg [dreg:$0x17];
	s29 =	spop (v2sf)  }
0x6b: {  	[tilespmem:s31], [sflag:$0x1] =	stream.strided.gather [hbm4b:s29+s13], $0x1000, s14, s13, $0x38;
	[tilespmem:$0x18800] =	vst v63  }
0x6c: {  	s30 =	rddreg [dreg:$0x18];
	s29 =	spop (v2sf)  }
0x6d: {  	[tilespmem:s30], [sflag:$0x1] =	stream.strided.gather [hbm4b:s29+s13], $0x1000, s14, s13, $0x38;
	[tilespmem:$0x18800] =	vst v63  }
0x6e: {  	s31 =	rddreg [dreg:$0x19];
	s30 =	spop (v2sf)  }
0x6f: {  	[tilespmem:s31], [sflag:$0x1] =	stream.strided.gather [hbm4b:s30+s13], $0x1000, s14, s13, $0x38;
	[tilespmem:$0x18800] =	vst v63  }
0x70: {  	_ =	swait.ge [sflag:s23], $0x1000  }
0x71: {  	[sflag:s23] =	ssyncset.done $0x0  }
0x72: {  	[sflag:s23] =	ssyncadd.s32 $0xFFFFF000  }
0x73: {  	_ =	swait.ge [sflag:s23], $0x1000  }
0x74: {  	[sflag:s23] =	ssyncset.done $0x0  }
0x75: {  	[sflag:s23] =	ssyncadd.s32 $0xFFFFF000  }
0x76: {  	_ =	swait.ge [sflag:s23], $0x1000  }
0x77: {  	[sflag:s23] =	ssyncset.done $0x0  }
0x78: {  	[sflag:s23] =	ssyncadd.s32 $0xFFFFF000  }
0x79: {  	_ =	swait.ge [sflag:s23], $0x1000  }
0x7a: {  	[sflag:s23] =	ssyncset.done $0x0  }
0x7b: {  	[sflag:s23] =	ssyncadd.s32 $0xFFFFF000  }
0x7c: {  	_ =	swait.ge [sflag:s23], $0x1000  }
0x7d: {  	[sflag:s23] =	ssyncset.done $0x0  }
0x7e: {  	[sflag:s23] =	ssyncadd.s32 $0xFFFFF000  }
0x7f: {  	_ =	swait.ge [sflag:s23], $0x1000  }
0x80: {  	v27 =	vand.u32 $0x7F, v27;
	[sflag:s23] =	ssyncset.done $0x0  }
0x81: {  	v31 =	vbroadcast v27, $0x0;
	[sflag:s23] =	ssyncadd.s32 $0xFFFFF000  }
0x82: {  	v28 =	vand.u32 $0x7F, v28;
	_ =	swait.ge [sflag:s23], $0x1000  }
0x83: {  	v32 =	vbroadcast v28, $0x0;
	v33 =	vor.u32 v0, v31;
	[sflag:s23] =	ssyncset.done $0x0  }
0x84: {  	v31 =	vor.u32 v1, v31;
	[sflag:s23] =	ssyncadd.s32 $0xFFFFF000  }
0x85: {  	v35 =	vbroadcast v27, $0x1;
	v34 =	vor.u32 v0, v32;
	_ =	swait.ge [sflag:s23], $0x1000  }
0x86: {  	v32 =	vor.u32 v1, v32;
	[sflag:s23] =	ssyncset.done $0x0  }
0x87: {  	v36 =	vbroadcast v28, $0x1;
	v37 =	vor.u32 v2, v35;
	[sflag:s23] =	ssyncadd.s32 $0xFFFFF000  }
0x88: {  	v35 =	vor.u32 v3, v35;
	v33 =	vld.idx.msk [tilespmem:v33+s15+$0x0], $0xffff  }
0x89: {  	v39 =	vbroadcast v27, $0x2;
	v38 =	vor.u32 v2, v36;
	v31 =	vld.idx.msk [tilespmem:v31+s15+$0x0], $0xffff  }
0x8a: {  	v36 =	vor.u32 v3, v36;
	v34 =	vld.idx.msk [tilespmem:v34+s16+$0x0], $0xffff  }
0x8b: {  	v40 =	vbroadcast v28, $0x2;
	v41 =	vor.u32 v4, v39;
	v32 =	vld.idx.msk [tilespmem:v32+s16+$0x0], $0xffff  }
0x8c: {  	v39 =	vor.u32 v5, v39;
	v37 =	vld.idx.msk [tilespmem:v37+s15+$0x0], $0xffff  }
0x8d: {  	v43 =	vbroadcast v27, $0x3;
	v42 =	vor.u32 v4, v40;
	v35 =	vld.idx.msk [tilespmem:v35+s15+$0x0], $0xffff  }
0x8e: {  	v40 =	vor.u32 v5, v40;
	v38 =	vld.idx.msk [tilespmem:v38+s16+$0x0], $0xffff  }
0x8f: {  	v44 =	vbroadcast v28, $0x3;
	v45 =	vor.u32 v6, v43;
	v36 =	vld.idx.msk [tilespmem:v36+s16+$0x0], $0xffff  }
0x90: {  	v43 =	vor.u32 v7, v43;
	(v2sf) =	vpush v30, $0xC;
	v41 =	vld.idx.msk [tilespmem:v41+s15+$0x0], $0xffff  }
0x91: {  	v46 =	vor.u32 v6, v44;
	v39 =	vld.idx.msk [tilespmem:v39+s15+$0x0], $0xffff  }
0x92: {  	v44 =	vor.u32 v7, v44;
	(v2sf) =	vpush v29, $0xC;
	v42 =	vld.idx.msk [tilespmem:v42+s16+$0x0], $0xffff  }
0x93: {  	v40 =	vld.idx.msk [tilespmem:v40+s16+$0x0], $0xffff  }
0x94: {  	(v2sf) =	vpush v30, $0xD;
	v45 =	vld.idx.msk [tilespmem:v45+s15+$0x0], $0xffff  }
0x95: {  	v57 =	vld.idx.msk [tilespmem:v43+s15+$0x0], $0xffff  }
0x96: {  	v58 =	vld.idx.msk [tilespmem:v46+s16+$0x0], $0xffff;
	(v2sf) =	vpush v29, $0xD  }
0x97: {  	v59 =	vld.idx.msk [tilespmem:v44+s16+$0x0], $0xffff;
	v33 =	vmul.f32 v34, v33;
	v31 =	vmul.f32 v32, v31  }
0x98: {  	(v2sf) =	vpush v30, $0xE;
	v37 =	vmul.f32 v38, v37;
	v35 =	vmul.f32 v36, v35  }
0x99: {  	v60 =	vmul.f32 v42, v41;
	v61 =	vmul.f32 v40, v39  }
0x9a: {  	(v2sf) =	vpush v29, $0xE;
	v33 =	vmul.f32 v33, v24;
	v31 =	vmul.f32 v31, v25  }
0x9b: {  	(v2sf) =	vpush v30, $0xF;
	v62 =	vmul.f32 v37, v24;
	v35 =	vmul.f32 v35, v25  }
0x9c: {  	v40 =	vmul.f32 v58, v45;
	v32 =	vmul.f32 v59, v57;
	v31 =	vadd.f32 v31, v33  }
0x9d: {  	v36 =	vmul.f32 v60, v24;
	v63 =	vmul.f32 v61, v25;
	v39 =	vadd.f32 v35, v62  }
0x9e: {  	(v2sf) =	vpush v29, $0xF;
	(xrf2) =	vadd.scan.msk.f32 $0xffff, v31  }
0x9f: {  	v42 =	vmul.f32 v40, v24;
	v43 =	vmul.f32 v32, v25;
	v41 =	vadd.f32 v63, v36;
	(xrf2) =	vadd.scan.msk.f32 $0xffff, v39;
	s30 =	spop (v2sf)  }
0xa0: {  	[tilespmem:s15], [sflag:$0x1] =	stream.strided.gather [hbm4b:s30+s13], $0x1000, s14, s13, $0x38;
	[tilespmem:$0x18800] =	vst v63  }
0xa1: {  	v44 =	vadd.f32 v43, v42;
	(xrf2) =	vadd.scan.msk.f32 $0xffff, v41;
	s31 =	spop (v2sf)  }
0xa2: {  	[tilespmem:s16], [sflag:$0x1] =	stream.strided.gather [hbm4b:s31+s13], $0x1000, s14, s13, $0x38;
	[tilespmem:$0x18800] =	vst v63  }
0xa3: {  	(xrf2) =	vadd.scan.msk.f32 $0xffff, v44;
	s30 =	spop (v2sf)  }
0xa4: {  	[tilespmem:s17], [sflag:$0x1] =	stream.strided.gather [hbm4b:s30+s13], $0x1000, s14, s13, $0x38;
	[tilespmem:$0x18800] =	vst v63  }
0xa5: {  	s31 =	spop (v2sf)  }
0xa6: {  	[tilespmem:s18], [sflag:$0x1] =	stream.strided.gather [hbm4b:s31+s13], $0x1000, s14, s13, $0x38;
	[tilespmem:$0x18800] =	vst v63  }
0xa7: {  	s30 =	spop (v2sf)  }
0xa8: {  	[tilespmem:s19], [sflag:$0x1] =	stream.strided.gather [hbm4b:s30+s13], $0x1000, s14, s13, $0x38;
	[tilespmem:$0x18800] =	vst v63  }
0xa9: {  	s31 =	spop (v2sf)  }
0xaa: {  	[tilespmem:s20], [sflag:$0x1] =	stream.strided.gather [hbm4b:s31+s13], $0x1000, s14, s13, $0x38;
	[tilespmem:$0x18800] =	vst v63  }
0xab: {  	v32, _, _ =	vpop (xrf2);
	s30 =	spop (v2sf)  }
0xac: {  	v31, _, _ =	vpop (xrf2);
	[tilespmem:s21], [sflag:$0x1] =	stream.strided.gather [hbm4b:s30+s13], $0x1000, s14, s13, $0x38;
	[tilespmem:$0x18800] =	vst v63  }
0xad: {  	v30, _, _ =	vpop (xrf2);
	s31 =	spop (v2sf)  }
0xae: {  	v29, _, _ =	vpop (xrf2);
	[tilespmem:s22], [sflag:$0x1] =	stream.strided.gather [hbm4b:s31+s13], $0x1000, s14, s13, $0x38;
	[tilespmem:$0x18800] =	vst v63  }
0xaf: {  	_ =	swait.ge [sflag:s23], $0x1000  }
0xb0: {  	[sflag:s23] =	ssyncset.done $0x0  }
0xb1: {  	[sflag:s23] =	ssyncadd.s32 $0xFFFFF000  }
0xb2: {  	_ =	swait.ge [sflag:s23], $0x1000  }
0xb3: {  	[sflag:s23] =	ssyncset.done $0x0  }
0xb4: {  	[sflag:s23] =	ssyncadd.s32 $0xFFFFF000  }
0xb5: {  	_ =	swait.ge [sflag:s23], $0x1000  }
0xb6: {  	[sflag:s23] =	ssyncset.done $0x0  }
0xb7: {  	[sflag:s23] =	ssyncadd.s32 $0xFFFFF000  }
0xb8: {  	_ =	swait.ge [sflag:s23], $0x1000  }
0xb9: {  	[sflag:s23] =	ssyncset.done $0x0  }
0xba: {  	[sflag:s23] =	ssyncadd.s32 $0xFFFFF000  }
0xbb: {  	_ =	swait.ge [sflag:s23], $0x1000  }
0xbc: {  	[sflag:s23] =	ssyncset.done $0x0  }
0xbd: {  	[sflag:s23] =	ssyncadd.s32 $0xFFFFF000  }
0xbe: {  	_ =	swait.ge [sflag:s23], $0x1000  }
0xbf: {  	[sflag:s23] =	ssyncset.done $0x0  }
0xc0: {  	v45 =	vbroadcast v27, $0x4;
	[sflag:s23] =	ssyncadd.s32 $0xFFFFF000  }
0xc1: {  	_ =	swait.ge [sflag:s23], $0x1000  }
0xc2: {  	v46 =	vbroadcast v28, $0x4;
	v47 =	vor.u32 v8, v45;
	[sflag:s23] =	ssyncset.done $0x0  }
0xc3: {  	v33 =	vor.u32 v9, v45;
	[sflag:s23] =	ssyncadd.s32 $0xFFFFF000  }
0xc4: {  	v49 =	vbroadcast v27, $0x5;
	v48 =	vor.u32 v8, v46;
	_ =	swait.ge [sflag:s23], $0x1000  }
0xc5: {  	v34 =	vor.u32 v9, v46;
	[sflag:s23] =	ssyncset.done $0x0  }
0xc6: {  	v50 =	vbroadcast v28, $0x5;
	v51 =	vor.u32 v10, v49;
	[sflag:s23] =	ssyncadd.s32 $0xFFFFF000  }
0xc7: {  	v37 =	vor.u32 v11, v49;
	v35 =	vld.idx.msk [tilespmem:v47+s15+$0x0], $0xffff  }
0xc8: {  	v53 =	vbroadcast v27, $0x6;
	v52 =	vor.u32 v10, v50;
	v33 =	vld.idx.msk [tilespmem:v33+s15+$0x0], $0xffff  }
0xc9: {  	v38 =	vor.u32 v11, v50;
	v36 =	vld.idx.msk [tilespmem:v48+s16+$0x0], $0xffff  }
0xca: {  	v54 =	vbroadcast v28, $0x6;
	v55 =	vor.u32 v12, v53;
	v34 =	vld.idx.msk [tilespmem:v34+s16+$0x0], $0xffff  }
0xcb: {  	v41 =	vor.u32 v13, v53;
	v39 =	vld.idx.msk [tilespmem:v51+s15+$0x0], $0xffff  }
0xcc: {  	v56 =	vor.u32 v12, v54;
	v57 =	vbroadcast v27, $0x7;
	v37 =	vld.idx.msk [tilespmem:v37+s15+$0x0], $0xffff  }
0xcd: {  	v58 =	vbroadcast v28, $0x7;
	v42 =	vor.u32 v13, v54;
	v40 =	vld.idx.msk [tilespmem:v52+s16+$0x0], $0xffff  }
0xce: {  	v45 =	vor.u32 v15, v57;
	v38 =	vld.idx.msk [tilespmem:v38+s16+$0x0], $0xffff  }
0xcf: {  	v46 =	vor.u32 v15, v58;
	v43 =	vld.idx.msk [tilespmem:v55+s15+$0x0], $0xffff  }
0xd0: {  	v47 =	vor.u32 v14, v57;
	v41 =	vld.idx.msk [tilespmem:v41+s15+$0x0], $0xffff  }
0xd1: {  	v48 =	vor.u32 v14, v58;
	v44 =	vld.idx.msk [tilespmem:v56+s16+$0x0], $0xffff  }
0xd2: {  	v42 =	vld.idx.msk [tilespmem:v42+s16+$0x0], $0xffff  }
0xd3: {  	v45 =	vld.idx.msk [tilespmem:v45+s15+$0x0], $0xffff  }
0xd4: {  	v59 =	vld.idx.msk [tilespmem:v46+s16+$0x0], $0xffff  }
0xd5: {  	v47 =	vld.idx.msk [tilespmem:v47+s15+$0x0], $0xffff  }
0xd6: {  	v48 =	vld.idx.msk [tilespmem:v48+s16+$0x0], $0xffff;
	v35 =	vmul.f32 v36, v35;
	v33 =	vmul.f32 v34, v33  }
0xd7: {  	v60 =	vmul.f32 v40, v39;
	v37 =	vmul.f32 v38, v37  }
0xd8: {  	v61 =	vmul.f32 v44, v43;
	v62 =	vmul.f32 v42, v41  }
0xd9: {  	v34 =	vmul.f32 v59, v45;
	v35 =	vmul.f32 v35, v24  }
0xda: {  	v33 =	vmul.f32 v33, v25;
	v36 =	vmul.f32 v60, v24  }
0xdb: {  	v37 =	vmul.f32 v37, v25;
	v63 =	vmul.f32 v48, v47  }
0xdc: {  	v43 =	vmul.f32 v61, v24;
	v44 =	vmul.f32 v62, v25;
	v33 =	vadd.f32 v33, v35  }
0xdd: {  	v34 =	vmul.f32 v34, v25;
	v36 =	vadd.f32 v37, v36;
	v45 =	vmul.f32 v63, v24  }
0xde: {  	v46 =	vadd.f32 v44, v43;
	(xrf2) =	vadd.scan.msk.f32 $0xffff, v33  }
0xdf: {  	(xrf2) =	vadd.scan.msk.f32 $0xffff, v36;
	v34 =	vadd.f32 v34, v45  }
0xe0: {  	(xrf2) =	vadd.scan.msk.f32 $0xffff, v46  }
0xe1: {  	(xrf2) =	vadd.scan.msk.f32 $0xffff, v34;
	_ =	sdelay $0x6  }
0xe2: {  	v36, _, _ =	vpop (xrf2)  }
0xe3: {  	v35, _, _ =	vpop (xrf2)  }
0xe4: {  	v34, _, _ =	vpop (xrf2)  }
0xe5: {  	v33, _, _ =	vpop (xrf2)  }
0xe6: {  	_ =	swait.ge [sflag:s23], $0x1000  }
0xe7: {  	[sflag:s23] =	ssyncset.done $0x0  }
0xe8: {  	[sflag:s23] =	ssyncadd.s32 $0xFFFFF000  }
0xe9: {  	_ =	swait.ge [sflag:s23], $0x1000  }
0xea: {  	[sflag:s23] =	ssyncset.done $0x0  }
0xeb: {  	[sflag:s23] =	ssyncadd.s32 $0xFFFFF000  }
0xec: {  	_ =	swait.ge [sflag:s23], $0x1000  }
0xed: {  	[sflag:s23] =	ssyncset.done $0x0  }
0xee: {  	[sflag:s23] =	ssyncadd.s32 $0xFFFFF000  }
0xef: {  	_ =	swait.ge [sflag:s23], $0x1000  }
0xf0: {  	[sflag:s23] =	ssyncset.done $0x0  }
0xf1: {  	[sflag:s23] =	ssyncadd.s32 $0xFFFFF000  }
0xf2: {  	_ =	swait.ge [sflag:s23], $0x1000  }
0xf3: {  	[sflag:s23] =	ssyncset.done $0x0  }
0xf4: {  	[sflag:s23] =	ssyncadd.s32 $0xFFFFF000  }
0xf5: {  	_ =	swait.ge [sflag:s23], $0x1000  }
0xf6: {  	[sflag:s23] =	ssyncset.done $0x0  }
0xf7: {  	v47 =	vbroadcast v27, $0x8;
	[sflag:s23] =	ssyncadd.s32 $0xFFFFF000  }
0xf8: {  	_ =	swait.ge [sflag:s23], $0x1000  }
0xf9: {  	v48 =	vbroadcast v28, $0x8;
	v49 =	vor.u32 v16, v47;
	[sflag:s23] =	ssyncset.done $0x0  }
0xfa: {  	v37 =	vor.u32 v17, v47;
	[sflag:s23] =	ssyncadd.s32 $0xFFFFF000  }
0xfb: {  	v51 =	vbroadcast v27, $0x9;
	v50 =	vor.u32 v16, v48;
	_ =	swait.ge [sflag:s23], $0x1000  }
0xfc: {  	v38 =	vor.u32 v17, v48;
	[sflag:s23] =	ssyncset.done $0x0  }
0xfd: {  	v52 =	vbroadcast v28, $0x9;
	v53 =	vor.u32 v18, v51;
	[sflag:s23] =	ssyncadd.s32 $0xFFFFF000  }
0xfe: {  	v41 =	vor.u32 v19, v51;
	v39 =	vld.idx.msk [tilespmem:v49+s15+$0x0], $0xffff  }
0xff: {  	v55 =	vbroadcast v27, $0xA;
	v54 =	vor.u32 v18, v52;
	v37 =	vld.idx.msk [tilespmem:v37+s15+$0x0], $0xffff  }
0x100: {  	v42 =	vor.u32 v19, v52;
	v40 =	vld.idx.msk [tilespmem:v50+s16+$0x0], $0xffff  }
0x101: {  	v56 =	vbroadcast v28, $0xA;
	v57 =	vor.u32 v20, v55;
	v38 =	vld.idx.msk [tilespmem:v38+s16+$0x0], $0xffff  }
0x102: {  	v45 =	vor.u32 v21, v55;
	v43 =	vld.idx.msk [tilespmem:v53+s15+$0x0], $0xffff  }
0x103: {  	v58 =	vor.u32 v20, v56;
	v41 =	vld.idx.msk [tilespmem:v41+s15+$0x0], $0xffff;
	v49 =	vbroadcast v27, $0xB  }
0x104: {  	v46 =	vor.u32 v21, v56;
	v44 =	vld.idx.msk [tilespmem:v54+s16+$0x0], $0xffff  }
0x105: {  	v42 =	vld.idx.msk [tilespmem:v42+s16+$0x0], $0xffff;
	v50 =	vbroadcast v28, $0xB;
	v51 =	vor.u32 v22, v49  }
0x106: {  	v47 =	vld.idx.msk [tilespmem:v57+s15+$0x0], $0xffff;
	v49 =	vor.u32 v23, v49  }
0x107: {  	v45 =	vld.idx.msk [tilespmem:v45+s15+$0x0], $0xffff;
	v52 =	vor.u32 v22, v50  }
0x108: {  	v48 =	vld.idx.msk [tilespmem:v58+s16+$0x0], $0xffff;
	v50 =	vor.u32 v23, v50  }
0x109: {  	v46 =	vld.idx.msk [tilespmem:v46+s16+$0x0], $0xffff  }
0x10a: {  	v51 =	vld.idx.msk [tilespmem:v51+s15+$0x0], $0xffff  }
0x10b: {  	v49 =	vld.idx.msk [tilespmem:v49+s15+$0x0], $0xffff  }
0x10c: {  	v52 =	vld.idx.msk [tilespmem:v52+s16+$0x0], $0xffff  }
0x10d: {  	v39 =	vmul.f32 v40, v39;
	v37 =	vmul.f32 v38, v37;
	v59 =	vld.idx.msk [tilespmem:v50+s16+$0x0], $0xffff  }
0x10e: {  	v60 =	vmul.f32 v44, v43;
	v41 =	vmul.f32 v42, v41  }
0x10f: {  	v61 =	vmul.f32 v48, v47;
	v62 =	vmul.f32 v46, v45  }
0x110: {  	v39 =	vmul.f32 v39, v24;
	v37 =	vmul.f32 v37, v25  }
0x111: {  	v40 =	vmul.f32 v60, v24;
	v41 =	vmul.f32 v41, v25  }
0x112: {  	v63 =	vmul.f32 v52, v51;
	v38 =	vmul.f32 v59, v49  }
0x113: {  	v48 =	vmul.f32 v61, v24;
	v37 =	vadd.f32 v37, v39;
	v49 =	vmul.f32 v62, v25  }
0x114: {  	v40 =	vadd.f32 v41, v40;
	v50 =	vmul.f32 v63, v24;
	v38 =	vmul.f32 v38, v25  }
0x115: {  	(xrf2) =	vadd.scan.msk.f32 $0xffff, v37;
	v51 =	vadd.f32 v49, v48  }
0x116: {  	(xrf2) =	vadd.scan.msk.f32 $0xffff, v40;
	v38 =	vadd.f32 v38, v50  }
0x117: {  	(xrf2) =	vadd.scan.msk.f32 $0xffff, v51  }
0x118: {  	(xrf2) =	vadd.scan.msk.f32 $0xffff, v38;
	_ =	sdelay $0x6  }
0x119: {  	v37, _, _ =	vpop (xrf2)  }
0x11a: {  	v38, _, _ =	vpop (xrf2)  }
0x11b: {  	v39, _, _ =	vpop (xrf2)  }
0x11c: {  	v40, _, _ =	vpop (xrf2)  }
0x11d: {  	_ =	swait.ge [sflag:s23], $0x1000  }
0x11e: {  	[sflag:s23] =	ssyncset.done $0x0  }
0x11f: {  	[sflag:s23] =	ssyncadd.s32 $0xFFFFF000  }
0x120: {  	_ =	swait.ge [sflag:s23], $0x1000  }
0x121: {  	[sflag:s23] =	ssyncset.done $0x0  }
0x122: {  	[sflag:s23] =	ssyncadd.s32 $0xFFFFF000  }
0x123: {  	_ =	swait.ge [sflag:s23], $0x1000  }
0x124: {  	[sflag:s23] =	ssyncset.done $0x0  }
0x125: {  	[sflag:s23] =	ssyncadd.s32 $0xFFFFF000  }
0x126: {  	_ =	swait.ge [sflag:s23], $0x1000  }
0x127: {  	[sflag:s23] =	ssyncset.done $0x0  }
0x128: {  	[sflag:s23] =	ssyncadd.s32 $0xFFFFF000  }
0x129: {  	_ =	swait.ge [sflag:s23], $0x1000  }
0x12a: {  	[sflag:s23] =	ssyncset.done $0x0  }
0x12b: {  	[sflag:s23] =	ssyncadd.s32 $0xFFFFF000  }
0x12c: {  	_ =	swait.ge [sflag:s23], $0x1000  }
0x12d: {  	[sflag:s23] =	ssyncset.done $0x0  }
0x12e: {  	v52 =	vbroadcast v27, $0xC;
	[sflag:s23] =	ssyncadd.s32 $0xFFFFF000  }
0x12f: {  	_ =	swait.ge [sflag:s23], $0x1000  }
0x130: {  	v53 =	vbroadcast v28, $0xC;
	v54 =	vor.u32 v0, v52;
	[sflag:s23] =	ssyncset.done $0x0  }
0x131: {  	v41 =	vor.u32 v1, v52;
	[sflag:s23] =	ssyncadd.s32 $0xFFFFF000  }
0x132: {  	v56 =	vbroadcast v27, $0xD;
	v55 =	vor.u32 v0, v53;
	_ =	swait.ge [sflag:s23], $0x1000  }
0x133: {  	v42 =	vor.u32 v1, v53;
	[sflag:s23] =	ssyncset.done $0x0  }
0x134: {  	v57 =	vbroadcast v28, $0xD;
	v58 =	vor.u32 v2, v56;
	[sflag:s23] =	ssyncadd.s32 $0xFFFFF000  }
0x135: {  	v45 =	vor.u32 v3, v56;
	v43 =	vld.idx.msk [tilespmem:v54+s15+$0x0], $0xffff  }
0x136: {  	v60 =	vbroadcast v27, $0xE;
	v59 =	vor.u32 v2, v57;
	v41 =	vld.idx.msk [tilespmem:v41+s15+$0x0], $0xffff  }
0x137: {  	v46 =	vor.u32 v3, v57;
	v44 =	vld.idx.msk [tilespmem:v55+s16+$0x0], $0xffff  }
0x138: {  	v61 =	vbroadcast v28, $0xE;
	v62 =	vor.u32 v4, v60;
	v42 =	vld.idx.msk [tilespmem:v42+s16+$0x0], $0xffff  }
0x139: {  	v49 =	vor.u32 v5, v60;
	v47 =	vld.idx.msk [tilespmem:v58+s15+$0x0], $0xffff  }
0x13a: {  	v63 =	vor.u32 v4, v61;
	v45 =	vld.idx.msk [tilespmem:v45+s15+$0x0], $0xffff  }
0x13b: {  	v27 =	vbroadcast v27, $0xF;
	v50 =	vor.u32 v5, v61;
	v48 =	vld.idx.msk [tilespmem:v59+s16+$0x0], $0xffff  }
0x13c: {  	v46 =	vld.idx.msk [tilespmem:v46+s16+$0x0], $0xffff  }
0x13d: {  	v28 =	vbroadcast v28, $0xF;
	v53 =	vor.u32 v6, v27;
	v51 =	vld.idx.msk [tilespmem:v62+s15+$0x0], $0xffff  }
0x13e: {  	v27 =	vor.u32 v7, v27;
	v49 =	vld.idx.msk [tilespmem:v49+s15+$0x0], $0xffff  }
0x13f: {  	v32 =	vbroadcast v32, $0xF;
	v54 =	vor.u32 v6, v28;
	v52 =	vld.idx.msk [tilespmem:v63+s16+$0x0], $0xffff  }
0x140: {  	v31 =	vbroadcast v31, $0xF;
	v28 =	vor.u32 v7, v28;
	v55 =	vld.idx.msk [tilespmem:v50+s16+$0x0], $0xffff  }
0x141: {  	v32 =	vadd.f32 v32, v26  }
0x142: {  	v30 =	vbroadcast v30, $0xF;
	v31 =	vadd.f32 v31, v26;
	v29 =	vbroadcast v29, $0xF;
	v57 =	vld.idx.msk [tilespmem:v53+s15+$0x0], $0xffff  }
0x143: {  	v32 =	vsel vm0, v32, v26;
	v27 =	vld.idx.msk [tilespmem:v27+s15+$0x0], $0xffff;
	v43 =	vmul.f32 v44, v43;
	v41 =	vmul.f32 v42, v41  }
0x144: {  	v31 =	vsel vm1, v32, v31;
	v56 =	vmul.f32 v48, v47;
	v45 =	vmul.f32 v46, v45;
	v58 =	vld.idx.msk [tilespmem:v54+s16+$0x0], $0xffff  }
0x145: {  	v30 =	vadd.f32 v30, v32;
	v28 =	vld.idx.msk [tilespmem:v28+s16+$0x0], $0xffff;
	v61 =	vmul.f32 v52, v51;
	v62 =	vmul.f32 v55, v49  }
0x146: {  	v29 =	vadd.f32 v29, v31;
	v43 =	vmul.f32 v43, v24;
	v41 =	vmul.f32 v41, v25  }
0x147: {  	v30 =	vsel vm2, v31, v30;
	v42 =	vmul.f32 v56, v24;
	v45 =	vmul.f32 v45, v25  }
0x148: {  	v36 =	vbroadcast v36, $0xF;
	v47 =	vbroadcast v35, $0xF;
	v59 =	vadd.f32 v41, v43  }
0x149: {  	v60 =	vadd.f32 v45, v42;
	v42 =	vmul.f32 v61, v24;
	v43 =	vmul.f32 v62, v25  }
0x14a: {  	v29 =	vsel vm3, v30, v29;
	v63 =	vmul.f32 v58, v57;
	v27 =	vmul.f32 v28, v27;
	(xrf2) =	vadd.scan.msk.f32 $0xffff, v59  }
0x14b: {  	v50 =	vbroadcast v34, $0xF;
	v48 =	vadd.f32 v36, v31;
	v49 =	vadd.f32 v43, v42;
	(xrf2) =	vadd.scan.msk.f32 $0xffff, v60  }
0x14c: {  	v28 =	vadd.f32 v47, v29;
	v51 =	vmul.f32 v63, v24;
	v27 =	vmul.f32 v27, v25  }
0x14d: {  	v52 =	vbroadcast v33, $0xF;
	v29 =	vsel vm4, v29, v48;
	(xrf2) =	vadd.scan.msk.f32 $0xffff, v49  }
0x14e: {  	v28 =	vsel vm5, v29, v28;
	v29 =	vadd.f32 v50, v29;
	v27 =	vadd.f32 v27, v51  }
0x14f: {  	v53 =	vbroadcast v37, $0xF;
	v30 =	vadd.f32 v52, v28  }
0x150: {  	v54 =	vbroadcast v38, $0xF;
	v29 =	vsel vm6, v28, v29;
	(xrf2) =	vadd.scan.msk.f32 $0xffff, v27  }
0x151: {  	v28 =	vadd.f32 v53, v28;
	v27 =	vsel vm7, v29, v30  }
0x152: {  	v55 =	vbroadcast v39, $0xF;
	v29 =	vadd.f32 v54, v27  }
0x153: {  	v56 =	vbroadcast v40, $0xF;
	v27 =	vsel vm8, v27, v28  }
0x154: {  	v29 =	vsel vm9, v27, v29;
	v27 =	vadd.f32 v55, v27;
	v57, _, _ =	vpop (xrf2)  }
0x155: {  	v28 =	vadd.f32 v56, v29;
	v58, _, _ =	vpop (xrf2);
	v31 =	vbroadcast v57, $0xF  }
0x156: {  	v27 =	vsel vm10, v29, v27;
	v30 =	vbroadcast v58, $0xF  }
0x157: {  	v27 =	vsel vm11, v27, v28;
	v59, _, _ =	vpop (xrf2);
	v60 =	vadd.f32 v31, v29  }
0x158: {  	v62 =	vbroadcast v59, $0xF;
	v61 =	vadd.f32 v30, v27  }
0x159: {  	p0 =	sne.s32 s26, $0x7C0;
	v27 =	vsel vm12, v27, v60  }
.Ltmp0:
0x15a: {  	v63, _, _ =	vpop (xrf2);
	v28 =	vsel vm13, v27, v61;
	v27 =	vadd.f32 v62, v27;
	(pc) =	sbr.rel @p0 .LBB2_2-.Ltmp0, $4  }
0x15b: {  	v29 =	vadd.f32 v63, v28  }
0x15c: {  	v27 =	vsel vm14, v28, v27  }
0x15d: {  	v27 =	vsel vm15, v27, v29  }
0x15e: {  	s26 =	sadd.s32 $0x40, s26;
	[tilespmem:s28+$0x18500] =	vst v27  }
0x15f: {  	s25 =	sadd.s32 $0x1, s25  }
0x160: {  	p0 =	sne.s32 s25, s8  }
.Ltmp1:
0x161: {  	_ = 	snop;
	(pc) =	sbr.rel @p0 .LBB2_1-.Ltmp1, $4  }
0x162: {  	[hbm4b:s7+s3] =	stream.linear.scatter [tilespmem:s24], [sflag:$0x2], $0x200, $0x38;
	[tilespmem:$0x18800] =	vst v63  }
0x163: {  	_ =	swait.ge [sflag:s10], $0x200  }
0x164: {  	[sflag:s10] =	ssyncset.done $0x0  }
0x165: {  	[sflag:s10] =	ssyncadd.s32 $0xFFFFFE00  }
0x166: {  	_ =	sfence.sel $0x180000  }
0x167: {  	[bflag:$0x0] =	sbarrier.arrive $0xFFFF  }
0x168: {  	p0 =	sne.s32 s2, $0x0;
	_ =	strace $0x90000047  }
0x169: {  	s0 =	sadd.s32 @!p0 $0x100000, s0;
	[bflag:$0x2] =	sbarrier.arrive $0xFFFF  }
0x16a: {  	[sflag:s0] =	ssyncadd.tile.s32 @!p0 $0x1;
	_ =	shalt  }
.Lfunc_end2:
_tile_overlayer_lowered:
.L_overlay_start_2:
0x16b: {  	(tag) =	ssettag $0x2  }
0x16c: {  	s0 =	rddreg [dreg:$0x0];
	s2 =	stileid.u32  }
0x16d: {  	s1 =	rddreg [dreg:$0x1];
	p0 =	sne.s32 s2, $0x0  }
0x16e: {  	s3 =	rddreg [dreg:$0x2];
	[bflag:$0x3] =	sbarrier.arrive $0xFFFF;
	s2 =	simm.s32 @!p0 $0x1C02  }
0x16f: {  	[timem:s3], [sflag:s2] =	dma.local @!p0 [hbm:s0], s1  }
0x170: {  	s0 =	simm.s32 @!p0 $0x2  }
0x171: {  	_ =	swait.ge @!p0 [sflag:s0], s1  }
0x172: {  	s1 =	ssub.s32 @!p0 $0x0, s1;
	[sflag:s0] =	ssyncset.done @!p0 $0x0  }
0x173: {  	[sflag:s0] =	ssyncadd.s32 @!p0 s1  }
0x174: {  	[bflag:$0x3] =	sbarrier.arrive $0xFFFF  }
0x175: {  	_ =	shalt  }

</sc_bundles>
